<compile_context>
chip_gen: v7x
topology: tpu7x:2x2x1
jax: 0.10.2.dev20260603
libtpu: 0.0.44.dev20260713+nightly
codegen_flags: <defaults>
</compile_context>

<pallas_src>
import functools

import jax
import jax.numpy as jnp
from jax import lax
from jax.experimental import pallas as pl
from jax.experimental.pallas import tpu as pltpu
from jax.experimental.pallas import tpu_sc as plsc

_N = 5000
_NP = 5120
_NBLK = _NP // 16
_K = 100
_KMAX = 128
_OUTW = 5
_OUTN = 512
_SCORE_THRESH = 0.05
_NMS_THRESH = 0.5


def _sc_body(x1h, y1h, x2h, y2h, sh, ordh, outh,
             x1v, y1v, x2v, y2v, sv, ordv, keep_all,
             kx1, ky1, kx2, ky2, kar, outv, sem):
    cid = lax.axis_index("c")
    sid = lax.axis_index("s")

    @pl.when(jnp.logical_and(cid == 0, sid == 0))
    def _():
        iota16 = lax.iota(jnp.int32, 16)
        zero16 = jnp.zeros((16,), jnp.int32)
        zerof = jnp.zeros((16,), jnp.float32)

        cps = [pltpu.async_copy(x1h, x1v, sem),
               pltpu.async_copy(y1h, y1v, sem),
               pltpu.async_copy(x2h, x2v, sem),
               pltpu.async_copy(y2h, y2v, sem),
               pltpu.async_copy(sh, sv, sem),
               pltpu.async_copy(ordh, ordv, sem)]

        for v in range(_KMAX // 16):
            kx1[pl.ds(v * 16, 16)] = zerof
            ky1[pl.ds(v * 16, 16)] = zerof
            kx2[pl.ds(v * 16, 16)] = zerof
            ky2[pl.ds(v * 16, 16)] = zerof
            kar[pl.ds(v * 16, 16)] = zerof
        for v in range(_OUTN // 16):
            outv[pl.ds(v * 16, 16)] = zerof

        for c in cps:
            c.wait()

        def gather_box(perm):
            bx1 = plsc.load_gather(x1v, [perm])
            by1 = plsc.load_gather(y1v, [perm])
            bx2 = plsc.load_gather(x2v, [perm])
            by2 = plsc.load_gather(y2v, [perm])
            return bx1, by1, bx2, by2

        def cond(carry):
            b, cnt = carry
            return jnp.logical_and(b < _NBLK, cnt < _K)

        def body(carry):
            b, cnt = carry
            gb = b * 16
            perm = plsc.load_gather(ordv, [gb + iota16])
            bx1, by1, bx2, by2 = gather_box(perm)
            sb = plsc.load_gather(sv, [perm])
            barea = (jnp.maximum(bx2 - bx1, 0.0)
                     * jnp.maximum(by2 - by1, 0.0))
            kv0 = jnp.where((sb > _SCORE_THRESH) & (gb + iota16 < _N),
                            1.0, 0.0)

            def resolve4(g, kv):
                for u in range(4):
                    jj = zero16 + (g * 4 + u)
                    xj1 = plsc.load_gather(kx1, [jj])
                    yj1 = plsc.load_gather(ky1, [jj])
                    xj2 = plsc.load_gather(kx2, [jj])
                    yj2 = plsc.load_gather(ky2, [jj])
                    aj = plsc.load_gather(kar, [jj])
                    w = jnp.maximum(jnp.minimum(xj2, bx2)
                                    - jnp.maximum(xj1, bx1), 0.0)
                    h = jnp.maximum(jnp.minimum(yj2, by2)
                                    - jnp.maximum(yj1, by1), 0.0)
                    inter = w * h
                    union = aj + barea - inter
                    iou = inter / jnp.maximum(union, 1e-9)
                    sup = jnp.where(iou > _NMS_THRESH, 1.0, 0.0)
                    kv = kv * (1.0 - sup)
                return kv

            kv = lax.fori_loop(0, (cnt + 3) // 4, resolve4, kv0)

            for i in range(16):
                ii = zero16 + i
                ki = kv.at[ii].get(mode="promise_in_bounds")
                xi1 = bx1.at[ii].get(mode="promise_in_bounds")
                yi1 = by1.at[ii].get(mode="promise_in_bounds")
                xi2 = bx2.at[ii].get(mode="promise_in_bounds")
                yi2 = by2.at[ii].get(mode="promise_in_bounds")
                ai = (jnp.maximum(xi2 - xi1, 0.0)
                      * jnp.maximum(yi2 - yi1, 0.0))
                w = jnp.maximum(jnp.minimum(xi2, bx2)
                                - jnp.maximum(xi1, bx1), 0.0)
                h = jnp.maximum(jnp.minimum(yi2, by2)
                                - jnp.maximum(yi1, by1), 0.0)
                inter = w * h
                union = ai + barea - inter
                iou = inter / jnp.maximum(union, 1e-9)
                sup = jnp.where((iou > _NMS_THRESH) & (iota16 > i),
                                ki, 0.0)
                kv = kv * (1.0 - sup)

            plsc.store_scatter(keep_all, [gb + iota16], kv)
            kmask = kv > 0.0
            cum = plsc.cumsum(kv)
            slots = jnp.where(
                kmask, cnt.astype(jnp.float32) + cum - 1.0, 0.0
            ).astype(jnp.int32)
            plsc.store_scatter(kx1, [slots], bx1, mask=kmask)
            plsc.store_scatter(ky1, [slots], by1, mask=kmask)
            plsc.store_scatter(kx2, [slots], bx2, mask=kmask)
            plsc.store_scatter(ky2, [slots], by2, mask=kmask)
            plsc.store_scatter(kar, [slots], barea, mask=kmask)
            nb = jnp.sum(kv).astype(jnp.int32)
            return (b + 1, cnt + nb)

        b_fin, cnt_fin = lax.while_loop(
            cond, body, (jnp.int32(0), jnp.int32(0)))

        pad_base = cnt_fin.astype(jnp.float32)

        def selblk(bb, carry):
            kc, nc = carry
            idx = bb * 16 + iota16
            m = plsc.load_gather(keep_all, [idx])
            perm = plsc.load_gather(ordv, [idx])
            x1b, y1b, x2b, y2b = gather_box(perm)
            sb = plsc.load_gather(sv, [perm])
            kmask = m > 0.0
            kf = jnp.where(kmask, 1.0, 0.0)
            cum = plsc.cumsum(kf)
            slots_f = kc + cum - 1.0
            wm = kmask & (slots_f < jnp.float32(_K))
            slots = jnp.where(wm, slots_f, 0.0).astype(jnp.int32) * _OUTW
            plsc.store_scatter(outv, [slots + 0], x1b, mask=wm)
            plsc.store_scatter(outv, [slots + 1], y1b, mask=wm)
            plsc.store_scatter(outv, [slots + 2], x2b, mask=wm)
            plsc.store_scatter(outv, [slots + 3], y2b, mask=wm)
            plsc.store_scatter(outv, [slots + 4], sb, mask=wm)
            nkf = jnp.where((~kmask) & (idx < _N), 1.0, 0.0)
            ncum = plsc.cumsum(nkf)
            nslots_f = pad_base + nc + ncum - 1.0
            nwm = (nkf > 0.0) & (nslots_f < jnp.float32(_K))
            nslots = (jnp.where(nwm, nslots_f, 0.0).astype(jnp.int32)
                      * _OUTW)
            plsc.store_scatter(outv, [nslots + 0], x1b, mask=nwm)
            plsc.store_scatter(outv, [nslots + 1], y1b, mask=nwm)
            plsc.store_scatter(outv, [nslots + 2], x2b, mask=nwm)
            plsc.store_scatter(outv, [nslots + 3], y2b, mask=nwm)
            return (kc + jnp.sum(kf), nc + jnp.sum(nkf))

        lax.fori_loop(0, b_fin, selblk, (jnp.float32(0.0),
                                         jnp.float32(0.0)))
        pltpu.sync_copy(outv, outh)


_mesh = plsc.VectorSubcoreMesh(core_axis_name="c", subcore_axis_name="s")

_sc_call = functools.partial(
    pl.kernel,
    mesh=_mesh,
    out_type=jax.ShapeDtypeStruct((_OUTN,), jnp.float32),
    compiler_params=pltpu.CompilerParams(needs_layout_passes=False),
    scratch_types=[
        pltpu.VMEM((_NP,), jnp.float32),
        pltpu.VMEM((_NP,), jnp.float32),
        pltpu.VMEM((_NP,), jnp.float32),
        pltpu.VMEM((_NP,), jnp.float32),
        pltpu.VMEM((_NP,), jnp.float32),
        pltpu.VMEM((_NP,), jnp.int32),
        pltpu.VMEM((_NP,), jnp.float32),
        pltpu.VMEM((_KMAX,), jnp.float32),
        pltpu.VMEM((_KMAX,), jnp.float32),
        pltpu.VMEM((_KMAX,), jnp.float32),
        pltpu.VMEM((_KMAX,), jnp.float32),
        pltpu.VMEM((_KMAX,), jnp.float32),
        pltpu.VMEM((_OUTN,), jnp.float32),
        pltpu.SemaphoreType.DMA,
    ],
)(_sc_body)


def kernel(boxes, scores):
    order = jnp.argsort(-scores)
    order_p = jnp.concatenate(
        [order, jnp.arange(_N, _NP, dtype=order.dtype)]).astype(jnp.int32)
    bp = jnp.pad(boxes, ((0, _NP - _N), (0, 0)))
    sp = jnp.pad(scores, (0, _NP - _N))
    out = _sc_call(bp[:, 0], bp[:, 1], bp[:, 2], bp[:, 3], sp, order_p)
    return out[:_K * _OUTW].reshape(_K, _OUTW)

# --- scband reference (transcript-rebuilt; emitter-appended) ---
"""Pipeline reference for scband-standard-roiheads-50500225466900 (READ-ONLY COPY).

The authoritative reference and input builder live on the scoring server;
editing this copy changes nothing except your own understanding.
"""

import jax, jax.numpy as jnp
import numpy as np

N = 5000
SCORE_THRESH = 0.05
NMS_THRESH = 0.5
DETS_PER_IMG = 100


def setup_inputs(seed: int = 0) -> dict:
    key = jax.random.key(seed)
    k1, k2, k3, k4 = jax.random.split(key, 4)
    # realistic xyxy boxes on an ~800x800 image
    cx = jax.random.uniform(k1, (N,), dtype=jnp.float32) * 800.0
    cy = jax.random.uniform(k2, (N,), dtype=jnp.float32) * 800.0
    wh = 10.0 + jax.random.uniform(k3, (N, 2), dtype=jnp.float32) * 190.0
    x1 = jnp.clip(cx - wh[:, 0] / 2.0, 0.0, 800.0)
    y1 = jnp.clip(cy - wh[:, 1] / 2.0, 0.0, 800.0)
    x2 = jnp.clip(cx + wh[:, 0] / 2.0, 0.0, 800.0)
    y2 = jnp.clip(cy + wh[:, 1] / 2.0, 0.0, 800.0)
    boxes = jnp.stack([x1, y1, x2, y2], axis=1)
    scores = jax.random.uniform(k4, (N,), dtype=jnp.float32)
    return {"boxes": boxes, "scores": scores}


def _iou_matrix(boxes):
    # boxes: [N, 4] xyxy
    areas = jnp.maximum(boxes[:, 2] - boxes[:, 0], 0.0) * jnp.maximum(boxes[:, 3] - boxes[:, 1], 0.0)
    lt = jnp.maximum(boxes[:, None, :2], boxes[None, :, :2])
    rb = jnp.minimum(boxes[:, None, 2:], boxes[None, :, 2:])
    wh = jnp.clip(rb - lt, 0.0)
    inter = wh[..., 0] * wh[..., 1]
    union = areas[:, None] + areas[None, :] - inter
    return inter / jnp.maximum(union, 1e-9)


def _greedy_nms_keep(iou, valid, thresh):
    # sequential greedy NMS over score-sorted boxes.
    n = iou.shape[0]
    idx = jnp.arange(n)
    keep0 = valid

    def body(i, keep):
        ki = keep[i]
        suppress = (iou[i, :] > thresh) & (idx > i) & ki
        return keep & jnp.logical_not(suppress)

    return jax.lax.fori_loop(0, n, body, keep0)


def reference(boxes, scores):
    # Inference path of StandardROIHeads box branch post-processing:
    # score threshold -> sort by score -> greedy NMS -> top `detections_per_img`.
    order = jnp.argsort(-scores)
    b = jnp.take(boxes, order, axis=0)
    s = jnp.take(scores, order, axis=0)
    valid = s > SCORE_THRESH
    iou = _iou_matrix(b)
    keep = jax.lax.stop_gradient(_greedy_nms_keep(iou, valid, NMS_THRESH))
    final_scores = s * keep.astype(s.dtype)
    top_scores, top_idx = jax.lax.top_k(final_scores, DETS_PER_IMG)
    det_boxes = jnp.take(b, top_idx, axis=0)
    out = jnp.concatenate([det_boxes, top_scores[:, None]], axis=-1)  # [100, 5]
    return out

if __name__ == "__main__":
    import jax
    _d = setup_inputs()
    print(jax.jit(kernel)(*tuple(_d.values())))

</pallas_src>

<mosaic_0001>
#map = affine_map<(d0, d1) -> (0)>
module attributes {stable_mosaic.version = 14 : i64} {
  func.func @_sc_body(%arg0: i32, %arg1: i32, %arg2: memref<5120xf32, #tpu.memory_space<hbm>>, %arg3: memref<5120xf32, #tpu.memory_space<hbm>>, %arg4: memref<5120xf32, #tpu.memory_space<hbm>>, %arg5: memref<5120xf32, #tpu.memory_space<hbm>>, %arg6: memref<5120xf32, #tpu.memory_space<hbm>>, %arg7: memref<5120xi32, #tpu.memory_space<hbm>>, %arg8: memref<512xf32, #tpu.memory_space<hbm>>, %arg9: memref<5120xf32, #tpu.memory_space<vmem>>, %arg10: memref<5120xf32, #tpu.memory_space<vmem>>, %arg11: memref<5120xf32, #tpu.memory_space<vmem>>, %arg12: memref<5120xf32, #tpu.memory_space<vmem>>, %arg13: memref<5120xf32, #tpu.memory_space<vmem>>, %arg14: memref<5120xi32, #tpu.memory_space<vmem>>, %arg15: memref<5120xf32, #tpu.memory_space<vmem>>, %arg16: memref<128xf32, #tpu.memory_space<vmem>>, %arg17: memref<128xf32, #tpu.memory_space<vmem>>, %arg18: memref<128xf32, #tpu.memory_space<vmem>>, %arg19: memref<128xf32, #tpu.memory_space<vmem>>, %arg20: memref<128xf32, #tpu.memory_space<vmem>>, %arg21: memref<512xf32, #tpu.memory_space<vmem>>, %arg22: memref<!tpu.dma_semaphore, #tpu.memory_space<semaphore_mem>>) attributes {dimension_semantics = [#tpu.dimension_semantics<core_parallel>, #tpu.dimension_semantics<subcore_parallel>], iteration_bounds = array<i64: 2, 16>, scalar_prefetch = 0 : i64, scratch_operands = 14 : i64, tpu.core_type = #tpu.core_type<sc_vector_subcore>, window_params = [{transform_indices = #map}, {transform_indices = #map}, {transform_indices = #map}, {transform_indices = #map}, {transform_indices = #map}, {transform_indices = #map}, {transform_indices = #map}]} {
    %eq3A = arith.constant 0 : i32
    %eq3A_0 = arith.cmpi eq, %arg0, %eq3A : i32
    %eq3A_1 = arith.constant 0 : i32
    %eq3A_2 = arith.cmpi eq, %arg1, %eq3A_1 : i32
    %and3A = arith.andi %eq3A_0, %eq3A_2 : i1
    %convert_element_type3A = arith.extui %and3A : i1 to i32
    %cond3A = arith.constant 0 : i32
    %cond3A_3 = arith.cmpi ne, %convert_element_type3A, %cond3A : i32
    scf.if %cond3A_3 {
      %iota3A = tpu.iota {dimensions = array<i32: 0>} : vector<16xi32>
      %broadcast_in_dim3A = arith.constant 0 : i32
      %broadcast_in_dim3A_4 = vector.broadcast %broadcast_in_dim3A : i32 to vector<16xi32>
      %broadcast_in_dim3A_5 = arith.constant 0.000000e+00 : f32
      %broadcast_in_dim3A_6 = vector.broadcast %broadcast_in_dim3A_5 : f32 to vector<16xf32>
      tpu.enqueue_dma source(%arg2 : memref<5120xf32, #tpu.memory_space<hbm>>) target(%arg9 : memref<5120xf32, #tpu.memory_space<vmem>>) target_semaphore(%arg22 : memref<!tpu.dma_semaphore, #tpu.memory_space<semaphore_mem>>)
      tpu.enqueue_dma source(%arg3 : memref<5120xf32, #tpu.memory_space<hbm>>) target(%arg10 : memref<5120xf32, #tpu.memory_space<vmem>>) target_semaphore(%arg22 : memref<!tpu.dma_semaphore, #tpu.memory_space<semaphore_mem>>)
      tpu.enqueue_dma source(%arg4 : memref<5120xf32, #tpu.memory_space<hbm>>) target(%arg11 : memref<5120xf32, #tpu.memory_space<vmem>>) target_semaphore(%arg22 : memref<!tpu.dma_semaphore, #tpu.memory_space<semaphore_mem>>)
      tpu.enqueue_dma source(%arg5 : memref<5120xf32, #tpu.memory_space<hbm>>) target(%arg12 : memref<5120xf32, #tpu.memory_space<vmem>>) target_semaphore(%arg22 : memref<!tpu.dma_semaphore, #tpu.memory_space<semaphore_mem>>)
      tpu.enqueue_dma source(%arg6 : memref<5120xf32, #tpu.memory_space<hbm>>) target(%arg13 : memref<5120xf32, #tpu.memory_space<vmem>>) target_semaphore(%arg22 : memref<!tpu.dma_semaphore, #tpu.memory_space<semaphore_mem>>)
      tpu.enqueue_dma source(%arg7 : memref<5120xi32, #tpu.memory_space<hbm>>) target(%arg14 : memref<5120xi32, #tpu.memory_space<vmem>>) target_semaphore(%arg22 : memref<!tpu.dma_semaphore, #tpu.memory_space<semaphore_mem>>)
      %swap3A = arith.constant 0 : index
      %swap3A_7 = tpu.vector_load %arg16[%swap3A] {strides = array<i32>} : memref<128xf32, #tpu.memory_space<vmem>>, vector<16xf32>,
      tpu.vector_store %arg16[%swap3A], %broadcast_in_dim3A_6 {strides = array<i32>} : memref<128xf32, #tpu.memory_space<vmem>>, vector<16xf32>,
      %swap3A_8 = arith.constant 0 : index
      %swap3A_9 = tpu.vector_load %arg17[%swap3A_8] {strides = array<i32>} : memref<128xf32, #tpu.memory_space<vmem>>, vector<16xf32>,
      tpu.vector_store %arg17[%swap3A_8], %broadcast_in_dim3A_6 {strides = array<i32>} : memref<128xf32, #tpu.memory_space<vmem>>, vector<16xf32>,
      %swap3A_10 = arith.constant 0 : index
      %swap3A_11 = tpu.vector_load %arg18[%swap3A_10] {strides = array<i32>} : memref<128xf32, #tpu.memory_space<vmem>>, vector<16xf32>,
      tpu.vector_store %arg18[%swap3A_10], %broadcast_in_dim3A_6 {strides = array<i32>} : memref<128xf32, #tpu.memory_space<vmem>>, vector<16xf32>,
      %swap3A_12 = arith.constant 0 : index
      %swap3A_13 = tpu.vector_load %arg19[%swap3A_12] {strides = array<i32>} : memref<128xf32, #tpu.memory_space<vmem>>, vector<16xf32>,
      tpu.vector_store %arg19[%swap3A_12], %broadcast_in_dim3A_6 {strides = array<i32>} : memref<128xf32, #tpu.memory_space<vmem>>, vector<16xf32>,
      %swap3A_14 = arith.constant 0 : index
      %swap3A_15 = tpu.vector_load %arg20[%swap3A_14] {strides = array<i32>} : memref<128xf32, #tpu.memory_space<vmem>>, vector<16xf32>,
      tpu.vector_store %arg20[%swap3A_14], %broadcast_in_dim3A_6 {strides = array<i32>} : memref<128xf32, #tpu.memory_space<vmem>>, vector<16xf32>,
      %swap3A_16 = arith.constant 16 : index
      %swap3A_17 = tpu.vector_load %arg16[%swap3A_16] {strides = array<i32>} : memref<128xf32, #tpu.memory_space<vmem>>, vector<16xf32>,
      tpu.vector_store %arg16[%swap3A_16], %broadcast_in_dim3A_6 {strides = array<i32>} : memref<128xf32, #tpu.memory_space<vmem>>, vector<16xf32>,
      %swap3A_18 = arith.constant 16 : index
      %swap3A_19 = tpu.vector_load %arg17[%swap3A_18] {strides = array<i32>} : memref<128xf32, #tpu.memory_space<vmem>>, vector<16xf32>,
      tpu.vector_store %arg17[%swap3A_18], %broadcast_in_dim3A_6 {strides = array<i32>} : memref<128xf32, #tpu.memory_space<vmem>>, vector<16xf32>,
      %swap3A_20 = arith.constant 16 : index
      %swap3A_21 = tpu.vector_load %arg18[%swap3A_20] {strides = array<i32>} : memref<128xf32, #tpu.memory_space<vmem>>, vector<16xf32>,
      tpu.vector_store %arg18[%swap3A_20], %broadcast_in_dim3A_6 {strides = array<i32>} : memref<128xf32, #tpu.memory_space<vmem>>, vector<16xf32>,
      %swap3A_22 = arith.constant 16 : index
      %swap3A_23 = tpu.vector_load %arg19[%swap3A_22] {strides = array<i32>} : memref<128xf32, #tpu.memory_space<vmem>>, vector<16xf32>,
      tpu.vector_store %arg19[%swap3A_22], %broadcast_in_dim3A_6 {strides = array<i32>} : memref<128xf32, #tpu.memory_space<vmem>>, vector<16xf32>,
      %swap3A_24 = arith.constant 16 : index
      %swap3A_25 = tpu.vector_load %arg20[%swap3A_24] {strides = array<i32>} : memref<128xf32, #tpu.memory_space<vmem>>, vector<16xf32>,
      tpu.vector_store %arg20[%swap3A_24], %broadcast_in_dim3A_6 {strides = array<i32>} : memref<128xf32, #tpu.memory_space<vmem>>, vector<16xf32>,
      %swap3A_26 = arith.constant 32 : index
      %swap3A_27 = tpu.vector_load %arg16[%swap3A_26] {strides = array<i32>} : memref<128xf32, #tpu.memory_space<vmem>>, vector<16xf32>,
      tpu.vector_store %arg16[%swap3A_26], %broadcast_in_dim3A_6 {strides = array<i32>} : memref<128xf32, #tpu.memory_space<vmem>>, vector<16xf32>,
      %swap3A_28 = arith.constant 32 : index
      %swap3A_29 = tpu.vector_load %arg17[%swap3A_28] {strides = array<i32>} : memref<128xf32, #tpu.memory_space<vmem>>, vector<16xf32>,
      tpu.vector_store %arg17[%swap3A_28], %broadcast_in_dim3A_6 {strides = array<i32>} : memref<128xf32, #tpu.memory_space<vmem>>, vector<16xf32>,
      %swap3A_30 = arith.constant 32 : index
      %swap3A_31 = tpu.vector_load %arg18[%swap3A_30] {strides = array<i32>} : memref<128xf32, #tpu.memory_space<vmem>>, vector<16xf32>,
      tpu.vector_store %arg18[%swap3A_30], %broadcast_in_dim3A_6 {strides = array<i32>} : memref<128xf32, #tpu.memory_space<vmem>>, vector<16xf32>,
      %swap3A_32 = arith.constant 32 : index
      %swap3A_33 = tpu.vector_load %arg19[%swap3A_32] {strides = array<i32>} : memref<128xf32, #tpu.memory_space<vmem>>, vector<16xf32>,
      tpu.vector_store %arg19[%swap3A_32], %broadcast_in_dim3A_6 {strides = array<i32>} : memref<128xf32, #tpu.memory_space<vmem>>, vector<16xf32>,
      %swap3A_34 = arith.constant 32 : index
      %swap3A_35 = tpu.vector_load %arg20[%swap3A_34] {strides = array<i32>} : memref<128xf32, #tpu.memory_space<vmem>>, vector<16xf32>,
      tpu.vector_store %arg20[%swap3A_34], %broadcast_in_dim3A_6 {strides = array<i32>} : memref<128xf32, #tpu.memory_space<vmem>>, vector<16xf32>,
      %swap3A_36 = arith.constant 48 : index
      %swap3A_37 = tpu.vector_load %arg16[%swap3A_36] {strides = array<i32>} : memref<128xf32, #tpu.memory_space<vmem>>, vector<16xf32>,
      tpu.vector_store %arg16[%swap3A_36], %broadcast_in_dim3A_6 {strides = array<i32>} : memref<128xf32, #tpu.memory_space<vmem>>, vector<16xf32>,
      %swap3A_38 = arith.constant 48 : index
      %swap3A_39 = tpu.vector_load %arg17[%swap3A_38] {strides = array<i32>} : memref<128xf32, #tpu.memory_space<vmem>>, vector<16xf32>,
      tpu.vector_store %arg17[%swap3A_38], %broadcast_in_dim3A_6 {strides = array<i32>} : memref<128xf32, #tpu.memory_space<vmem>>, vector<16xf32>,
      %swap3A_40 = arith.constant 48 : index
      %swap3A_41 = tpu.vector_load %arg18[%swap3A_40] {strides = array<i32>} : memref<128xf32, #tpu.memory_space<vmem>>, vector<16xf32>,
      tpu.vector_store %arg18[%swap3A_40], %broadcast_in_dim3A_6 {strides = array<i32>} : memref<128xf32, #tpu.memory_space<vmem>>, vector<16xf32>,
      %swap3A_42 = arith.constant 48 : index
      %swap3A_43 = tpu.vector_load %arg19[%swap3A_42] {strides = array<i32>} : memref<128xf32, #tpu.memory_space<vmem>>, vector<16xf32>,
      tpu.vector_store %arg19[%swap3A_42], %broadcast_in_dim3A_6 {strides = array<i32>} : memref<128xf32, #tpu.memory_space<vmem>>, vector<16xf32>,
      %swap3A_44 = arith.constant 48 : index
      %swap3A_45 = tpu.vector_load %arg20[%swap3A_44] {strides = array<i32>} : memref<128xf32, #tpu.memory_space<vmem>>, vector<16xf32>,
      tpu.vector_store %arg20[%swap3A_44], %broadcast_in_dim3A_6 {strides = array<i32>} : memref<128xf32, #tpu.memory_space<vmem>>, vector<16xf32>,
      %swap3A_46 = arith.constant 64 : index
      %swap3A_47 = tpu.vector_load %arg16[%swap3A_46] {strides = array<i32>} : memref<128xf32, #tpu.memory_space<vmem>>, vector<16xf32>,
      tpu.vector_store %arg16[%swap3A_46], %broadcast_in_dim3A_6 {strides = array<i32>} : memref<128xf32, #tpu.memory_space<vmem>>, vector<16xf32>,
      %swap3A_48 = arith.constant 64 : index
      %swap3A_49 = tpu.vector_load %arg17[%swap3A_48] {strides = array<i32>} : memref<128xf32, #tpu.memory_space<vmem>>, vector<16xf32>,
      tpu.vector_store %arg17[%swap3A_48], %broadcast_in_dim3A_6 {strides = array<i32>} : memref<128xf32, #tpu.memory_space<vmem>>, vector<16xf32>,
      %swap3A_50 = arith.constant 64 : index
      %swap3A_51 = tpu.vector_load %arg18[%swap3A_50] {strides = array<i32>} : memref<128xf32, #tpu.memory_space<vmem>>, vector<16xf32>,
      tpu.vector_store %arg18[%swap3A_50], %broadcast_in_dim3A_6 {strides = array<i32>} : memref<128xf32, #tpu.memory_space<vmem>>, vector<16xf32>,
      %swap3A_52 = arith.constant 64 : index
      %swap3A_53 = tpu.vector_load %arg19[%swap3A_52] {strides = array<i32>} : memref<128xf32, #tpu.memory_space<vmem>>, vector<16xf32>,
      tpu.vector_store %arg19[%swap3A_52], %broadcast_in_dim3A_6 {strides = array<i32>} : memref<128xf32, #tpu.memory_space<vmem>>, vector<16xf32>,
      %swap3A_54 = arith.constant 64 : index
      %swap3A_55 = tpu.vector_load %arg20[%swap3A_54] {strides = array<i32>} : memref<128xf32, #tpu.memory_space<vmem>>, vector<16xf32>,
      tpu.vector_store %arg20[%swap3A_54], %broadcast_in_dim3A_6 {strides = array<i32>} : memref<128xf32, #tpu.memory_space<vmem>>, vector<16xf32>,
      %swap3A_56 = arith.constant 80 : index
      %swap3A_57 = tpu.vector_load %arg16[%swap3A_56] {strides = array<i32>} : memref<128xf32, #tpu.memory_space<vmem>>, vector<16xf32>,
      tpu.vector_store %arg16[%swap3A_56], %broadcast_in_dim3A_6 {strides = array<i32>} : memref<128xf32, #tpu.memory_space<vmem>>, vector<16xf32>,
      %swap3A_58 = arith.constant 80 : index
      %swap3A_59 = tpu.vector_load %arg17[%swap3A_58] {strides = array<i32>} : memref<128xf32, #tpu.memory_space<vmem>>, vector<16xf32>,
      tpu.vector_store %arg17[%swap3A_58], %broadcast_in_dim3A_6 {strides = array<i32>} : memref<128xf32, #tpu.memory_space<vmem>>, vector<16xf32>,
      %swap3A_60 = arith.constant 80 : index
      %swap3A_61 = tpu.vector_load %arg18[%swap3A_60] {strides = array<i32>} : memref<128xf32, #tpu.memory_space<vmem>>, vector<16xf32>,
      tpu.vector_store %arg18[%swap3A_60], %broadcast_in_dim3A_6 {strides = array<i32>} : memref<128xf32, #tpu.memory_space<vmem>>, vector<16xf32>,
      %swap3A_62 = arith.constant 80 : index
      %swap3A_63 = tpu.vector_load %arg19[%swap3A_62] {strides = array<i32>} : memref<128xf32, #tpu.memory_space<vmem>>, vector<16xf32>,
      tpu.vector_store %arg19[%swap3A_62], %broadcast_in_dim3A_6 {strides = array<i32>} : memref<128xf32, #tpu.memory_space<vmem>>, vector<16xf32>,
      %swap3A_64 = arith.constant 80 : index
      %swap3A_65 = tpu.vector_load %arg20[%swap3A_64] {strides = array<i32>} : memref<128xf32, #tpu.memory_space<vmem>>, vector<16xf32>,
      tpu.vector_store %arg20[%swap3A_64], %broadcast_in_dim3A_6 {strides = array<i32>} : memref<128xf32, #tpu.memory_space<vmem>>, vector<16xf32>,
      %swap3A_66 = arith.constant 96 : index
      %swap3A_67 = tpu.vector_load %arg16[%swap3A_66] {strides = array<i32>} : memref<128xf32, #tpu.memory_space<vmem>>, vector<16xf32>,
      tpu.vector_store %arg16[%swap3A_66], %broadcast_in_dim3A_6 {strides = array<i32>} : memref<128xf32, #tpu.memory_space<vmem>>, vector<16xf32>,
      %swap3A_68 = arith.constant 96 : index
      %swap3A_69 = tpu.vector_load %arg17[%swap3A_68] {strides = array<i32>} : memref<128xf32, #tpu.memory_space<vmem>>, vector<16xf32>,
      tpu.vector_store %arg17[%swap3A_68], %broadcast_in_dim3A_6 {strides = array<i32>} : memref<128xf32, #tpu.memory_space<vmem>>, vector<16xf32>,
      %swap3A_70 = arith.constant 96 : index
      %swap3A_71 = tpu.vector_load %arg18[%swap3A_70] {strides = array<i32>} : memref<128xf32, #tpu.memory_space<vmem>>, vector<16xf32>,
      tpu.vector_store %arg18[%swap3A_70], %broadcast_in_dim3A_6 {strides = array<i32>} : memref<128xf32, #tpu.memory_space<vmem>>, vector<16xf32>,
      %swap3A_72 = arith.constant 96 : index
      %swap3A_73 = tpu.vector_load %arg19[%swap3A_72] {strides = array<i32>} : memref<128xf32, #tpu.memory_space<vmem>>, vector<16xf32>,
      tpu.vector_store %arg19[%swap3A_72], %broadcast_in_dim3A_6 {strides = array<i32>} : memref<128xf32, #tpu.memory_space<vmem>>, vector<16xf32>,
      %swap3A_74 = arith.constant 96 : index
      %swap3A_75 = tpu.vector_load %arg20[%swap3A_74] {strides = array<i32>} : memref<128xf32, #tpu.memory_space<vmem>>, vector<16xf32>,
      tpu.vector_store %arg20[%swap3A_74], %broadcast_in_dim3A_6 {strides = array<i32>} : memref<128xf32, #tpu.memory_space<vmem>>, vector<16xf32>,
      %swap3A_76 = arith.constant 112 : index
      %swap3A_77 = tpu.vector_load %arg16[%swap3A_76] {strides = array<i32>} : memref<128xf32, #tpu.memory_space<vmem>>, vector<16xf32>,
      tpu.vector_store %arg16[%swap3A_76], %broadcast_in_dim3A_6 {strides = array<i32>} : memref<128xf32, #tpu.memory_space<vmem>>, vector<16xf32>,
      %swap3A_78 = arith.constant 112 : index
      %swap3A_79 = tpu.vector_load %arg17[%swap3A_78] {strides = array<i32>} : memref<128xf32, #tpu.memory_space<vmem>>, vector<16xf32>,
      tpu.vector_store %arg17[%swap3A_78], %broadcast_in_dim3A_6 {strides = array<i32>} : memref<128xf32, #tpu.memory_space<vmem>>, vector<16xf32>,
      %swap3A_80 = arith.constant 112 : index
      %swap3A_81 = tpu.vector_load %arg18[%swap3A_80] {strides = array<i32>} : memref<128xf32, #tpu.memory_space<vmem>>, vector<16xf32>,
      tpu.vector_store %arg18[%swap3A_80], %broadcast_in_dim3A_6 {strides = array<i32>} : memref<128xf32, #tpu.memory_space<vmem>>, vector<16xf32>,
      %swap3A_82 = arith.constant 112 : index
      %swap3A_83 = tpu.vector_load %arg19[%swap3A_82] {strides = array<i32>} : memref<128xf32, #tpu.memory_space<vmem>>, vector<16xf32>,
      tpu.vector_store %arg19[%swap3A_82], %broadcast_in_dim3A_6 {strides = array<i32>} : memref<128xf32, #tpu.memory_space<vmem>>, vector<16xf32>,
      %swap3A_84 = arith.constant 112 : index
      %swap3A_85 = tpu.vector_load %arg20[%swap3A_84] {strides = array<i32>} : memref<128xf32, #tpu.memory_space<vmem>>, vector<16xf32>,
      tpu.vector_store %arg20[%swap3A_84], %broadcast_in_dim3A_6 {strides = array<i32>} : memref<128xf32, #tpu.memory_space<vmem>>, vector<16xf32>,
      %swap3A_86 = arith.constant 0 : index
      %swap3A_87 = tpu.vector_load %arg21[%swap3A_86] {strides = array<i32>} : memref<512xf32, #tpu.memory_space<vmem>>, vector<16xf32>,
      tpu.vector_store %arg21[%swap3A_86], %broadcast_in_dim3A_6 {strides = array<i32>} : memref<512xf32, #tpu.memory_space<vmem>>, vector<16xf32>,
      %swap3A_88 = arith.constant 16 : index
      %swap3A_89 = tpu.vector_load %arg21[%swap3A_88] {strides = array<i32>} : memref<512xf32, #tpu.memory_space<vmem>>, vector<16xf32>,
      tpu.vector_store %arg21[%swap3A_88], %broadcast_in_dim3A_6 {strides = array<i32>} : memref<512xf32, #tpu.memory_space<vmem>>, vector<16xf32>,
      %swap3A_90 = arith.constant 32 : index
      %swap3A_91 = tpu.vector_load %arg21[%swap3A_90] {strides = array<i32>} : memref<512xf32, #tpu.memory_space<vmem>>, vector<16xf32>,
      tpu.vector_store %arg21[%swap3A_90], %broadcast_in_dim3A_6 {strides = array<i32>} : memref<512xf32, #tpu.memory_space<vmem>>, vector<16xf32>,
      %swap3A_92 = arith.constant 48 : index
      %swap3A_93 = tpu.vector_load %arg21[%swap3A_92] {strides = array<i32>} : memref<512xf32, #tpu.memory_space<vmem>>, vector<16xf32>,
      tpu.vector_store %arg21[%swap3A_92], %broadcast_in_dim3A_6 {strides = array<i32>} : memref<512xf32, #tpu.memory_space<vmem>>, vector<16xf32>,
      %swap3A_94 = arith.constant 64 : index
      %swap3A_95 = tpu.vector_load %arg21[%swap3A_94] {strides = array<i32>} : memref<512xf32, #tpu.memory_space<vmem>>, vector<16xf32>,
      tpu.vector_store %arg21[%swap3A_94], %broadcast_in_dim3A_6 {strides = array<i32>} : memref<512xf32, #tpu.memory_space<vmem>>, vector<16xf32>,
      %swap3A_96 = arith.constant 80 : index
      %swap3A_97 = tpu.vector_load %arg21[%swap3A_96] {strides = array<i32>} : memref<512xf32, #tpu.memory_space<vmem>>, vector<16xf32>,
      tpu.vector_store %arg21[%swap3A_96], %broadcast_in_dim3A_6 {strides = array<i32>} : memref<512xf32, #tpu.memory_space<vmem>>, vector<16xf32>,
      %swap3A_98 = arith.constant 96 : index
      %swap3A_99 = tpu.vector_load %arg21[%swap3A_98] {strides = array<i32>} : memref<512xf32, #tpu.memory_space<vmem>>, vector<16xf32>,
      tpu.vector_store %arg21[%swap3A_98], %broadcast_in_dim3A_6 {strides = array<i32>} : memref<512xf32, #tpu.memory_space<vmem>>, vector<16xf32>,
      %swap3A_100 = arith.constant 112 : index
      %swap3A_101 = tpu.vector_load %arg21[%swap3A_100] {strides = array<i32>} : memref<512xf32, #tpu.memory_space<vmem>>, vector<16xf32>,
      tpu.vector_store %arg21[%swap3A_100], %broadcast_in_dim3A_6 {strides = array<i32>} : memref<512xf32, #tpu.memory_space<vmem>>, vector<16xf32>,
      %swap3A_102 = arith.constant 128 : index
      %swap3A_103 = tpu.vector_load %arg21[%swap3A_102] {strides = array<i32>} : memref<512xf32, #tpu.memory_space<vmem>>, vector<16xf32>,
      tpu.vector_store %arg21[%swap3A_102], %broadcast_in_dim3A_6 {strides = array<i32>} : memref<512xf32, #tpu.memory_space<vmem>>, vector<16xf32>,
      %swap3A_104 = arith.constant 144 : index
      %swap3A_105 = tpu.vector_load %arg21[%swap3A_104] {strides = array<i32>} : memref<512xf32, #tpu.memory_space<vmem>>, vector<16xf32>,
      tpu.vector_store %arg21[%swap3A_104], %broadcast_in_dim3A_6 {strides = array<i32>} : memref<512xf32, #tpu.memory_space<vmem>>, vector<16xf32>,
      %swap3A_106 = arith.constant 160 : index
      %swap3A_107 = tpu.vector_load %arg21[%swap3A_106] {strides = array<i32>} : memref<512xf32, #tpu.memory_space<vmem>>, vector<16xf32>,
      tpu.vector_store %arg21[%swap3A_106], %broadcast_in_dim3A_6 {strides = array<i32>} : memref<512xf32, #tpu.memory_space<vmem>>, vector<16xf32>,
      %swap3A_108 = arith.constant 176 : index
      %swap3A_109 = tpu.vector_load %arg21[%swap3A_108] {strides = array<i32>} : memref<512xf32, #tpu.memory_space<vmem>>, vector<16xf32>,
      tpu.vector_store %arg21[%swap3A_108], %broadcast_in_dim3A_6 {strides = array<i32>} : memref<512xf32, #tpu.memory_space<vmem>>, vector<16xf32>,
      %swap3A_110 = arith.constant 192 : index
      %swap3A_111 = tpu.vector_load %arg21[%swap3A_110] {strides = array<i32>} : memref<512xf32, #tpu.memory_space<vmem>>, vector<16xf32>,
      tpu.vector_store %arg21[%swap3A_110], %broadcast_in_dim3A_6 {strides = array<i32>} : memref<512xf32, #tpu.memory_space<vmem>>, vector<16xf32>,
      %swap3A_112 = arith.constant 208 : index
      %swap3A_113 = tpu.vector_load %arg21[%swap3A_112] {strides = array<i32>} : memref<512xf32, #tpu.memory_space<vmem>>, vector<16xf32>,
      tpu.vector_store %arg21[%swap3A_112], %broadcast_in_dim3A_6 {strides = array<i32>} : memref<512xf32, #tpu.memory_space<vmem>>, vector<16xf32>,
      %swap3A_114 = arith.constant 224 : index
      %swap3A_115 = tpu.vector_load %arg21[%swap3A_114] {strides = array<i32>} : memref<512xf32, #tpu.memory_space<vmem>>, vector<16xf32>,
      tpu.vector_store %arg21[%swap3A_114], %broadcast_in_dim3A_6 {strides = array<i32>} : memref<512xf32, #tpu.memory_space<vmem>>, vector<16xf32>,
      %swap3A_116 = arith.constant 240 : index
      %swap3A_117 = tpu.vector_load %arg21[%swap3A_116] {strides = array<i32>} : memref<512xf32, #tpu.memory_space<vmem>>, vector<16xf32>,
      tpu.vector_store %arg21[%swap3A_116], %broadcast_in_dim3A_6 {strides = array<i32>} : memref<512xf32, #tpu.memory_space<vmem>>, vector<16xf32>,
      %swap3A_118 = arith.constant 256 : index
      %swap3A_119 = tpu.vector_load %arg21[%swap3A_118] {strides = array<i32>} : memref<512xf32, #tpu.memory_space<vmem>>, vector<16xf32>,
      tpu.vector_store %arg21[%swap3A_118], %broadcast_in_dim3A_6 {strides = array<i32>} : memref<512xf32, #tpu.memory_space<vmem>>, vector<16xf32>,
      %swap3A_120 = arith.constant 272 : index
      %swap3A_121 = tpu.vector_load %arg21[%swap3A_120] {strides = array<i32>} : memref<512xf32, #tpu.memory_space<vmem>>, vector<16xf32>,
      tpu.vector_store %arg21[%swap3A_120], %broadcast_in_dim3A_6 {strides = array<i32>} : memref<512xf32, #tpu.memory_space<vmem>>, vector<16xf32>,
      %swap3A_122 = arith.constant 288 : index
      %swap3A_123 = tpu.vector_load %arg21[%swap3A_122] {strides = array<i32>} : memref<512xf32, #tpu.memory_space<vmem>>, vector<16xf32>,
      tpu.vector_store %arg21[%swap3A_122], %broadcast_in_dim3A_6 {strides = array<i32>} : memref<512xf32, #tpu.memory_space<vmem>>, vector<16xf32>,
      %swap3A_124 = arith.constant 304 : index
      %swap3A_125 = tpu.vector_load %arg21[%swap3A_124] {strides = array<i32>} : memref<512xf32, #tpu.memory_space<vmem>>, vector<16xf32>,
      tpu.vector_store %arg21[%swap3A_124], %broadcast_in_dim3A_6 {strides = array<i32>} : memref<512xf32, #tpu.memory_space<vmem>>, vector<16xf32>,
      %swap3A_126 = arith.constant 320 : index
      %swap3A_127 = tpu.vector_load %arg21[%swap3A_126] {strides = array<i32>} : memref<512xf32, #tpu.memory_space<vmem>>, vector<16xf32>,
      tpu.vector_store %arg21[%swap3A_126], %broadcast_in_dim3A_6 {strides = array<i32>} : memref<512xf32, #tpu.memory_space<vmem>>, vector<16xf32>,
      %swap3A_128 = arith.constant 336 : index
      %swap3A_129 = tpu.vector_load %arg21[%swap3A_128] {strides = array<i32>} : memref<512xf32, #tpu.memory_space<vmem>>, vector<16xf32>,
      tpu.vector_store %arg21[%swap3A_128], %broadcast_in_dim3A_6 {strides = array<i32>} : memref<512xf32, #tpu.memory_space<vmem>>, vector<16xf32>,
      %swap3A_130 = arith.constant 352 : index
      %swap3A_131 = tpu.vector_load %arg21[%swap3A_130] {strides = array<i32>} : memref<512xf32, #tpu.memory_space<vmem>>, vector<16xf32>,
      tpu.vector_store %arg21[%swap3A_130], %broadcast_in_dim3A_6 {strides = array<i32>} : memref<512xf32, #tpu.memory_space<vmem>>, vector<16xf32>,
      %swap3A_132 = arith.constant 368 : index
      %swap3A_133 = tpu.vector_load %arg21[%swap3A_132] {strides = array<i32>} : memref<512xf32, #tpu.memory_space<vmem>>, vector<16xf32>,
      tpu.vector_store %arg21[%swap3A_132], %broadcast_in_dim3A_6 {strides = array<i32>} : memref<512xf32, #tpu.memory_space<vmem>>, vector<16xf32>,
      %swap3A_134 = arith.constant 384 : index
      %swap3A_135 = tpu.vector_load %arg21[%swap3A_134] {strides = array<i32>} : memref<512xf32, #tpu.memory_space<vmem>>, vector<16xf32>,
      tpu.vector_store %arg21[%swap3A_134], %broadcast_in_dim3A_6 {strides = array<i32>} : memref<512xf32, #tpu.memory_space<vmem>>, vector<16xf32>,
      %swap3A_136 = arith.constant 400 : index
      %swap3A_137 = tpu.vector_load %arg21[%swap3A_136] {strides = array<i32>} : memref<512xf32, #tpu.memory_space<vmem>>, vector<16xf32>,
      tpu.vector_store %arg21[%swap3A_136], %broadcast_in_dim3A_6 {strides = array<i32>} : memref<512xf32, #tpu.memory_space<vmem>>, vector<16xf32>,
      %swap3A_138 = arith.constant 416 : index
      %swap3A_139 = tpu.vector_load %arg21[%swap3A_138] {strides = array<i32>} : memref<512xf32, #tpu.memory_space<vmem>>, vector<16xf32>,
      tpu.vector_store %arg21[%swap3A_138], %broadcast_in_dim3A_6 {strides = array<i32>} : memref<512xf32, #tpu.memory_space<vmem>>, vector<16xf32>,
      %swap3A_140 = arith.constant 432 : index
      %swap3A_141 = tpu.vector_load %arg21[%swap3A_140] {strides = array<i32>} : memref<512xf32, #tpu.memory_space<vmem>>, vector<16xf32>,
      tpu.vector_store %arg21[%swap3A_140], %broadcast_in_dim3A_6 {strides = array<i32>} : memref<512xf32, #tpu.memory_space<vmem>>, vector<16xf32>,
      %swap3A_142 = arith.constant 448 : index
      %swap3A_143 = tpu.vector_load %arg21[%swap3A_142] {strides = array<i32>} : memref<512xf32, #tpu.memory_space<vmem>>, vector<16xf32>,
      tpu.vector_store %arg21[%swap3A_142], %broadcast_in_dim3A_6 {strides = array<i32>} : memref<512xf32, #tpu.memory_space<vmem>>, vector<16xf32>,
      %swap3A_144 = arith.constant 464 : index
      %swap3A_145 = tpu.vector_load %arg21[%swap3A_144] {strides = array<i32>} : memref<512xf32, #tpu.memory_space<vmem>>, vector<16xf32>,
      tpu.vector_store %arg21[%swap3A_144], %broadcast_in_dim3A_6 {strides = array<i32>} : memref<512xf32, #tpu.memory_space<vmem>>, vector<16xf32>,
      %swap3A_146 = arith.constant 480 : index
      %swap3A_147 = tpu.vector_load %arg21[%swap3A_146] {strides = array<i32>} : memref<512xf32, #tpu.memory_space<vmem>>, vector<16xf32>,
      tpu.vector_store %arg21[%swap3A_146], %broadcast_in_dim3A_6 {strides = array<i32>} : memref<512xf32, #tpu.memory_space<vmem>>, vector<16xf32>,
      %swap3A_148 = arith.constant 496 : index
      %swap3A_149 = tpu.vector_load %arg21[%swap3A_148] {strides = array<i32>} : memref<512xf32, #tpu.memory_space<vmem>>, vector<16xf32>,
      tpu.vector_store %arg21[%swap3A_148], %broadcast_in_dim3A_6 {strides = array<i32>} : memref<512xf32, #tpu.memory_space<vmem>>, vector<16xf32>,
      tpu.wait_dma2 semaphore(%arg22 : memref<!tpu.dma_semaphore, #tpu.memory_space<semaphore_mem>>) src(%arg2 : memref<5120xf32, #tpu.memory_space<hbm>>) dst(%arg9 : memref<5120xf32, #tpu.memory_space<vmem>>)
      tpu.wait_dma2 semaphore(%arg22 : memref<!tpu.dma_semaphore, #tpu.memory_space<semaphore_mem>>) src(%arg3 : memref<5120xf32, #tpu.memory_space<hbm>>) dst(%arg10 : memref<5120xf32, #tpu.memory_space<vmem>>)
      tpu.wait_dma2 semaphore(%arg22 : memref<!tpu.dma_semaphore, #tpu.memory_space<semaphore_mem>>) src(%arg4 : memref<5120xf32, #tpu.memory_space<hbm>>) dst(%arg11 : memref<5120xf32, #tpu.memory_space<vmem>>)
      tpu.wait_dma2 semaphore(%arg22 : memref<!tpu.dma_semaphore, #tpu.memory_space<semaphore_mem>>) src(%arg5 : memref<5120xf32, #tpu.memory_space<hbm>>) dst(%arg12 : memref<5120xf32, #tpu.memory_space<vmem>>)
      tpu.wait_dma2 semaphore(%arg22 : memref<!tpu.dma_semaphore, #tpu.memory_space<semaphore_mem>>) src(%arg6 : memref<5120xf32, #tpu.memory_space<hbm>>) dst(%arg13 : memref<5120xf32, #tpu.memory_space<vmem>>)
      tpu.wait_dma2 semaphore(%arg22 : memref<!tpu.dma_semaphore, #tpu.memory_space<semaphore_mem>>) src(%arg7 : memref<5120xi32, #tpu.memory_space<hbm>>) dst(%arg14 : memref<5120xi32, #tpu.memory_space<vmem>>)
      %while3A = arith.constant 0 : i32
      %while3A_150 = arith.constant 0 : i32
      %while3A_151:2 = scf.while (%while3A_166 = %while3A, %while3A_167 = %while3A_150) : (i32, i32) -> (i32, i32) {
        %lt3A = arith.constant 320 : i32
        %lt3A_168 = arith.cmpi slt, %while3A_166, %lt3A : i32
        %lt3A_169 = arith.constant 100 : i32
        %lt3A_170 = arith.cmpi slt, %while3A_167, %lt3A_169 : i32
        %and3A_171 = arith.andi %lt3A_168, %lt3A_170 : i1
        scf.condition(%and3A_171) %while3A_166, %while3A_167 : i32, i32
      } do {
      ^bb0(%while3A_166: i32, %while3A_167: i32):
        %mul3A = arith.constant 16 : i32
        %mul3A_168 = arith.muli %while3A_166, %mul3A : i32
        %add3A = vector.broadcast %mul3A_168 : i32 to vector<16xi32>
        %add3A_169 = arith.addi %add3A, %iota3A : vector<16xi32>
        %gather3A = tpu.vector_load_idx %arg14[%add3A_169] : memref<5120xi32, #tpu.memory_space<vmem>>[vector<16xi32>], vector<16xi32>,
        %gather3A_170 = tpu.vector_load_idx %arg9[%gather3A] : memref<5120xf32, #tpu.memory_space<vmem>>[vector<16xi32>], vector<16xf32>,
        %gather3A_171 = tpu.vector_load_idx %arg10[%gather3A] : memref<5120xf32, #tpu.memory_space<vmem>>[vector<16xi32>], vector<16xf32>,
        %gather3A_172 = tpu.vector_load_idx %arg11[%gather3A] : memref<5120xf32, #tpu.memory_space<vmem>>[vector<16xi32>], vector<16xf32>,
        %gather3A_173 = tpu.vector_load_idx %arg12[%gather3A] : memref<5120xf32, #tpu.memory_space<vmem>>[vector<16xi32>], vector<16xf32>,
        %gather3A_174 = tpu.vector_load_idx %arg13[%gather3A] : memref<5120xf32, #tpu.memory_space<vmem>>[vector<16xi32>], vector<16xf32>,
        %sub3A = arith.subf %gather3A_172, %gather3A_170 : vector<16xf32>
        %max3A = arith.constant 0.000000e+00 : f32
        %max3A_175 = vector.broadcast %max3A : f32 to vector<16xf32>
        %max3A_176 = arith.maximumf %sub3A, %max3A_175 : vector<16xf32>
        %sub3A_177 = arith.subf %gather3A_173, %gather3A_171 : vector<16xf32>
        %max3A_178 = arith.constant 0.000000e+00 : f32
        %max3A_179 = vector.broadcast %max3A_178 : f32 to vector<16xf32>
        %max3A_180 = arith.maximumf %sub3A_177, %max3A_179 : vector<16xf32>
        %mul3A_181 = arith.mulf %max3A_176, %max3A_180 : vector<16xf32>
        %gt3A = arith.constant 5.000000e-02 : f32
        %gt3A_182 = vector.broadcast %gt3A : f32 to vector<16xf32>
        %gt3A_183 = arith.cmpf ogt, %gather3A_174, %gt3A_182 : vector<16xf32>
        %add3A_184 = vector.broadcast %mul3A_168 : i32 to vector<16xi32>
        %add3A_185 = arith.addi %add3A_184, %iota3A : vector<16xi32>
        %lt3A = arith.constant 5000 : i32
        %lt3A_186 = vector.broadcast %lt3A : i32 to vector<16xi32>
        %lt3A_187 = arith.cmpi slt, %add3A_185, %lt3A_186 : vector<16xi32>
        %and3A_188 = arith.andi %gt3A_183, %lt3A_187 : vector<16xi1>
        %jit3A = arith.constant 1.000000e+00 : f32
        %jit3A_189 = arith.constant 0.000000e+00 : f32
        %broadcast_in_dim3A_190 = vector.broadcast %jit3A : f32 to vector<16xf32>
        %broadcast_in_dim3A_191 = vector.broadcast %jit3A_189 : f32 to vector<16xf32>
        %select_n3A = arith.select %and3A_188, %broadcast_in_dim3A_190, %broadcast_in_dim3A_191 : vector<16xi1>, vector<16xf32>
        %add3A_192 = arith.constant 3 : i32
        %add3A_193 = arith.addi %while3A_167, %add3A_192 : i32
        %jit3A_194 = arith.constant 4 : i32
        %div3A = arith.divsi %add3A_193, %jit3A_194 : i32
        %sign3A = arith.constant 0 : i32
        %sign3A_195 = arith.cmpi sgt, %add3A_193, %sign3A : i32
        %sign3A_196 = arith.extui %sign3A_195 : i1 to i32
        %sign3A_197 = arith.constant 0 : i32
        %sign3A_198 = arith.cmpi slt, %add3A_193, %sign3A_197 : i32
        %sign3A_199 = arith.extui %sign3A_198 : i1 to i32
        %sign3A_200 = arith.subi %sign3A_196, %sign3A_199 : i32
        %sign3A_201 = arith.constant 0 : i32
        %sign3A_202 = arith.cmpi sgt, %jit3A_194, %sign3A_201 : i32
        %sign3A_203 = arith.extui %sign3A_202 : i1 to i32
        %sign3A_204 = arith.constant 0 : i32
        %sign3A_205 = arith.cmpi slt, %jit3A_194, %sign3A_204 : i32
        %sign3A_206 = arith.extui %sign3A_205 : i1 to i32
        %sign3A_207 = arith.subi %sign3A_203, %sign3A_206 : i32
        %ne3A = arith.cmpi ne, %sign3A_200, %sign3A_207 : i32
        %rem3A = arith.remsi %add3A_193, %jit3A_194 : i32
        %ne3A_208 = arith.constant 0 : i32
        %ne3A_209 = arith.cmpi ne, %rem3A, %ne3A_208 : i32
        %and3A_210 = arith.andi %ne3A, %ne3A_209 : i1
        %sub3A_211 = arith.constant 1 : i32
        %sub3A_212 = arith.subi %div3A, %sub3A_211 : i32
        %select_n3A_213 = arith.select %and3A_210, %sub3A_212, %div3A : i32
        %while3A_214 = arith.constant 0 : i32
        %while3A_215 = arith.subi %select_n3A_213, %while3A_214 : i32
        %while3A_216 = arith.addi %while3A_214, %while3A_215 : i32
        %while3A_217 = arith.constant 1 : i32
        %while3A_218 = arith.divsi %while3A_215, %while3A_217 : i32
        %while3A_219 = arith.muli %while3A_218, %while3A_217 : i32
        %while3A_220 = arith.addi %while3A_214, %while3A_219 : i32
        %while3A_221 = arith.constant 1 : i32
        %while3A_222 = scf.for %while3A_1768 = %while3A_214 to %while3A_220 step %while3A_221 iter_args(%while3A_1769 = %select_n3A) -> (vector<16xf32>)  : i32 {
          %mul3A_1770 = arith.constant 4 : i32
          %mul3A_1771 = arith.muli %while3A_1768, %mul3A_1770 : i32
          %add3A_1772 = arith.constant 0 : i32
          %add3A_1773 = arith.addi %mul3A_1771, %add3A_1772 : i32
          %add3A_1774 = vector.broadcast %add3A_1773 : i32 to vector<16xi32>
          %add3A_1775 = arith.addi %broadcast_in_dim3A_4, %add3A_1774 : vector<16xi32>
          %gather3A_1776 = tpu.vector_load_idx %arg16[%add3A_1775] : memref<128xf32, #tpu.memory_space<vmem>>[vector<16xi32>], vector<16xf32>,
          %gather3A_1777 = tpu.vector_load_idx %arg17[%add3A_1775] : memref<128xf32, #tpu.memory_space<vmem>>[vector<16xi32>], vector<16xf32>,
          %gather3A_1778 = tpu.vector_load_idx %arg18[%add3A_1775] : memref<128xf32, #tpu.memory_space<vmem>>[vector<16xi32>], vector<16xf32>,
          %gather3A_1779 = tpu.vector_load_idx %arg19[%add3A_1775] : memref<128xf32, #tpu.memory_space<vmem>>[vector<16xi32>], vector<16xf32>,
          %gather3A_1780 = tpu.vector_load_idx %arg20[%add3A_1775] : memref<128xf32, #tpu.memory_space<vmem>>[vector<16xi32>], vector<16xf32>,
          %min3A_1781 = arith.minimumf %gather3A_1778, %gather3A_172 : vector<16xf32>
          %max3A_1782 = arith.maximumf %gather3A_1776, %gather3A_170 : vector<16xf32>
          %sub3A_1783 = arith.subf %min3A_1781, %max3A_1782 : vector<16xf32>
          %max3A_1784 = arith.constant 0.000000e+00 : f32
          %max3A_1785 = vector.broadcast %max3A_1784 : f32 to vector<16xf32>
          %max3A_1786 = arith.maximumf %sub3A_1783, %max3A_1785 : vector<16xf32>
          %min3A_1787 = arith.minimumf %gather3A_1779, %gather3A_173 : vector<16xf32>
          %max3A_1788 = arith.maximumf %gather3A_1777, %gather3A_171 : vector<16xf32>
          %sub3A_1789 = arith.subf %min3A_1787, %max3A_1788 : vector<16xf32>
          %max3A_1790 = arith.constant 0.000000e+00 : f32
          %max3A_1791 = vector.broadcast %max3A_1790 : f32 to vector<16xf32>
          %max3A_1792 = arith.maximumf %sub3A_1789, %max3A_1791 : vector<16xf32>
          %mul3A_1793 = arith.mulf %max3A_1786, %max3A_1792 : vector<16xf32>
          %add3A_1794 = arith.addf %gather3A_1780, %mul3A_181 : vector<16xf32>
          %sub3A_1795 = arith.subf %add3A_1794, %mul3A_1793 : vector<16xf32>
          %max3A_1796 = arith.constant 9.99999971E-10 : f32
          %max3A_1797 = vector.broadcast %max3A_1796 : f32 to vector<16xf32>
          %max3A_1798 = arith.maximumf %sub3A_1795, %max3A_1797 : vector<16xf32>
          %div3A_1799 = arith.divf %mul3A_1793, %max3A_1798 : vector<16xf32>
          %gt3A_1800 = arith.constant 5.000000e-01 : f32
          %gt3A_1801 = vector.broadcast %gt3A_1800 : f32 to vector<16xf32>
          %gt3A_1802 = arith.cmpf ogt, %div3A_1799, %gt3A_1801 : vector<16xf32>
          %jit3A_1803 = arith.constant 1.000000e+00 : f32
          %jit3A_1804 = arith.constant 0.000000e+00 : f32
          %broadcast_in_dim3A_1805 = vector.broadcast %jit3A_1803 : f32 to vector<16xf32>
          %broadcast_in_dim3A_1806 = vector.broadcast %jit3A_1804 : f32 to vector<16xf32>
          %select_n3A_1807 = arith.select %gt3A_1802, %broadcast_in_dim3A_1805, %broadcast_in_dim3A_1806 : vector<16xi1>, vector<16xf32>
          %sub3A_1808 = arith.constant 1.000000e+00 : f32
          %sub3A_1809 = vector.broadcast %sub3A_1808 : f32 to vector<16xf32>
          %sub3A_1810 = arith.subf %sub3A_1809, %select_n3A_1807 : vector<16xf32>
          %mul3A_1811 = arith.mulf %while3A_1769, %sub3A_1810 : vector<16xf32>
          %mul3A_1812 = arith.constant 4 : i32
          %mul3A_1813 = arith.muli %while3A_1768, %mul3A_1812 : i32
          %add3A_1814 = arith.constant 1 : i32
          %add3A_1815 = arith.addi %mul3A_1813, %add3A_1814 : i32
          %add3A_1816 = vector.broadcast %add3A_1815 : i32 to vector<16xi32>
          %add3A_1817 = arith.addi %broadcast_in_dim3A_4, %add3A_1816 : vector<16xi32>
          %gather3A_1818 = tpu.vector_load_idx %arg16[%add3A_1817] : memref<128xf32, #tpu.memory_space<vmem>>[vector<16xi32>], vector<16xf32>,
          %gather3A_1819 = tpu.vector_load_idx %arg17[%add3A_1817] : memref<128xf32, #tpu.memory_space<vmem>>[vector<16xi32>], vector<16xf32>,
          %gather3A_1820 = tpu.vector_load_idx %arg18[%add3A_1817] : memref<128xf32, #tpu.memory_space<vmem>>[vector<16xi32>], vector<16xf32>,
          %gather3A_1821 = tpu.vector_load_idx %arg19[%add3A_1817] : memref<128xf32, #tpu.memory_space<vmem>>[vector<16xi32>], vector<16xf32>,
          %gather3A_1822 = tpu.vector_load_idx %arg20[%add3A_1817] : memref<128xf32, #tpu.memory_space<vmem>>[vector<16xi32>], vector<16xf32>,
          %min3A_1823 = arith.minimumf %gather3A_1820, %gather3A_172 : vector<16xf32>
          %max3A_1824 = arith.maximumf %gather3A_1818, %gather3A_170 : vector<16xf32>
          %sub3A_1825 = arith.subf %min3A_1823, %max3A_1824 : vector<16xf32>
          %max3A_1826 = arith.constant 0.000000e+00 : f32
          %max3A_1827 = vector.broadcast %max3A_1826 : f32 to vector<16xf32>
          %max3A_1828 = arith.maximumf %sub3A_1825, %max3A_1827 : vector<16xf32>
          %min3A_1829 = arith.minimumf %gather3A_1821, %gather3A_173 : vector<16xf32>
          %max3A_1830 = arith.maximumf %gather3A_1819, %gather3A_171 : vector<16xf32>
          %sub3A_1831 = arith.subf %min3A_1829, %max3A_1830 : vector<16xf32>
          %max3A_1832 = arith.constant 0.000000e+00 : f32
          %max3A_1833 = vector.broadcast %max3A_1832 : f32 to vector<16xf32>
          %max3A_1834 = arith.maximumf %sub3A_1831, %max3A_1833 : vector<16xf32>
          %mul3A_1835 = arith.mulf %max3A_1828, %max3A_1834 : vector<16xf32>
          %add3A_1836 = arith.addf %gather3A_1822, %mul3A_181 : vector<16xf32>
          %sub3A_1837 = arith.subf %add3A_1836, %mul3A_1835 : vector<16xf32>
          %max3A_1838 = arith.constant 9.99999971E-10 : f32
          %max3A_1839 = vector.broadcast %max3A_1838 : f32 to vector<16xf32>
          %max3A_1840 = arith.maximumf %sub3A_1837, %max3A_1839 : vector<16xf32>
          %div3A_1841 = arith.divf %mul3A_1835, %max3A_1840 : vector<16xf32>
          %gt3A_1842 = arith.constant 5.000000e-01 : f32
          %gt3A_1843 = vector.broadcast %gt3A_1842 : f32 to vector<16xf32>
          %gt3A_1844 = arith.cmpf ogt, %div3A_1841, %gt3A_1843 : vector<16xf32>
          %jit3A_1845 = arith.constant 1.000000e+00 : f32
          %jit3A_1846 = arith.constant 0.000000e+00 : f32
          %broadcast_in_dim3A_1847 = vector.broadcast %jit3A_1845 : f32 to vector<16xf32>
          %broadcast_in_dim3A_1848 = vector.broadcast %jit3A_1846 : f32 to vector<16xf32>
          %select_n3A_1849 = arith.select %gt3A_1844, %broadcast_in_dim3A_1847, %broadcast_in_dim3A_1848 : vector<16xi1>, vector<16xf32>
          %sub3A_1850 = arith.constant 1.000000e+00 : f32
          %sub3A_1851 = vector.broadcast %sub3A_1850 : f32 to vector<16xf32>
          %sub3A_1852 = arith.subf %sub3A_1851, %select_n3A_1849 : vector<16xf32>
          %mul3A_1853 = arith.mulf %mul3A_1811, %sub3A_1852 : vector<16xf32>
          %mul3A_1854 = arith.constant 4 : i32
          %mul3A_1855 = arith.muli %while3A_1768, %mul3A_1854 : i32
          %add3A_1856 = arith.constant 2 : i32
          %add3A_1857 = arith.addi %mul3A_1855, %add3A_1856 : i32
          %add3A_1858 = vector.broadcast %add3A_1857 : i32 to vector<16xi32>
          %add3A_1859 = arith.addi %broadcast_in_dim3A_4, %add3A_1858 : vector<16xi32>
          %gather3A_1860 = tpu.vector_load_idx %arg16[%add3A_1859] : memref<128xf32, #tpu.memory_space<vmem>>[vector<16xi32>], vector<16xf32>,
          %gather3A_1861 = tpu.vector_load_idx %arg17[%add3A_1859] : memref<128xf32, #tpu.memory_space<vmem>>[vector<16xi32>], vector<16xf32>,
          %gather3A_1862 = tpu.vector_load_idx %arg18[%add3A_1859] : memref<128xf32, #tpu.memory_space<vmem>>[vector<16xi32>], vector<16xf32>,
          %gather3A_1863 = tpu.vector_load_idx %arg19[%add3A_1859] : memref<128xf32, #tpu.memory_space<vmem>>[vector<16xi32>], vector<16xf32>,
          %gather3A_1864 = tpu.vector_load_idx %arg20[%add3A_1859] : memref<128xf32, #tpu.memory_space<vmem>>[vector<16xi32>], vector<16xf32>,
          %min3A_1865 = arith.minimumf %gather3A_1862, %gather3A_172 : vector<16xf32>
          %max3A_1866 = arith.maximumf %gather3A_1860, %gather3A_170 : vector<16xf32>
          %sub3A_1867 = arith.subf %min3A_1865, %max3A_1866 : vector<16xf32>
          %max3A_1868 = arith.constant 0.000000e+00 : f32
          %max3A_1869 = vector.broadcast %max3A_1868 : f32 to vector<16xf32>
          %max3A_1870 = arith.maximumf %sub3A_1867, %max3A_1869 : vector<16xf32>
          %min3A_1871 = arith.minimumf %gather3A_1863, %gather3A_173 : vector<16xf32>
          %max3A_1872 = arith.maximumf %gather3A_1861, %gather3A_171 : vector<16xf32>
          %sub3A_1873 = arith.subf %min3A_1871, %max3A_1872 : vector<16xf32>
          %max3A_1874 = arith.constant 0.000000e+00 : f32
          %max3A_1875 = vector.broadcast %max3A_1874 : f32 to vector<16xf32>
          %max3A_1876 = arith.maximumf %sub3A_1873, %max3A_1875 : vector<16xf32>
          %mul3A_1877 = arith.mulf %max3A_1870, %max3A_1876 : vector<16xf32>
          %add3A_1878 = arith.addf %gather3A_1864, %mul3A_181 : vector<16xf32>
          %sub3A_1879 = arith.subf %add3A_1878, %mul3A_1877 : vector<16xf32>
          %max3A_1880 = arith.constant 9.99999971E-10 : f32
          %max3A_1881 = vector.broadcast %max3A_1880 : f32 to vector<16xf32>
          %max3A_1882 = arith.maximumf %sub3A_1879, %max3A_1881 : vector<16xf32>
          %div3A_1883 = arith.divf %mul3A_1877, %max3A_1882 : vector<16xf32>
          %gt3A_1884 = arith.constant 5.000000e-01 : f32
          %gt3A_1885 = vector.broadcast %gt3A_1884 : f32 to vector<16xf32>
          %gt3A_1886 = arith.cmpf ogt, %div3A_1883, %gt3A_1885 : vector<16xf32>
          %jit3A_1887 = arith.constant 1.000000e+00 : f32
          %jit3A_1888 = arith.constant 0.000000e+00 : f32
          %broadcast_in_dim3A_1889 = vector.broadcast %jit3A_1887 : f32 to vector<16xf32>
          %broadcast_in_dim3A_1890 = vector.broadcast %jit3A_1888 : f32 to vector<16xf32>
          %select_n3A_1891 = arith.select %gt3A_1886, %broadcast_in_dim3A_1889, %broadcast_in_dim3A_1890 : vector<16xi1>, vector<16xf32>
          %sub3A_1892 = arith.constant 1.000000e+00 : f32
          %sub3A_1893 = vector.broadcast %sub3A_1892 : f32 to vector<16xf32>
          %sub3A_1894 = arith.subf %sub3A_1893, %select_n3A_1891 : vector<16xf32>
          %mul3A_1895 = arith.mulf %mul3A_1853, %sub3A_1894 : vector<16xf32>
          %mul3A_1896 = arith.constant 4 : i32
          %mul3A_1897 = arith.muli %while3A_1768, %mul3A_1896 : i32
          %add3A_1898 = arith.constant 3 : i32
          %add3A_1899 = arith.addi %mul3A_1897, %add3A_1898 : i32
          %add3A_1900 = vector.broadcast %add3A_1899 : i32 to vector<16xi32>
          %add3A_1901 = arith.addi %broadcast_in_dim3A_4, %add3A_1900 : vector<16xi32>
          %gather3A_1902 = tpu.vector_load_idx %arg16[%add3A_1901] : memref<128xf32, #tpu.memory_space<vmem>>[vector<16xi32>], vector<16xf32>,
          %gather3A_1903 = tpu.vector_load_idx %arg17[%add3A_1901] : memref<128xf32, #tpu.memory_space<vmem>>[vector<16xi32>], vector<16xf32>,
          %gather3A_1904 = tpu.vector_load_idx %arg18[%add3A_1901] : memref<128xf32, #tpu.memory_space<vmem>>[vector<16xi32>], vector<16xf32>,
          %gather3A_1905 = tpu.vector_load_idx %arg19[%add3A_1901] : memref<128xf32, #tpu.memory_space<vmem>>[vector<16xi32>], vector<16xf32>,
          %gather3A_1906 = tpu.vector_load_idx %arg20[%add3A_1901] : memref<128xf32, #tpu.memory_space<vmem>>[vector<16xi32>], vector<16xf32>,
          %min3A_1907 = arith.minimumf %gather3A_1904, %gather3A_172 : vector<16xf32>
          %max3A_1908 = arith.maximumf %gather3A_1902, %gather3A_170 : vector<16xf32>
          %sub3A_1909 = arith.subf %min3A_1907, %max3A_1908 : vector<16xf32>
          %max3A_1910 = arith.constant 0.000000e+00 : f32
          %max3A_1911 = vector.broadcast %max3A_1910 : f32 to vector<16xf32>
          %max3A_1912 = arith.maximumf %sub3A_1909, %max3A_1911 : vector<16xf32>
          %min3A_1913 = arith.minimumf %gather3A_1905, %gather3A_173 : vector<16xf32>
          %max3A_1914 = arith.maximumf %gather3A_1903, %gather3A_171 : vector<16xf32>
          %sub3A_1915 = arith.subf %min3A_1913, %max3A_1914 : vector<16xf32>
          %max3A_1916 = arith.constant 0.000000e+00 : f32
          %max3A_1917 = vector.broadcast %max3A_1916 : f32 to vector<16xf32>
          %max3A_1918 = arith.maximumf %sub3A_1915, %max3A_1917 : vector<16xf32>
          %mul3A_1919 = arith.mulf %max3A_1912, %max3A_1918 : vector<16xf32>
          %add3A_1920 = arith.addf %gather3A_1906, %mul3A_181 : vector<16xf32>
          %sub3A_1921 = arith.subf %add3A_1920, %mul3A_1919 : vector<16xf32>
          %max3A_1922 = arith.constant 9.99999971E-10 : f32
          %max3A_1923 = vector.broadcast %max3A_1922 : f32 to vector<16xf32>
          %max3A_1924 = arith.maximumf %sub3A_1921, %max3A_1923 : vector<16xf32>
          %div3A_1925 = arith.divf %mul3A_1919, %max3A_1924 : vector<16xf32>
          %gt3A_1926 = arith.constant 5.000000e-01 : f32
          %gt3A_1927 = vector.broadcast %gt3A_1926 : f32 to vector<16xf32>
          %gt3A_1928 = arith.cmpf ogt, %div3A_1925, %gt3A_1927 : vector<16xf32>
          %jit3A_1929 = arith.constant 1.000000e+00 : f32
          %jit3A_1930 = arith.constant 0.000000e+00 : f32
          %broadcast_in_dim3A_1931 = vector.broadcast %jit3A_1929 : f32 to vector<16xf32>
          %broadcast_in_dim3A_1932 = vector.broadcast %jit3A_1930 : f32 to vector<16xf32>
          %select_n3A_1933 = arith.select %gt3A_1928, %broadcast_in_dim3A_1931, %broadcast_in_dim3A_1932 : vector<16xi1>, vector<16xf32>
          %sub3A_1934 = arith.constant 1.000000e+00 : f32
          %sub3A_1935 = vector.broadcast %sub3A_1934 : f32 to vector<16xf32>
          %sub3A_1936 = arith.subf %sub3A_1935, %select_n3A_1933 : vector<16xf32>
          %mul3A_1937 = arith.mulf %mul3A_1895, %sub3A_1936 : vector<16xf32>
          scf.yield %mul3A_1937 : vector<16xf32>
        }
        %while3A_223 = arith.constant 1 : i32
        %while3A_224 = scf.for %while3A_1768 = %while3A_220 to %while3A_216 step %while3A_223 iter_args(%while3A_1769 = %while3A_222) -> (vector<16xf32>)  : i32 {
          %mul3A_1770 = arith.constant 4 : i32
          %mul3A_1771 = arith.muli %while3A_1768, %mul3A_1770 : i32
          %add3A_1772 = arith.constant 0 : i32
          %add3A_1773 = arith.addi %mul3A_1771, %add3A_1772 : i32
          %add3A_1774 = vector.broadcast %add3A_1773 : i32 to vector<16xi32>
          %add3A_1775 = arith.addi %broadcast_in_dim3A_4, %add3A_1774 : vector<16xi32>
          %gather3A_1776 = tpu.vector_load_idx %arg16[%add3A_1775] : memref<128xf32, #tpu.memory_space<vmem>>[vector<16xi32>], vector<16xf32>,
          %gather3A_1777 = tpu.vector_load_idx %arg17[%add3A_1775] : memref<128xf32, #tpu.memory_space<vmem>>[vector<16xi32>], vector<16xf32>,
          %gather3A_1778 = tpu.vector_load_idx %arg18[%add3A_1775] : memref<128xf32, #tpu.memory_space<vmem>>[vector<16xi32>], vector<16xf32>,
          %gather3A_1779 = tpu.vector_load_idx %arg19[%add3A_1775] : memref<128xf32, #tpu.memory_space<vmem>>[vector<16xi32>], vector<16xf32>,
          %gather3A_1780 = tpu.vector_load_idx %arg20[%add3A_1775] : memref<128xf32, #tpu.memory_space<vmem>>[vector<16xi32>], vector<16xf32>,
          %min3A_1781 = arith.minimumf %gather3A_1778, %gather3A_172 : vector<16xf32>
          %max3A_1782 = arith.maximumf %gather3A_1776, %gather3A_170 : vector<16xf32>
          %sub3A_1783 = arith.subf %min3A_1781, %max3A_1782 : vector<16xf32>
          %max3A_1784 = arith.constant 0.000000e+00 : f32
          %max3A_1785 = vector.broadcast %max3A_1784 : f32 to vector<16xf32>
          %max3A_1786 = arith.maximumf %sub3A_1783, %max3A_1785 : vector<16xf32>
          %min3A_1787 = arith.minimumf %gather3A_1779, %gather3A_173 : vector<16xf32>
          %max3A_1788 = arith.maximumf %gather3A_1777, %gather3A_171 : vector<16xf32>
          %sub3A_1789 = arith.subf %min3A_1787, %max3A_1788 : vector<16xf32>
          %max3A_1790 = arith.constant 0.000000e+00 : f32
          %max3A_1791 = vector.broadcast %max3A_1790 : f32 to vector<16xf32>
          %max3A_1792 = arith.maximumf %sub3A_1789, %max3A_1791 : vector<16xf32>
          %mul3A_1793 = arith.mulf %max3A_1786, %max3A_1792 : vector<16xf32>
          %add3A_1794 = arith.addf %gather3A_1780, %mul3A_181 : vector<16xf32>
          %sub3A_1795 = arith.subf %add3A_1794, %mul3A_1793 : vector<16xf32>
          %max3A_1796 = arith.constant 9.99999971E-10 : f32
          %max3A_1797 = vector.broadcast %max3A_1796 : f32 to vector<16xf32>
          %max3A_1798 = arith.maximumf %sub3A_1795, %max3A_1797 : vector<16xf32>
          %div3A_1799 = arith.divf %mul3A_1793, %max3A_1798 : vector<16xf32>
          %gt3A_1800 = arith.constant 5.000000e-01 : f32
          %gt3A_1801 = vector.broadcast %gt3A_1800 : f32 to vector<16xf32>
          %gt3A_1802 = arith.cmpf ogt, %div3A_1799, %gt3A_1801 : vector<16xf32>
          %jit3A_1803 = arith.constant 1.000000e+00 : f32
          %jit3A_1804 = arith.constant 0.000000e+00 : f32
          %broadcast_in_dim3A_1805 = vector.broadcast %jit3A_1803 : f32 to vector<16xf32>
          %broadcast_in_dim3A_1806 = vector.broadcast %jit3A_1804 : f32 to vector<16xf32>
          %select_n3A_1807 = arith.select %gt3A_1802, %broadcast_in_dim3A_1805, %broadcast_in_dim3A_1806 : vector<16xi1>, vector<16xf32>
          %sub3A_1808 = arith.constant 1.000000e+00 : f32
          %sub3A_1809 = vector.broadcast %sub3A_1808 : f32 to vector<16xf32>
          %sub3A_1810 = arith.subf %sub3A_1809, %select_n3A_1807 : vector<16xf32>
          %mul3A_1811 = arith.mulf %while3A_1769, %sub3A_1810 : vector<16xf32>
          %mul3A_1812 = arith.constant 4 : i32
          %mul3A_1813 = arith.muli %while3A_1768, %mul3A_1812 : i32
          %add3A_1814 = arith.constant 1 : i32
          %add3A_1815 = arith.addi %mul3A_1813, %add3A_1814 : i32
          %add3A_1816 = vector.broadcast %add3A_1815 : i32 to vector<16xi32>
          %add3A_1817 = arith.addi %broadcast_in_dim3A_4, %add3A_1816 : vector<16xi32>
          %gather3A_1818 = tpu.vector_load_idx %arg16[%add3A_1817] : memref<128xf32, #tpu.memory_space<vmem>>[vector<16xi32>], vector<16xf32>,
          %gather3A_1819 = tpu.vector_load_idx %arg17[%add3A_1817] : memref<128xf32, #tpu.memory_space<vmem>>[vector<16xi32>], vector<16xf32>,
          %gather3A_1820 = tpu.vector_load_idx %arg18[%add3A_1817] : memref<128xf32, #tpu.memory_space<vmem>>[vector<16xi32>], vector<16xf32>,
          %gather3A_1821 = tpu.vector_load_idx %arg19[%add3A_1817] : memref<128xf32, #tpu.memory_space<vmem>>[vector<16xi32>], vector<16xf32>,
          %gather3A_1822 = tpu.vector_load_idx %arg20[%add3A_1817] : memref<128xf32, #tpu.memory_space<vmem>>[vector<16xi32>], vector<16xf32>,
          %min3A_1823 = arith.minimumf %gather3A_1820, %gather3A_172 : vector<16xf32>
          %max3A_1824 = arith.maximumf %gather3A_1818, %gather3A_170 : vector<16xf32>
          %sub3A_1825 = arith.subf %min3A_1823, %max3A_1824 : vector<16xf32>
          %max3A_1826 = arith.constant 0.000000e+00 : f32
          %max3A_1827 = vector.broadcast %max3A_1826 : f32 to vector<16xf32>
          %max3A_1828 = arith.maximumf %sub3A_1825, %max3A_1827 : vector<16xf32>
          %min3A_1829 = arith.minimumf %gather3A_1821, %gather3A_173 : vector<16xf32>
          %max3A_1830 = arith.maximumf %gather3A_1819, %gather3A_171 : vector<16xf32>
          %sub3A_1831 = arith.subf %min3A_1829, %max3A_1830 : vector<16xf32>
          %max3A_1832 = arith.constant 0.000000e+00 : f32
          %max3A_1833 = vector.broadcast %max3A_1832 : f32 to vector<16xf32>
          %max3A_1834 = arith.maximumf %sub3A_1831, %max3A_1833 : vector<16xf32>
          %mul3A_1835 = arith.mulf %max3A_1828, %max3A_1834 : vector<16xf32>
          %add3A_1836 = arith.addf %gather3A_1822, %mul3A_181 : vector<16xf32>
          %sub3A_1837 = arith.subf %add3A_1836, %mul3A_1835 : vector<16xf32>
          %max3A_1838 = arith.constant 9.99999971E-10 : f32
          %max3A_1839 = vector.broadcast %max3A_1838 : f32 to vector<16xf32>
          %max3A_1840 = arith.maximumf %sub3A_1837, %max3A_1839 : vector<16xf32>
          %div3A_1841 = arith.divf %mul3A_1835, %max3A_1840 : vector<16xf32>
          %gt3A_1842 = arith.constant 5.000000e-01 : f32
          %gt3A_1843 = vector.broadcast %gt3A_1842 : f32 to vector<16xf32>
          %gt3A_1844 = arith.cmpf ogt, %div3A_1841, %gt3A_1843 : vector<16xf32>
          %jit3A_1845 = arith.constant 1.000000e+00 : f32
          %jit3A_1846 = arith.constant 0.000000e+00 : f32
          %broadcast_in_dim3A_1847 = vector.broadcast %jit3A_1845 : f32 to vector<16xf32>
          %broadcast_in_dim3A_1848 = vector.broadcast %jit3A_1846 : f32 to vector<16xf32>
          %select_n3A_1849 = arith.select %gt3A_1844, %broadcast_in_dim3A_1847, %broadcast_in_dim3A_1848 : vector<16xi1>, vector<16xf32>
          %sub3A_1850 = arith.constant 1.000000e+00 : f32
          %sub3A_1851 = vector.broadcast %sub3A_1850 : f32 to vector<16xf32>
          %sub3A_1852 = arith.subf %sub3A_1851, %select_n3A_1849 : vector<16xf32>
          %mul3A_1853 = arith.mulf %mul3A_1811, %sub3A_1852 : vector<16xf32>
          %mul3A_1854 = arith.constant 4 : i32
          %mul3A_1855 = arith.muli %while3A_1768, %mul3A_1854 : i32
          %add3A_1856 = arith.constant 2 : i32
          %add3A_1857 = arith.addi %mul3A_1855, %add3A_1856 : i32
          %add3A_1858 = vector.broadcast %add3A_1857 : i32 to vector<16xi32>
          %add3A_1859 = arith.addi %broadcast_in_dim3A_4, %add3A_1858 : vector<16xi32>
          %gather3A_1860 = tpu.vector_load_idx %arg16[%add3A_1859] : memref<128xf32, #tpu.memory_space<vmem>>[vector<16xi32>], vector<16xf32>,
          %gather3A_1861 = tpu.vector_load_idx %arg17[%add3A_1859] : memref<128xf32, #tpu.memory_space<vmem>>[vector<16xi32>], vector<16xf32>,
          %gather3A_1862 = tpu.vector_load_idx %arg18[%add3A_1859] : memref<128xf32, #tpu.memory_space<vmem>>[vector<16xi32>], vector<16xf32>,
          %gather3A_1863 = tpu.vector_load_idx %arg19[%add3A_1859] : memref<128xf32, #tpu.memory_space<vmem>>[vector<16xi32>], vector<16xf32>,
          %gather3A_1864 = tpu.vector_load_idx %arg20[%add3A_1859] : memref<128xf32, #tpu.memory_space<vmem>>[vector<16xi32>], vector<16xf32>,
          %min3A_1865 = arith.minimumf %gather3A_1862, %gather3A_172 : vector<16xf32>
          %max3A_1866 = arith.maximumf %gather3A_1860, %gather3A_170 : vector<16xf32>
          %sub3A_1867 = arith.subf %min3A_1865, %max3A_1866 : vector<16xf32>
          %max3A_1868 = arith.constant 0.000000e+00 : f32
          %max3A_1869 = vector.broadcast %max3A_1868 : f32 to vector<16xf32>
          %max3A_1870 = arith.maximumf %sub3A_1867, %max3A_1869 : vector<16xf32>
          %min3A_1871 = arith.minimumf %gather3A_1863, %gather3A_173 : vector<16xf32>
          %max3A_1872 = arith.maximumf %gather3A_1861, %gather3A_171 : vector<16xf32>
          %sub3A_1873 = arith.subf %min3A_1871, %max3A_1872 : vector<16xf32>
          %max3A_1874 = arith.constant 0.000000e+00 : f32
          %max3A_1875 = vector.broadcast %max3A_1874 : f32 to vector<16xf32>
          %max3A_1876 = arith.maximumf %sub3A_1873, %max3A_1875 : vector<16xf32>
          %mul3A_1877 = arith.mulf %max3A_1870, %max3A_1876 : vector<16xf32>
          %add3A_1878 = arith.addf %gather3A_1864, %mul3A_181 : vector<16xf32>
          %sub3A_1879 = arith.subf %add3A_1878, %mul3A_1877 : vector<16xf32>
          %max3A_1880 = arith.constant 9.99999971E-10 : f32
          %max3A_1881 = vector.broadcast %max3A_1880 : f32 to vector<16xf32>
          %max3A_1882 = arith.maximumf %sub3A_1879, %max3A_1881 : vector<16xf32>
          %div3A_1883 = arith.divf %mul3A_1877, %max3A_1882 : vector<16xf32>
          %gt3A_1884 = arith.constant 5.000000e-01 : f32
          %gt3A_1885 = vector.broadcast %gt3A_1884 : f32 to vector<16xf32>
          %gt3A_1886 = arith.cmpf ogt, %div3A_1883, %gt3A_1885 : vector<16xf32>
          %jit3A_1887 = arith.constant 1.000000e+00 : f32
          %jit3A_1888 = arith.constant 0.000000e+00 : f32
          %broadcast_in_dim3A_1889 = vector.broadcast %jit3A_1887 : f32 to vector<16xf32>
          %broadcast_in_dim3A_1890 = vector.broadcast %jit3A_1888 : f32 to vector<16xf32>
          %select_n3A_1891 = arith.select %gt3A_1886, %broadcast_in_dim3A_1889, %broadcast_in_dim3A_1890 : vector<16xi1>, vector<16xf32>
          %sub3A_1892 = arith.constant 1.000000e+00 : f32
          %sub3A_1893 = vector.broadcast %sub3A_1892 : f32 to vector<16xf32>
          %sub3A_1894 = arith.subf %sub3A_1893, %select_n3A_1891 : vector<16xf32>
          %mul3A_1895 = arith.mulf %mul3A_1853, %sub3A_1894 : vector<16xf32>
          %mul3A_1896 = arith.constant 4 : i32
          %mul3A_1897 = arith.muli %while3A_1768, %mul3A_1896 : i32
          %add3A_1898 = arith.constant 3 : i32
          %add3A_1899 = arith.addi %mul3A_1897, %add3A_1898 : i32
          %add3A_1900 = vector.broadcast %add3A_1899 : i32 to vector<16xi32>
          %add3A_1901 = arith.addi %broadcast_in_dim3A_4, %add3A_1900 : vector<16xi32>
          %gather3A_1902 = tpu.vector_load_idx %arg16[%add3A_1901] : memref<128xf32, #tpu.memory_space<vmem>>[vector<16xi32>], vector<16xf32>,
          %gather3A_1903 = tpu.vector_load_idx %arg17[%add3A_1901] : memref<128xf32, #tpu.memory_space<vmem>>[vector<16xi32>], vector<16xf32>,
          %gather3A_1904 = tpu.vector_load_idx %arg18[%add3A_1901] : memref<128xf32, #tpu.memory_space<vmem>>[vector<16xi32>], vector<16xf32>,
          %gather3A_1905 = tpu.vector_load_idx %arg19[%add3A_1901] : memref<128xf32, #tpu.memory_space<vmem>>[vector<16xi32>], vector<16xf32>,
          %gather3A_1906 = tpu.vector_load_idx %arg20[%add3A_1901] : memref<128xf32, #tpu.memory_space<vmem>>[vector<16xi32>], vector<16xf32>,
          %min3A_1907 = arith.minimumf %gather3A_1904, %gather3A_172 : vector<16xf32>
          %max3A_1908 = arith.maximumf %gather3A_1902, %gather3A_170 : vector<16xf32>
          %sub3A_1909 = arith.subf %min3A_1907, %max3A_1908 : vector<16xf32>
          %max3A_1910 = arith.constant 0.000000e+00 : f32
          %max3A_1911 = vector.broadcast %max3A_1910 : f32 to vector<16xf32>
          %max3A_1912 = arith.maximumf %sub3A_1909, %max3A_1911 : vector<16xf32>
          %min3A_1913 = arith.minimumf %gather3A_1905, %gather3A_173 : vector<16xf32>
          %max3A_1914 = arith.maximumf %gather3A_1903, %gather3A_171 : vector<16xf32>
          %sub3A_1915 = arith.subf %min3A_1913, %max3A_1914 : vector<16xf32>
          %max3A_1916 = arith.constant 0.000000e+00 : f32
          %max3A_1917 = vector.broadcast %max3A_1916 : f32 to vector<16xf32>
          %max3A_1918 = arith.maximumf %sub3A_1915, %max3A_1917 : vector<16xf32>
          %mul3A_1919 = arith.mulf %max3A_1912, %max3A_1918 : vector<16xf32>
          %add3A_1920 = arith.addf %gather3A_1906, %mul3A_181 : vector<16xf32>
          %sub3A_1921 = arith.subf %add3A_1920, %mul3A_1919 : vector<16xf32>
          %max3A_1922 = arith.constant 9.99999971E-10 : f32
          %max3A_1923 = vector.broadcast %max3A_1922 : f32 to vector<16xf32>
          %max3A_1924 = arith.maximumf %sub3A_1921, %max3A_1923 : vector<16xf32>
          %div3A_1925 = arith.divf %mul3A_1919, %max3A_1924 : vector<16xf32>
          %gt3A_1926 = arith.constant 5.000000e-01 : f32
          %gt3A_1927 = vector.broadcast %gt3A_1926 : f32 to vector<16xf32>
          %gt3A_1928 = arith.cmpf ogt, %div3A_1925, %gt3A_1927 : vector<16xf32>
          %jit3A_1929 = arith.constant 1.000000e+00 : f32
          %jit3A_1930 = arith.constant 0.000000e+00 : f32
          %broadcast_in_dim3A_1931 = vector.broadcast %jit3A_1929 : f32 to vector<16xf32>
          %broadcast_in_dim3A_1932 = vector.broadcast %jit3A_1930 : f32 to vector<16xf32>
          %select_n3A_1933 = arith.select %gt3A_1928, %broadcast_in_dim3A_1931, %broadcast_in_dim3A_1932 : vector<16xi1>, vector<16xf32>
          %sub3A_1934 = arith.constant 1.000000e+00 : f32
          %sub3A_1935 = vector.broadcast %sub3A_1934 : f32 to vector<16xf32>
          %sub3A_1936 = arith.subf %sub3A_1935, %select_n3A_1933 : vector<16xf32>
          %mul3A_1937 = arith.mulf %mul3A_1895, %sub3A_1936 : vector<16xf32>
          scf.yield %mul3A_1937 : vector<16xf32>
        }
        %add3A_225 = arith.constant 0 : i32
        %add3A_226 = vector.broadcast %add3A_225 : i32 to vector<16xi32>
        %add3A_227 = arith.addi %broadcast_in_dim3A_4, %add3A_226 : vector<16xi32>
        %lt3A_228 = arith.constant 0 : i32
        %lt3A_229 = vector.broadcast %lt3A_228 : i32 to vector<16xi32>
        %lt3A_230 = arith.cmpi slt, %add3A_227, %lt3A_229 : vector<16xi32>
        %add3A_231 = arith.constant 16 : i32
        %add3A_232 = vector.broadcast %add3A_231 : i32 to vector<16xi32>
        %add3A_233 = arith.addi %add3A_227, %add3A_232 : vector<16xi32>
        %select_n3A_234 = arith.select %lt3A_230, %add3A_233, %add3A_227 : vector<16xi1>, vector<16xi32>
        %broadcast_in_dim3A_235 = vector.shape_cast %select_n3A_234 : vector<16xi32> to vector<16x1xi32>
        %gather3A_236 = vector.shape_cast %broadcast_in_dim3A_235 : vector<16x1xi32> to vector<16xi32>
        %gather3A_237 = tpu.dynamic_gather %while3A_224[%gather3A_236] in [0] : vector<16xf32>, vector<16xi32> -> vector<16xf32>
        %lt3A_238 = arith.constant 0 : i32
        %lt3A_239 = vector.broadcast %lt3A_238 : i32 to vector<16xi32>
        %lt3A_240 = arith.cmpi slt, %add3A_227, %lt3A_239 : vector<16xi32>
        %add3A_241 = arith.constant 16 : i32
        %add3A_242 = vector.broadcast %add3A_241 : i32 to vector<16xi32>
        %add3A_243 = arith.addi %add3A_227, %add3A_242 : vector<16xi32>
        %select_n3A_244 = arith.select %lt3A_240, %add3A_243, %add3A_227 : vector<16xi1>, vector<16xi32>
        %broadcast_in_dim3A_245 = vector.shape_cast %select_n3A_244 : vector<16xi32> to vector<16x1xi32>
        %gather3A_246 = vector.shape_cast %broadcast_in_dim3A_245 : vector<16x1xi32> to vector<16xi32>
        %gather3A_247 = tpu.dynamic_gather %gather3A_170[%gather3A_246] in [0] : vector<16xf32>, vector<16xi32> -> vector<16xf32>
        %lt3A_248 = arith.constant 0 : i32
        %lt3A_249 = vector.broadcast %lt3A_248 : i32 to vector<16xi32>
        %lt3A_250 = arith.cmpi slt, %add3A_227, %lt3A_249 : vector<16xi32>
        %add3A_251 = arith.constant 16 : i32
        %add3A_252 = vector.broadcast %add3A_251 : i32 to vector<16xi32>
        %add3A_253 = arith.addi %add3A_227, %add3A_252 : vector<16xi32>
        %select_n3A_254 = arith.select %lt3A_250, %add3A_253, %add3A_227 : vector<16xi1>, vector<16xi32>
        %broadcast_in_dim3A_255 = vector.shape_cast %select_n3A_254 : vector<16xi32> to vector<16x1xi32>
        %gather3A_256 = vector.shape_cast %broadcast_in_dim3A_255 : vector<16x1xi32> to vector<16xi32>
        %gather3A_257 = tpu.dynamic_gather %gather3A_171[%gather3A_256] in [0] : vector<16xf32>, vector<16xi32> -> vector<16xf32>
        %lt3A_258 = arith.constant 0 : i32
        %lt3A_259 = vector.broadcast %lt3A_258 : i32 to vector<16xi32>
        %lt3A_260 = arith.cmpi slt, %add3A_227, %lt3A_259 : vector<16xi32>
        %add3A_261 = arith.constant 16 : i32
        %add3A_262 = vector.broadcast %add3A_261 : i32 to vector<16xi32>
        %add3A_263 = arith.addi %add3A_227, %add3A_262 : vector<16xi32>
        %select_n3A_264 = arith.select %lt3A_260, %add3A_263, %add3A_227 : vector<16xi1>, vector<16xi32>
        %broadcast_in_dim3A_265 = vector.shape_cast %select_n3A_264 : vector<16xi32> to vector<16x1xi32>
        %gather3A_266 = vector.shape_cast %broadcast_in_dim3A_265 : vector<16x1xi32> to vector<16xi32>
        %gather3A_267 = tpu.dynamic_gather %gather3A_172[%gather3A_266] in [0] : vector<16xf32>, vector<16xi32> -> vector<16xf32>
        %lt3A_268 = arith.constant 0 : i32
        %lt3A_269 = vector.broadcast %lt3A_268 : i32 to vector<16xi32>
        %lt3A_270 = arith.cmpi slt, %add3A_227, %lt3A_269 : vector<16xi32>
        %add3A_271 = arith.constant 16 : i32
        %add3A_272 = vector.broadcast %add3A_271 : i32 to vector<16xi32>
        %add3A_273 = arith.addi %add3A_227, %add3A_272 : vector<16xi32>
        %select_n3A_274 = arith.select %lt3A_270, %add3A_273, %add3A_227 : vector<16xi1>, vector<16xi32>
        %broadcast_in_dim3A_275 = vector.shape_cast %select_n3A_274 : vector<16xi32> to vector<16x1xi32>
        %gather3A_276 = vector.shape_cast %broadcast_in_dim3A_275 : vector<16x1xi32> to vector<16xi32>
        %gather3A_277 = tpu.dynamic_gather %gather3A_173[%gather3A_276] in [0] : vector<16xf32>, vector<16xi32> -> vector<16xf32>
        %sub3A_278 = arith.subf %gather3A_267, %gather3A_247 : vector<16xf32>
        %max3A_279 = arith.constant 0.000000e+00 : f32
        %max3A_280 = vector.broadcast %max3A_279 : f32 to vector<16xf32>
        %max3A_281 = arith.maximumf %sub3A_278, %max3A_280 : vector<16xf32>
        %sub3A_282 = arith.subf %gather3A_277, %gather3A_257 : vector<16xf32>
        %max3A_283 = arith.constant 0.000000e+00 : f32
        %max3A_284 = vector.broadcast %max3A_283 : f32 to vector<16xf32>
        %max3A_285 = arith.maximumf %sub3A_282, %max3A_284 : vector<16xf32>
        %mul3A_286 = arith.mulf %max3A_281, %max3A_285 : vector<16xf32>
        %min3A = arith.minimumf %gather3A_267, %gather3A_172 : vector<16xf32>
        %max3A_287 = arith.maximumf %gather3A_247, %gather3A_170 : vector<16xf32>
        %sub3A_288 = arith.subf %min3A, %max3A_287 : vector<16xf32>
        %max3A_289 = arith.constant 0.000000e+00 : f32
        %max3A_290 = vector.broadcast %max3A_289 : f32 to vector<16xf32>
        %max3A_291 = arith.maximumf %sub3A_288, %max3A_290 : vector<16xf32>
        %min3A_292 = arith.minimumf %gather3A_277, %gather3A_173 : vector<16xf32>
        %max3A_293 = arith.maximumf %gather3A_257, %gather3A_171 : vector<16xf32>
        %sub3A_294 = arith.subf %min3A_292, %max3A_293 : vector<16xf32>
        %max3A_295 = arith.constant 0.000000e+00 : f32
        %max3A_296 = vector.broadcast %max3A_295 : f32 to vector<16xf32>
        %max3A_297 = arith.maximumf %sub3A_294, %max3A_296 : vector<16xf32>
        %mul3A_298 = arith.mulf %max3A_291, %max3A_297 : vector<16xf32>
        %add3A_299 = arith.addf %mul3A_286, %mul3A_181 : vector<16xf32>
        %sub3A_300 = arith.subf %add3A_299, %mul3A_298 : vector<16xf32>
        %max3A_301 = arith.constant 9.99999971E-10 : f32
        %max3A_302 = vector.broadcast %max3A_301 : f32 to vector<16xf32>
        %max3A_303 = arith.maximumf %sub3A_300, %max3A_302 : vector<16xf32>
        %div3A_304 = arith.divf %mul3A_298, %max3A_303 : vector<16xf32>
        %gt3A_305 = arith.constant 5.000000e-01 : f32
        %gt3A_306 = vector.broadcast %gt3A_305 : f32 to vector<16xf32>
        %gt3A_307 = arith.cmpf ogt, %div3A_304, %gt3A_306 : vector<16xf32>
        %gt3A_308 = arith.constant 0 : i32
        %gt3A_309 = vector.broadcast %gt3A_308 : i32 to vector<16xi32>
        %gt3A_310 = arith.cmpi sgt, %iota3A, %gt3A_309 : vector<16xi32>
        %and3A_311 = arith.andi %gt3A_307, %gt3A_310 : vector<16xi1>
        %jit3A_312 = arith.constant 0.000000e+00 : f32
        %broadcast_in_dim3A_313 = vector.broadcast %jit3A_312 : f32 to vector<16xf32>
        %select_n3A_314 = arith.select %and3A_311, %gather3A_237, %broadcast_in_dim3A_313 : vector<16xi1>, vector<16xf32>
        %sub3A_315 = arith.constant 1.000000e+00 : f32
        %sub3A_316 = vector.broadcast %sub3A_315 : f32 to vector<16xf32>
        %sub3A_317 = arith.subf %sub3A_316, %select_n3A_314 : vector<16xf32>
        %mul3A_318 = arith.mulf %while3A_224, %sub3A_317 : vector<16xf32>
        %add3A_319 = arith.constant 1 : i32
        %add3A_320 = vector.broadcast %add3A_319 : i32 to vector<16xi32>
        %add3A_321 = arith.addi %broadcast_in_dim3A_4, %add3A_320 : vector<16xi32>
        %lt3A_322 = arith.constant 0 : i32
        %lt3A_323 = vector.broadcast %lt3A_322 : i32 to vector<16xi32>
        %lt3A_324 = arith.cmpi slt, %add3A_321, %lt3A_323 : vector<16xi32>
        %add3A_325 = arith.constant 16 : i32
        %add3A_326 = vector.broadcast %add3A_325 : i32 to vector<16xi32>
        %add3A_327 = arith.addi %add3A_321, %add3A_326 : vector<16xi32>
        %select_n3A_328 = arith.select %lt3A_324, %add3A_327, %add3A_321 : vector<16xi1>, vector<16xi32>
        %broadcast_in_dim3A_329 = vector.shape_cast %select_n3A_328 : vector<16xi32> to vector<16x1xi32>
        %gather3A_330 = vector.shape_cast %broadcast_in_dim3A_329 : vector<16x1xi32> to vector<16xi32>
        %gather3A_331 = tpu.dynamic_gather %mul3A_318[%gather3A_330] in [0] : vector<16xf32>, vector<16xi32> -> vector<16xf32>
        %lt3A_332 = arith.constant 0 : i32
        %lt3A_333 = vector.broadcast %lt3A_332 : i32 to vector<16xi32>
        %lt3A_334 = arith.cmpi slt, %add3A_321, %lt3A_333 : vector<16xi32>
        %add3A_335 = arith.constant 16 : i32
        %add3A_336 = vector.broadcast %add3A_335 : i32 to vector<16xi32>
        %add3A_337 = arith.addi %add3A_321, %add3A_336 : vector<16xi32>
        %select_n3A_338 = arith.select %lt3A_334, %add3A_337, %add3A_321 : vector<16xi1>, vector<16xi32>
        %broadcast_in_dim3A_339 = vector.shape_cast %select_n3A_338 : vector<16xi32> to vector<16x1xi32>
        %gather3A_340 = vector.shape_cast %broadcast_in_dim3A_339 : vector<16x1xi32> to vector<16xi32>
        %gather3A_341 = tpu.dynamic_gather %gather3A_170[%gather3A_340] in [0] : vector<16xf32>, vector<16xi32> -> vector<16xf32>
        %lt3A_342 = arith.constant 0 : i32
        %lt3A_343 = vector.broadcast %lt3A_342 : i32 to vector<16xi32>
        %lt3A_344 = arith.cmpi slt, %add3A_321, %lt3A_343 : vector<16xi32>
        %add3A_345 = arith.constant 16 : i32
        %add3A_346 = vector.broadcast %add3A_345 : i32 to vector<16xi32>
        %add3A_347 = arith.addi %add3A_321, %add3A_346 : vector<16xi32>
        %select_n3A_348 = arith.select %lt3A_344, %add3A_347, %add3A_321 : vector<16xi1>, vector<16xi32>
        %broadcast_in_dim3A_349 = vector.shape_cast %select_n3A_348 : vector<16xi32> to vector<16x1xi32>
        %gather3A_350 = vector.shape_cast %broadcast_in_dim3A_349 : vector<16x1xi32> to vector<16xi32>
        %gather3A_351 = tpu.dynamic_gather %gather3A_171[%gather3A_350] in [0] : vector<16xf32>, vector<16xi32> -> vector<16xf32>
        %lt3A_352 = arith.constant 0 : i32
        %lt3A_353 = vector.broadcast %lt3A_352 : i32 to vector<16xi32>
        %lt3A_354 = arith.cmpi slt, %add3A_321, %lt3A_353 : vector<16xi32>
        %add3A_355 = arith.constant 16 : i32
        %add3A_356 = vector.broadcast %add3A_355 : i32 to vector<16xi32>
        %add3A_357 = arith.addi %add3A_321, %add3A_356 : vector<16xi32>
        %select_n3A_358 = arith.select %lt3A_354, %add3A_357, %add3A_321 : vector<16xi1>, vector<16xi32>
        %broadcast_in_dim3A_359 = vector.shape_cast %select_n3A_358 : vector<16xi32> to vector<16x1xi32>
        %gather3A_360 = vector.shape_cast %broadcast_in_dim3A_359 : vector<16x1xi32> to vector<16xi32>
        %gather3A_361 = tpu.dynamic_gather %gather3A_172[%gather3A_360] in [0] : vector<16xf32>, vector<16xi32> -> vector<16xf32>
        %lt3A_362 = arith.constant 0 : i32
        %lt3A_363 = vector.broadcast %lt3A_362 : i32 to vector<16xi32>
        %lt3A_364 = arith.cmpi slt, %add3A_321, %lt3A_363 : vector<16xi32>
        %add3A_365 = arith.constant 16 : i32
        %add3A_366 = vector.broadcast %add3A_365 : i32 to vector<16xi32>
        %add3A_367 = arith.addi %add3A_321, %add3A_366 : vector<16xi32>
        %select_n3A_368 = arith.select %lt3A_364, %add3A_367, %add3A_321 : vector<16xi1>, vector<16xi32>
        %broadcast_in_dim3A_369 = vector.shape_cast %select_n3A_368 : vector<16xi32> to vector<16x1xi32>
        %gather3A_370 = vector.shape_cast %broadcast_in_dim3A_369 : vector<16x1xi32> to vector<16xi32>
        %gather3A_371 = tpu.dynamic_gather %gather3A_173[%gather3A_370] in [0] : vector<16xf32>, vector<16xi32> -> vector<16xf32>
        %sub3A_372 = arith.subf %gather3A_361, %gather3A_341 : vector<16xf32>
        %max3A_373 = arith.constant 0.000000e+00 : f32
        %max3A_374 = vector.broadcast %max3A_373 : f32 to vector<16xf32>
        %max3A_375 = arith.maximumf %sub3A_372, %max3A_374 : vector<16xf32>
        %sub3A_376 = arith.subf %gather3A_371, %gather3A_351 : vector<16xf32>
        %max3A_377 = arith.constant 0.000000e+00 : f32
        %max3A_378 = vector.broadcast %max3A_377 : f32 to vector<16xf32>
        %max3A_379 = arith.maximumf %sub3A_376, %max3A_378 : vector<16xf32>
        %mul3A_380 = arith.mulf %max3A_375, %max3A_379 : vector<16xf32>
        %min3A_381 = arith.minimumf %gather3A_361, %gather3A_172 : vector<16xf32>
        %max3A_382 = arith.maximumf %gather3A_341, %gather3A_170 : vector<16xf32>
        %sub3A_383 = arith.subf %min3A_381, %max3A_382 : vector<16xf32>
        %max3A_384 = arith.constant 0.000000e+00 : f32
        %max3A_385 = vector.broadcast %max3A_384 : f32 to vector<16xf32>
        %max3A_386 = arith.maximumf %sub3A_383, %max3A_385 : vector<16xf32>
        %min3A_387 = arith.minimumf %gather3A_371, %gather3A_173 : vector<16xf32>
        %max3A_388 = arith.maximumf %gather3A_351, %gather3A_171 : vector<16xf32>
        %sub3A_389 = arith.subf %min3A_387, %max3A_388 : vector<16xf32>
        %max3A_390 = arith.constant 0.000000e+00 : f32
        %max3A_391 = vector.broadcast %max3A_390 : f32 to vector<16xf32>
        %max3A_392 = arith.maximumf %sub3A_389, %max3A_391 : vector<16xf32>
        %mul3A_393 = arith.mulf %max3A_386, %max3A_392 : vector<16xf32>
        %add3A_394 = arith.addf %mul3A_380, %mul3A_181 : vector<16xf32>
        %sub3A_395 = arith.subf %add3A_394, %mul3A_393 : vector<16xf32>
        %max3A_396 = arith.constant 9.99999971E-10 : f32
        %max3A_397 = vector.broadcast %max3A_396 : f32 to vector<16xf32>
        %max3A_398 = arith.maximumf %sub3A_395, %max3A_397 : vector<16xf32>
        %div3A_399 = arith.divf %mul3A_393, %max3A_398 : vector<16xf32>
        %gt3A_400 = arith.constant 5.000000e-01 : f32
        %gt3A_401 = vector.broadcast %gt3A_400 : f32 to vector<16xf32>
        %gt3A_402 = arith.cmpf ogt, %div3A_399, %gt3A_401 : vector<16xf32>
        %gt3A_403 = arith.constant 1 : i32
        %gt3A_404 = vector.broadcast %gt3A_403 : i32 to vector<16xi32>
        %gt3A_405 = arith.cmpi sgt, %iota3A, %gt3A_404 : vector<16xi32>
        %and3A_406 = arith.andi %gt3A_402, %gt3A_405 : vector<16xi1>
        %jit3A_407 = arith.constant 0.000000e+00 : f32
        %broadcast_in_dim3A_408 = vector.broadcast %jit3A_407 : f32 to vector<16xf32>
        %select_n3A_409 = arith.select %and3A_406, %gather3A_331, %broadcast_in_dim3A_408 : vector<16xi1>, vector<16xf32>
        %sub3A_410 = arith.constant 1.000000e+00 : f32
        %sub3A_411 = vector.broadcast %sub3A_410 : f32 to vector<16xf32>
        %sub3A_412 = arith.subf %sub3A_411, %select_n3A_409 : vector<16xf32>
        %mul3A_413 = arith.mulf %mul3A_318, %sub3A_412 : vector<16xf32>
        %add3A_414 = arith.constant 2 : i32
        %add3A_415 = vector.broadcast %add3A_414 : i32 to vector<16xi32>
        %add3A_416 = arith.addi %broadcast_in_dim3A_4, %add3A_415 : vector<16xi32>
        %lt3A_417 = arith.constant 0 : i32
        %lt3A_418 = vector.broadcast %lt3A_417 : i32 to vector<16xi32>
        %lt3A_419 = arith.cmpi slt, %add3A_416, %lt3A_418 : vector<16xi32>
        %add3A_420 = arith.constant 16 : i32
        %add3A_421 = vector.broadcast %add3A_420 : i32 to vector<16xi32>
        %add3A_422 = arith.addi %add3A_416, %add3A_421 : vector<16xi32>
        %select_n3A_423 = arith.select %lt3A_419, %add3A_422, %add3A_416 : vector<16xi1>, vector<16xi32>
        %broadcast_in_dim3A_424 = vector.shape_cast %select_n3A_423 : vector<16xi32> to vector<16x1xi32>
        %gather3A_425 = vector.shape_cast %broadcast_in_dim3A_424 : vector<16x1xi32> to vector<16xi32>
        %gather3A_426 = tpu.dynamic_gather %mul3A_413[%gather3A_425] in [0] : vector<16xf32>, vector<16xi32> -> vector<16xf32>
        %lt3A_427 = arith.constant 0 : i32
        %lt3A_428 = vector.broadcast %lt3A_427 : i32 to vector<16xi32>
        %lt3A_429 = arith.cmpi slt, %add3A_416, %lt3A_428 : vector<16xi32>
        %add3A_430 = arith.constant 16 : i32
        %add3A_431 = vector.broadcast %add3A_430 : i32 to vector<16xi32>
        %add3A_432 = arith.addi %add3A_416, %add3A_431 : vector<16xi32>
        %select_n3A_433 = arith.select %lt3A_429, %add3A_432, %add3A_416 : vector<16xi1>, vector<16xi32>
        %broadcast_in_dim3A_434 = vector.shape_cast %select_n3A_433 : vector<16xi32> to vector<16x1xi32>
        %gather3A_435 = vector.shape_cast %broadcast_in_dim3A_434 : vector<16x1xi32> to vector<16xi32>
        %gather3A_436 = tpu.dynamic_gather %gather3A_170[%gather3A_435] in [0] : vector<16xf32>, vector<16xi32> -> vector<16xf32>
        %lt3A_437 = arith.constant 0 : i32
        %lt3A_438 = vector.broadcast %lt3A_437 : i32 to vector<16xi32>
        %lt3A_439 = arith.cmpi slt, %add3A_416, %lt3A_438 : vector<16xi32>
        %add3A_440 = arith.constant 16 : i32
        %add3A_441 = vector.broadcast %add3A_440 : i32 to vector<16xi32>
        %add3A_442 = arith.addi %add3A_416, %add3A_441 : vector<16xi32>
        %select_n3A_443 = arith.select %lt3A_439, %add3A_442, %add3A_416 : vector<16xi1>, vector<16xi32>
        %broadcast_in_dim3A_444 = vector.shape_cast %select_n3A_443 : vector<16xi32> to vector<16x1xi32>
        %gather3A_445 = vector.shape_cast %broadcast_in_dim3A_444 : vector<16x1xi32> to vector<16xi32>
        %gather3A_446 = tpu.dynamic_gather %gather3A_171[%gather3A_445] in [0] : vector<16xf32>, vector<16xi32> -> vector<16xf32>
        %lt3A_447 = arith.constant 0 : i32
        %lt3A_448 = vector.broadcast %lt3A_447 : i32 to vector<16xi32>
        %lt3A_449 = arith.cmpi slt, %add3A_416, %lt3A_448 : vector<16xi32>
        %add3A_450 = arith.constant 16 : i32
        %add3A_451 = vector.broadcast %add3A_450 : i32 to vector<16xi32>
        %add3A_452 = arith.addi %add3A_416, %add3A_451 : vector<16xi32>
        %select_n3A_453 = arith.select %lt3A_449, %add3A_452, %add3A_416 : vector<16xi1>, vector<16xi32>
        %broadcast_in_dim3A_454 = vector.shape_cast %select_n3A_453 : vector<16xi32> to vector<16x1xi32>
        %gather3A_455 = vector.shape_cast %broadcast_in_dim3A_454 : vector<16x1xi32> to vector<16xi32>
        %gather3A_456 = tpu.dynamic_gather %gather3A_172[%gather3A_455] in [0] : vector<16xf32>, vector<16xi32> -> vector<16xf32>
        %lt3A_457 = arith.constant 0 : i32
        %lt3A_458 = vector.broadcast %lt3A_457 : i32 to vector<16xi32>
        %lt3A_459 = arith.cmpi slt, %add3A_416, %lt3A_458 : vector<16xi32>
        %add3A_460 = arith.constant 16 : i32
        %add3A_461 = vector.broadcast %add3A_460 : i32 to vector<16xi32>
        %add3A_462 = arith.addi %add3A_416, %add3A_461 : vector<16xi32>
        %select_n3A_463 = arith.select %lt3A_459, %add3A_462, %add3A_416 : vector<16xi1>, vector<16xi32>
        %broadcast_in_dim3A_464 = vector.shape_cast %select_n3A_463 : vector<16xi32> to vector<16x1xi32>
        %gather3A_465 = vector.shape_cast %broadcast_in_dim3A_464 : vector<16x1xi32> to vector<16xi32>
        %gather3A_466 = tpu.dynamic_gather %gather3A_173[%gather3A_465] in [0] : vector<16xf32>, vector<16xi32> -> vector<16xf32>
        %sub3A_467 = arith.subf %gather3A_456, %gather3A_436 : vector<16xf32>
        %max3A_468 = arith.constant 0.000000e+00 : f32
        %max3A_469 = vector.broadcast %max3A_468 : f32 to vector<16xf32>
        %max3A_470 = arith.maximumf %sub3A_467, %max3A_469 : vector<16xf32>
        %sub3A_471 = arith.subf %gather3A_466, %gather3A_446 : vector<16xf32>
        %max3A_472 = arith.constant 0.000000e+00 : f32
        %max3A_473 = vector.broadcast %max3A_472 : f32 to vector<16xf32>
        %max3A_474 = arith.maximumf %sub3A_471, %max3A_473 : vector<16xf32>
        %mul3A_475 = arith.mulf %max3A_470, %max3A_474 : vector<16xf32>
        %min3A_476 = arith.minimumf %gather3A_456, %gather3A_172 : vector<16xf32>
        %max3A_477 = arith.maximumf %gather3A_436, %gather3A_170 : vector<16xf32>
        %sub3A_478 = arith.subf %min3A_476, %max3A_477 : vector<16xf32>
        %max3A_479 = arith.constant 0.000000e+00 : f32
        %max3A_480 = vector.broadcast %max3A_479 : f32 to vector<16xf32>
        %max3A_481 = arith.maximumf %sub3A_478, %max3A_480 : vector<16xf32>
        %min3A_482 = arith.minimumf %gather3A_466, %gather3A_173 : vector<16xf32>
        %max3A_483 = arith.maximumf %gather3A_446, %gather3A_171 : vector<16xf32>
        %sub3A_484 = arith.subf %min3A_482, %max3A_483 : vector<16xf32>
        %max3A_485 = arith.constant 0.000000e+00 : f32
        %max3A_486 = vector.broadcast %max3A_485 : f32 to vector<16xf32>
        %max3A_487 = arith.maximumf %sub3A_484, %max3A_486 : vector<16xf32>
        %mul3A_488 = arith.mulf %max3A_481, %max3A_487 : vector<16xf32>
        %add3A_489 = arith.addf %mul3A_475, %mul3A_181 : vector<16xf32>
        %sub3A_490 = arith.subf %add3A_489, %mul3A_488 : vector<16xf32>
        %max3A_491 = arith.constant 9.99999971E-10 : f32
        %max3A_492 = vector.broadcast %max3A_491 : f32 to vector<16xf32>
        %max3A_493 = arith.maximumf %sub3A_490, %max3A_492 : vector<16xf32>
        %div3A_494 = arith.divf %mul3A_488, %max3A_493 : vector<16xf32>
        %gt3A_495 = arith.constant 5.000000e-01 : f32
        %gt3A_496 = vector.broadcast %gt3A_495 : f32 to vector<16xf32>
        %gt3A_497 = arith.cmpf ogt, %div3A_494, %gt3A_496 : vector<16xf32>
        %gt3A_498 = arith.constant 2 : i32
        %gt3A_499 = vector.broadcast %gt3A_498 : i32 to vector<16xi32>
        %gt3A_500 = arith.cmpi sgt, %iota3A, %gt3A_499 : vector<16xi32>
        %and3A_501 = arith.andi %gt3A_497, %gt3A_500 : vector<16xi1>
        %jit3A_502 = arith.constant 0.000000e+00 : f32
        %broadcast_in_dim3A_503 = vector.broadcast %jit3A_502 : f32 to vector<16xf32>
        %select_n3A_504 = arith.select %and3A_501, %gather3A_426, %broadcast_in_dim3A_503 : vector<16xi1>, vector<16xf32>
        %sub3A_505 = arith.constant 1.000000e+00 : f32
        %sub3A_506 = vector.broadcast %sub3A_505 : f32 to vector<16xf32>
        %sub3A_507 = arith.subf %sub3A_506, %select_n3A_504 : vector<16xf32>
        %mul3A_508 = arith.mulf %mul3A_413, %sub3A_507 : vector<16xf32>
        %add3A_509 = arith.constant 3 : i32
        %add3A_510 = vector.broadcast %add3A_509 : i32 to vector<16xi32>
        %add3A_511 = arith.addi %broadcast_in_dim3A_4, %add3A_510 : vector<16xi32>
        %lt3A_512 = arith.constant 0 : i32
        %lt3A_513 = vector.broadcast %lt3A_512 : i32 to vector<16xi32>
        %lt3A_514 = arith.cmpi slt, %add3A_511, %lt3A_513 : vector<16xi32>
        %add3A_515 = arith.constant 16 : i32
        %add3A_516 = vector.broadcast %add3A_515 : i32 to vector<16xi32>
        %add3A_517 = arith.addi %add3A_511, %add3A_516 : vector<16xi32>
        %select_n3A_518 = arith.select %lt3A_514, %add3A_517, %add3A_511 : vector<16xi1>, vector<16xi32>
        %broadcast_in_dim3A_519 = vector.shape_cast %select_n3A_518 : vector<16xi32> to vector<16x1xi32>
        %gather3A_520 = vector.shape_cast %broadcast_in_dim3A_519 : vector<16x1xi32> to vector<16xi32>
        %gather3A_521 = tpu.dynamic_gather %mul3A_508[%gather3A_520] in [0] : vector<16xf32>, vector<16xi32> -> vector<16xf32>
        %lt3A_522 = arith.constant 0 : i32
        %lt3A_523 = vector.broadcast %lt3A_522 : i32 to vector<16xi32>
        %lt3A_524 = arith.cmpi slt, %add3A_511, %lt3A_523 : vector<16xi32>
        %add3A_525 = arith.constant 16 : i32
        %add3A_526 = vector.broadcast %add3A_525 : i32 to vector<16xi32>
        %add3A_527 = arith.addi %add3A_511, %add3A_526 : vector<16xi32>
        %select_n3A_528 = arith.select %lt3A_524, %add3A_527, %add3A_511 : vector<16xi1>, vector<16xi32>
        %broadcast_in_dim3A_529 = vector.shape_cast %select_n3A_528 : vector<16xi32> to vector<16x1xi32>
        %gather3A_530 = vector.shape_cast %broadcast_in_dim3A_529 : vector<16x1xi32> to vector<16xi32>
        %gather3A_531 = tpu.dynamic_gather %gather3A_170[%gather3A_530] in [0] : vector<16xf32>, vector<16xi32> -> vector<16xf32>
        %lt3A_532 = arith.constant 0 : i32
        %lt3A_533 = vector.broadcast %lt3A_532 : i32 to vector<16xi32>
        %lt3A_534 = arith.cmpi slt, %add3A_511, %lt3A_533 : vector<16xi32>
        %add3A_535 = arith.constant 16 : i32
        %add3A_536 = vector.broadcast %add3A_535 : i32 to vector<16xi32>
        %add3A_537 = arith.addi %add3A_511, %add3A_536 : vector<16xi32>
        %select_n3A_538 = arith.select %lt3A_534, %add3A_537, %add3A_511 : vector<16xi1>, vector<16xi32>
        %broadcast_in_dim3A_539 = vector.shape_cast %select_n3A_538 : vector<16xi32> to vector<16x1xi32>
        %gather3A_540 = vector.shape_cast %broadcast_in_dim3A_539 : vector<16x1xi32> to vector<16xi32>
        %gather3A_541 = tpu.dynamic_gather %gather3A_171[%gather3A_540] in [0] : vector<16xf32>, vector<16xi32> -> vector<16xf32>
        %lt3A_542 = arith.constant 0 : i32
        %lt3A_543 = vector.broadcast %lt3A_542 : i32 to vector<16xi32>
        %lt3A_544 = arith.cmpi slt, %add3A_511, %lt3A_543 : vector<16xi32>
        %add3A_545 = arith.constant 16 : i32
        %add3A_546 = vector.broadcast %add3A_545 : i32 to vector<16xi32>
        %add3A_547 = arith.addi %add3A_511, %add3A_546 : vector<16xi32>
        %select_n3A_548 = arith.select %lt3A_544, %add3A_547, %add3A_511 : vector<16xi1>, vector<16xi32>
        %broadcast_in_dim3A_549 = vector.shape_cast %select_n3A_548 : vector<16xi32> to vector<16x1xi32>
        %gather3A_550 = vector.shape_cast %broadcast_in_dim3A_549 : vector<16x1xi32> to vector<16xi32>
        %gather3A_551 = tpu.dynamic_gather %gather3A_172[%gather3A_550] in [0] : vector<16xf32>, vector<16xi32> -> vector<16xf32>
        %lt3A_552 = arith.constant 0 : i32
        %lt3A_553 = vector.broadcast %lt3A_552 : i32 to vector<16xi32>
        %lt3A_554 = arith.cmpi slt, %add3A_511, %lt3A_553 : vector<16xi32>
        %add3A_555 = arith.constant 16 : i32
        %add3A_556 = vector.broadcast %add3A_555 : i32 to vector<16xi32>
        %add3A_557 = arith.addi %add3A_511, %add3A_556 : vector<16xi32>
        %select_n3A_558 = arith.select %lt3A_554, %add3A_557, %add3A_511 : vector<16xi1>, vector<16xi32>
        %broadcast_in_dim3A_559 = vector.shape_cast %select_n3A_558 : vector<16xi32> to vector<16x1xi32>
        %gather3A_560 = vector.shape_cast %broadcast_in_dim3A_559 : vector<16x1xi32> to vector<16xi32>
        %gather3A_561 = tpu.dynamic_gather %gather3A_173[%gather3A_560] in [0] : vector<16xf32>, vector<16xi32> -> vector<16xf32>
        %sub3A_562 = arith.subf %gather3A_551, %gather3A_531 : vector<16xf32>
        %max3A_563 = arith.constant 0.000000e+00 : f32
        %max3A_564 = vector.broadcast %max3A_563 : f32 to vector<16xf32>
        %max3A_565 = arith.maximumf %sub3A_562, %max3A_564 : vector<16xf32>
        %sub3A_566 = arith.subf %gather3A_561, %gather3A_541 : vector<16xf32>
        %max3A_567 = arith.constant 0.000000e+00 : f32
        %max3A_568 = vector.broadcast %max3A_567 : f32 to vector<16xf32>
        %max3A_569 = arith.maximumf %sub3A_566, %max3A_568 : vector<16xf32>
        %mul3A_570 = arith.mulf %max3A_565, %max3A_569 : vector<16xf32>
        %min3A_571 = arith.minimumf %gather3A_551, %gather3A_172 : vector<16xf32>
        %max3A_572 = arith.maximumf %gather3A_531, %gather3A_170 : vector<16xf32>
        %sub3A_573 = arith.subf %min3A_571, %max3A_572 : vector<16xf32>
        %max3A_574 = arith.constant 0.000000e+00 : f32
        %max3A_575 = vector.broadcast %max3A_574 : f32 to vector<16xf32>
        %max3A_576 = arith.maximumf %sub3A_573, %max3A_575 : vector<16xf32>
        %min3A_577 = arith.minimumf %gather3A_561, %gather3A_173 : vector<16xf32>
        %max3A_578 = arith.maximumf %gather3A_541, %gather3A_171 : vector<16xf32>
        %sub3A_579 = arith.subf %min3A_577, %max3A_578 : vector<16xf32>
        %max3A_580 = arith.constant 0.000000e+00 : f32
        %max3A_581 = vector.broadcast %max3A_580 : f32 to vector<16xf32>
        %max3A_582 = arith.maximumf %sub3A_579, %max3A_581 : vector<16xf32>
        %mul3A_583 = arith.mulf %max3A_576, %max3A_582 : vector<16xf32>
        %add3A_584 = arith.addf %mul3A_570, %mul3A_181 : vector<16xf32>
        %sub3A_585 = arith.subf %add3A_584, %mul3A_583 : vector<16xf32>
        %max3A_586 = arith.constant 9.99999971E-10 : f32
        %max3A_587 = vector.broadcast %max3A_586 : f32 to vector<16xf32>
        %max3A_588 = arith.maximumf %sub3A_585, %max3A_587 : vector<16xf32>
        %div3A_589 = arith.divf %mul3A_583, %max3A_588 : vector<16xf32>
        %gt3A_590 = arith.constant 5.000000e-01 : f32
        %gt3A_591 = vector.broadcast %gt3A_590 : f32 to vector<16xf32>
        %gt3A_592 = arith.cmpf ogt, %div3A_589, %gt3A_591 : vector<16xf32>
        %gt3A_593 = arith.constant 3 : i32
        %gt3A_594 = vector.broadcast %gt3A_593 : i32 to vector<16xi32>
        %gt3A_595 = arith.cmpi sgt, %iota3A, %gt3A_594 : vector<16xi32>
        %and3A_596 = arith.andi %gt3A_592, %gt3A_595 : vector<16xi1>
        %jit3A_597 = arith.constant 0.000000e+00 : f32
        %broadcast_in_dim3A_598 = vector.broadcast %jit3A_597 : f32 to vector<16xf32>
        %select_n3A_599 = arith.select %and3A_596, %gather3A_521, %broadcast_in_dim3A_598 : vector<16xi1>, vector<16xf32>
        %sub3A_600 = arith.constant 1.000000e+00 : f32
        %sub3A_601 = vector.broadcast %sub3A_600 : f32 to vector<16xf32>
        %sub3A_602 = arith.subf %sub3A_601, %select_n3A_599 : vector<16xf32>
        %mul3A_603 = arith.mulf %mul3A_508, %sub3A_602 : vector<16xf32>
        %add3A_604 = arith.constant 4 : i32
        %add3A_605 = vector.broadcast %add3A_604 : i32 to vector<16xi32>
        %add3A_606 = arith.addi %broadcast_in_dim3A_4, %add3A_605 : vector<16xi32>
        %lt3A_607 = arith.constant 0 : i32
        %lt3A_608 = vector.broadcast %lt3A_607 : i32 to vector<16xi32>
        %lt3A_609 = arith.cmpi slt, %add3A_606, %lt3A_608 : vector<16xi32>
        %add3A_610 = arith.constant 16 : i32
        %add3A_611 = vector.broadcast %add3A_610 : i32 to vector<16xi32>
        %add3A_612 = arith.addi %add3A_606, %add3A_611 : vector<16xi32>
        %select_n3A_613 = arith.select %lt3A_609, %add3A_612, %add3A_606 : vector<16xi1>, vector<16xi32>
        %broadcast_in_dim3A_614 = vector.shape_cast %select_n3A_613 : vector<16xi32> to vector<16x1xi32>
        %gather3A_615 = vector.shape_cast %broadcast_in_dim3A_614 : vector<16x1xi32> to vector<16xi32>
        %gather3A_616 = tpu.dynamic_gather %mul3A_603[%gather3A_615] in [0] : vector<16xf32>, vector<16xi32> -> vector<16xf32>
        %lt3A_617 = arith.constant 0 : i32
        %lt3A_618 = vector.broadcast %lt3A_617 : i32 to vector<16xi32>
        %lt3A_619 = arith.cmpi slt, %add3A_606, %lt3A_618 : vector<16xi32>
        %add3A_620 = arith.constant 16 : i32
        %add3A_621 = vector.broadcast %add3A_620 : i32 to vector<16xi32>
        %add3A_622 = arith.addi %add3A_606, %add3A_621 : vector<16xi32>
        %select_n3A_623 = arith.select %lt3A_619, %add3A_622, %add3A_606 : vector<16xi1>, vector<16xi32>
        %broadcast_in_dim3A_624 = vector.shape_cast %select_n3A_623 : vector<16xi32> to vector<16x1xi32>
        %gather3A_625 = vector.shape_cast %broadcast_in_dim3A_624 : vector<16x1xi32> to vector<16xi32>
        %gather3A_626 = tpu.dynamic_gather %gather3A_170[%gather3A_625] in [0] : vector<16xf32>, vector<16xi32> -> vector<16xf32>
        %lt3A_627 = arith.constant 0 : i32
        %lt3A_628 = vector.broadcast %lt3A_627 : i32 to vector<16xi32>
        %lt3A_629 = arith.cmpi slt, %add3A_606, %lt3A_628 : vector<16xi32>
        %add3A_630 = arith.constant 16 : i32
        %add3A_631 = vector.broadcast %add3A_630 : i32 to vector<16xi32>
        %add3A_632 = arith.addi %add3A_606, %add3A_631 : vector<16xi32>
        %select_n3A_633 = arith.select %lt3A_629, %add3A_632, %add3A_606 : vector<16xi1>, vector<16xi32>
        %broadcast_in_dim3A_634 = vector.shape_cast %select_n3A_633 : vector<16xi32> to vector<16x1xi32>
        %gather3A_635 = vector.shape_cast %broadcast_in_dim3A_634 : vector<16x1xi32> to vector<16xi32>
        %gather3A_636 = tpu.dynamic_gather %gather3A_171[%gather3A_635] in [0] : vector<16xf32>, vector<16xi32> -> vector<16xf32>
        %lt3A_637 = arith.constant 0 : i32
        %lt3A_638 = vector.broadcast %lt3A_637 : i32 to vector<16xi32>
        %lt3A_639 = arith.cmpi slt, %add3A_606, %lt3A_638 : vector<16xi32>
        %add3A_640 = arith.constant 16 : i32
        %add3A_641 = vector.broadcast %add3A_640 : i32 to vector<16xi32>
        %add3A_642 = arith.addi %add3A_606, %add3A_641 : vector<16xi32>
        %select_n3A_643 = arith.select %lt3A_639, %add3A_642, %add3A_606 : vector<16xi1>, vector<16xi32>
        %broadcast_in_dim3A_644 = vector.shape_cast %select_n3A_643 : vector<16xi32> to vector<16x1xi32>
        %gather3A_645 = vector.shape_cast %broadcast_in_dim3A_644 : vector<16x1xi32> to vector<16xi32>
        %gather3A_646 = tpu.dynamic_gather %gather3A_172[%gather3A_645] in [0] : vector<16xf32>, vector<16xi32> -> vector<16xf32>
        %lt3A_647 = arith.constant 0 : i32
        %lt3A_648 = vector.broadcast %lt3A_647 : i32 to vector<16xi32>
        %lt3A_649 = arith.cmpi slt, %add3A_606, %lt3A_648 : vector<16xi32>
        %add3A_650 = arith.constant 16 : i32
        %add3A_651 = vector.broadcast %add3A_650 : i32 to vector<16xi32>
        %add3A_652 = arith.addi %add3A_606, %add3A_651 : vector<16xi32>
        %select_n3A_653 = arith.select %lt3A_649, %add3A_652, %add3A_606 : vector<16xi1>, vector<16xi32>
        %broadcast_in_dim3A_654 = vector.shape_cast %select_n3A_653 : vector<16xi32> to vector<16x1xi32>
        %gather3A_655 = vector.shape_cast %broadcast_in_dim3A_654 : vector<16x1xi32> to vector<16xi32>
        %gather3A_656 = tpu.dynamic_gather %gather3A_173[%gather3A_655] in [0] : vector<16xf32>, vector<16xi32> -> vector<16xf32>
        %sub3A_657 = arith.subf %gather3A_646, %gather3A_626 : vector<16xf32>
        %max3A_658 = arith.constant 0.000000e+00 : f32
        %max3A_659 = vector.broadcast %max3A_658 : f32 to vector<16xf32>
        %max3A_660 = arith.maximumf %sub3A_657, %max3A_659 : vector<16xf32>
        %sub3A_661 = arith.subf %gather3A_656, %gather3A_636 : vector<16xf32>
        %max3A_662 = arith.constant 0.000000e+00 : f32
        %max3A_663 = vector.broadcast %max3A_662 : f32 to vector<16xf32>
        %max3A_664 = arith.maximumf %sub3A_661, %max3A_663 : vector<16xf32>
        %mul3A_665 = arith.mulf %max3A_660, %max3A_664 : vector<16xf32>
        %min3A_666 = arith.minimumf %gather3A_646, %gather3A_172 : vector<16xf32>
        %max3A_667 = arith.maximumf %gather3A_626, %gather3A_170 : vector<16xf32>
        %sub3A_668 = arith.subf %min3A_666, %max3A_667 : vector<16xf32>
        %max3A_669 = arith.constant 0.000000e+00 : f32
        %max3A_670 = vector.broadcast %max3A_669 : f32 to vector<16xf32>
        %max3A_671 = arith.maximumf %sub3A_668, %max3A_670 : vector<16xf32>
        %min3A_672 = arith.minimumf %gather3A_656, %gather3A_173 : vector<16xf32>
        %max3A_673 = arith.maximumf %gather3A_636, %gather3A_171 : vector<16xf32>
        %sub3A_674 = arith.subf %min3A_672, %max3A_673 : vector<16xf32>
        %max3A_675 = arith.constant 0.000000e+00 : f32
        %max3A_676 = vector.broadcast %max3A_675 : f32 to vector<16xf32>
        %max3A_677 = arith.maximumf %sub3A_674, %max3A_676 : vector<16xf32>
        %mul3A_678 = arith.mulf %max3A_671, %max3A_677 : vector<16xf32>
        %add3A_679 = arith.addf %mul3A_665, %mul3A_181 : vector<16xf32>
        %sub3A_680 = arith.subf %add3A_679, %mul3A_678 : vector<16xf32>
        %max3A_681 = arith.constant 9.99999971E-10 : f32
        %max3A_682 = vector.broadcast %max3A_681 : f32 to vector<16xf32>
        %max3A_683 = arith.maximumf %sub3A_680, %max3A_682 : vector<16xf32>
        %div3A_684 = arith.divf %mul3A_678, %max3A_683 : vector<16xf32>
        %gt3A_685 = arith.constant 5.000000e-01 : f32
        %gt3A_686 = vector.broadcast %gt3A_685 : f32 to vector<16xf32>
        %gt3A_687 = arith.cmpf ogt, %div3A_684, %gt3A_686 : vector<16xf32>
        %gt3A_688 = arith.constant 4 : i32
        %gt3A_689 = vector.broadcast %gt3A_688 : i32 to vector<16xi32>
        %gt3A_690 = arith.cmpi sgt, %iota3A, %gt3A_689 : vector<16xi32>
        %and3A_691 = arith.andi %gt3A_687, %gt3A_690 : vector<16xi1>
        %jit3A_692 = arith.constant 0.000000e+00 : f32
        %broadcast_in_dim3A_693 = vector.broadcast %jit3A_692 : f32 to vector<16xf32>
        %select_n3A_694 = arith.select %and3A_691, %gather3A_616, %broadcast_in_dim3A_693 : vector<16xi1>, vector<16xf32>
        %sub3A_695 = arith.constant 1.000000e+00 : f32
        %sub3A_696 = vector.broadcast %sub3A_695 : f32 to vector<16xf32>
        %sub3A_697 = arith.subf %sub3A_696, %select_n3A_694 : vector<16xf32>
        %mul3A_698 = arith.mulf %mul3A_603, %sub3A_697 : vector<16xf32>
        %add3A_699 = arith.constant 5 : i32
        %add3A_700 = vector.broadcast %add3A_699 : i32 to vector<16xi32>
        %add3A_701 = arith.addi %broadcast_in_dim3A_4, %add3A_700 : vector<16xi32>
        %lt3A_702 = arith.constant 0 : i32
        %lt3A_703 = vector.broadcast %lt3A_702 : i32 to vector<16xi32>
        %lt3A_704 = arith.cmpi slt, %add3A_701, %lt3A_703 : vector<16xi32>
        %add3A_705 = arith.constant 16 : i32
        %add3A_706 = vector.broadcast %add3A_705 : i32 to vector<16xi32>
        %add3A_707 = arith.addi %add3A_701, %add3A_706 : vector<16xi32>
        %select_n3A_708 = arith.select %lt3A_704, %add3A_707, %add3A_701 : vector<16xi1>, vector<16xi32>
        %broadcast_in_dim3A_709 = vector.shape_cast %select_n3A_708 : vector<16xi32> to vector<16x1xi32>
        %gather3A_710 = vector.shape_cast %broadcast_in_dim3A_709 : vector<16x1xi32> to vector<16xi32>
        %gather3A_711 = tpu.dynamic_gather %mul3A_698[%gather3A_710] in [0] : vector<16xf32>, vector<16xi32> -> vector<16xf32>
        %lt3A_712 = arith.constant 0 : i32
        %lt3A_713 = vector.broadcast %lt3A_712 : i32 to vector<16xi32>
        %lt3A_714 = arith.cmpi slt, %add3A_701, %lt3A_713 : vector<16xi32>
        %add3A_715 = arith.constant 16 : i32
        %add3A_716 = vector.broadcast %add3A_715 : i32 to vector<16xi32>
        %add3A_717 = arith.addi %add3A_701, %add3A_716 : vector<16xi32>
        %select_n3A_718 = arith.select %lt3A_714, %add3A_717, %add3A_701 : vector<16xi1>, vector<16xi32>
        %broadcast_in_dim3A_719 = vector.shape_cast %select_n3A_718 : vector<16xi32> to vector<16x1xi32>
        %gather3A_720 = vector.shape_cast %broadcast_in_dim3A_719 : vector<16x1xi32> to vector<16xi32>
        %gather3A_721 = tpu.dynamic_gather %gather3A_170[%gather3A_720] in [0] : vector<16xf32>, vector<16xi32> -> vector<16xf32>
        %lt3A_722 = arith.constant 0 : i32
        %lt3A_723 = vector.broadcast %lt3A_722 : i32 to vector<16xi32>
        %lt3A_724 = arith.cmpi slt, %add3A_701, %lt3A_723 : vector<16xi32>
        %add3A_725 = arith.constant 16 : i32
        %add3A_726 = vector.broadcast %add3A_725 : i32 to vector<16xi32>
        %add3A_727 = arith.addi %add3A_701, %add3A_726 : vector<16xi32>
        %select_n3A_728 = arith.select %lt3A_724, %add3A_727, %add3A_701 : vector<16xi1>, vector<16xi32>
        %broadcast_in_dim3A_729 = vector.shape_cast %select_n3A_728 : vector<16xi32> to vector<16x1xi32>
        %gather3A_730 = vector.shape_cast %broadcast_in_dim3A_729 : vector<16x1xi32> to vector<16xi32>
        %gather3A_731 = tpu.dynamic_gather %gather3A_171[%gather3A_730] in [0] : vector<16xf32>, vector<16xi32> -> vector<16xf32>
        %lt3A_732 = arith.constant 0 : i32
        %lt3A_733 = vector.broadcast %lt3A_732 : i32 to vector<16xi32>
        %lt3A_734 = arith.cmpi slt, %add3A_701, %lt3A_733 : vector<16xi32>
        %add3A_735 = arith.constant 16 : i32
        %add3A_736 = vector.broadcast %add3A_735 : i32 to vector<16xi32>
        %add3A_737 = arith.addi %add3A_701, %add3A_736 : vector<16xi32>
        %select_n3A_738 = arith.select %lt3A_734, %add3A_737, %add3A_701 : vector<16xi1>, vector<16xi32>
        %broadcast_in_dim3A_739 = vector.shape_cast %select_n3A_738 : vector<16xi32> to vector<16x1xi32>
        %gather3A_740 = vector.shape_cast %broadcast_in_dim3A_739 : vector<16x1xi32> to vector<16xi32>
        %gather3A_741 = tpu.dynamic_gather %gather3A_172[%gather3A_740] in [0] : vector<16xf32>, vector<16xi32> -> vector<16xf32>
        %lt3A_742 = arith.constant 0 : i32
        %lt3A_743 = vector.broadcast %lt3A_742 : i32 to vector<16xi32>
        %lt3A_744 = arith.cmpi slt, %add3A_701, %lt3A_743 : vector<16xi32>
        %add3A_745 = arith.constant 16 : i32
        %add3A_746 = vector.broadcast %add3A_745 : i32 to vector<16xi32>
        %add3A_747 = arith.addi %add3A_701, %add3A_746 : vector<16xi32>
        %select_n3A_748 = arith.select %lt3A_744, %add3A_747, %add3A_701 : vector<16xi1>, vector<16xi32>
        %broadcast_in_dim3A_749 = vector.shape_cast %select_n3A_748 : vector<16xi32> to vector<16x1xi32>
        %gather3A_750 = vector.shape_cast %broadcast_in_dim3A_749 : vector<16x1xi32> to vector<16xi32>
        %gather3A_751 = tpu.dynamic_gather %gather3A_173[%gather3A_750] in [0] : vector<16xf32>, vector<16xi32> -> vector<16xf32>
        %sub3A_752 = arith.subf %gather3A_741, %gather3A_721 : vector<16xf32>
        %max3A_753 = arith.constant 0.000000e+00 : f32
        %max3A_754 = vector.broadcast %max3A_753 : f32 to vector<16xf32>
        %max3A_755 = arith.maximumf %sub3A_752, %max3A_754 : vector<16xf32>
        %sub3A_756 = arith.subf %gather3A_751, %gather3A_731 : vector<16xf32>
        %max3A_757 = arith.constant 0.000000e+00 : f32
        %max3A_758 = vector.broadcast %max3A_757 : f32 to vector<16xf32>
        %max3A_759 = arith.maximumf %sub3A_756, %max3A_758 : vector<16xf32>
        %mul3A_760 = arith.mulf %max3A_755, %max3A_759 : vector<16xf32>
        %min3A_761 = arith.minimumf %gather3A_741, %gather3A_172 : vector<16xf32>
        %max3A_762 = arith.maximumf %gather3A_721, %gather3A_170 : vector<16xf32>
        %sub3A_763 = arith.subf %min3A_761, %max3A_762 : vector<16xf32>
        %max3A_764 = arith.constant 0.000000e+00 : f32
        %max3A_765 = vector.broadcast %max3A_764 : f32 to vector<16xf32>
        %max3A_766 = arith.maximumf %sub3A_763, %max3A_765 : vector<16xf32>
        %min3A_767 = arith.minimumf %gather3A_751, %gather3A_173 : vector<16xf32>
        %max3A_768 = arith.maximumf %gather3A_731, %gather3A_171 : vector<16xf32>
        %sub3A_769 = arith.subf %min3A_767, %max3A_768 : vector<16xf32>
        %max3A_770 = arith.constant 0.000000e+00 : f32
        %max3A_771 = vector.broadcast %max3A_770 : f32 to vector<16xf32>
        %max3A_772 = arith.maximumf %sub3A_769, %max3A_771 : vector<16xf32>
        %mul3A_773 = arith.mulf %max3A_766, %max3A_772 : vector<16xf32>
        %add3A_774 = arith.addf %mul3A_760, %mul3A_181 : vector<16xf32>
        %sub3A_775 = arith.subf %add3A_774, %mul3A_773 : vector<16xf32>
        %max3A_776 = arith.constant 9.99999971E-10 : f32
        %max3A_777 = vector.broadcast %max3A_776 : f32 to vector<16xf32>
        %max3A_778 = arith.maximumf %sub3A_775, %max3A_777 : vector<16xf32>
        %div3A_779 = arith.divf %mul3A_773, %max3A_778 : vector<16xf32>
        %gt3A_780 = arith.constant 5.000000e-01 : f32
        %gt3A_781 = vector.broadcast %gt3A_780 : f32 to vector<16xf32>
        %gt3A_782 = arith.cmpf ogt, %div3A_779, %gt3A_781 : vector<16xf32>
        %gt3A_783 = arith.constant 5 : i32
        %gt3A_784 = vector.broadcast %gt3A_783 : i32 to vector<16xi32>
        %gt3A_785 = arith.cmpi sgt, %iota3A, %gt3A_784 : vector<16xi32>
        %and3A_786 = arith.andi %gt3A_782, %gt3A_785 : vector<16xi1>
        %jit3A_787 = arith.constant 0.000000e+00 : f32
        %broadcast_in_dim3A_788 = vector.broadcast %jit3A_787 : f32 to vector<16xf32>
        %select_n3A_789 = arith.select %and3A_786, %gather3A_711, %broadcast_in_dim3A_788 : vector<16xi1>, vector<16xf32>
        %sub3A_790 = arith.constant 1.000000e+00 : f32
        %sub3A_791 = vector.broadcast %sub3A_790 : f32 to vector<16xf32>
        %sub3A_792 = arith.subf %sub3A_791, %select_n3A_789 : vector<16xf32>
        %mul3A_793 = arith.mulf %mul3A_698, %sub3A_792 : vector<16xf32>
        %add3A_794 = arith.constant 6 : i32
        %add3A_795 = vector.broadcast %add3A_794 : i32 to vector<16xi32>
        %add3A_796 = arith.addi %broadcast_in_dim3A_4, %add3A_795 : vector<16xi32>
        %lt3A_797 = arith.constant 0 : i32
        %lt3A_798 = vector.broadcast %lt3A_797 : i32 to vector<16xi32>
        %lt3A_799 = arith.cmpi slt, %add3A_796, %lt3A_798 : vector<16xi32>
        %add3A_800 = arith.constant 16 : i32
        %add3A_801 = vector.broadcast %add3A_800 : i32 to vector<16xi32>
        %add3A_802 = arith.addi %add3A_796, %add3A_801 : vector<16xi32>
        %select_n3A_803 = arith.select %lt3A_799, %add3A_802, %add3A_796 : vector<16xi1>, vector<16xi32>
        %broadcast_in_dim3A_804 = vector.shape_cast %select_n3A_803 : vector<16xi32> to vector<16x1xi32>
        %gather3A_805 = vector.shape_cast %broadcast_in_dim3A_804 : vector<16x1xi32> to vector<16xi32>
        %gather3A_806 = tpu.dynamic_gather %mul3A_793[%gather3A_805] in [0] : vector<16xf32>, vector<16xi32> -> vector<16xf32>
        %lt3A_807 = arith.constant 0 : i32
        %lt3A_808 = vector.broadcast %lt3A_807 : i32 to vector<16xi32>
        %lt3A_809 = arith.cmpi slt, %add3A_796, %lt3A_808 : vector<16xi32>
        %add3A_810 = arith.constant 16 : i32
        %add3A_811 = vector.broadcast %add3A_810 : i32 to vector<16xi32>
        %add3A_812 = arith.addi %add3A_796, %add3A_811 : vector<16xi32>
        %select_n3A_813 = arith.select %lt3A_809, %add3A_812, %add3A_796 : vector<16xi1>, vector<16xi32>
        %broadcast_in_dim3A_814 = vector.shape_cast %select_n3A_813 : vector<16xi32> to vector<16x1xi32>
        %gather3A_815 = vector.shape_cast %broadcast_in_dim3A_814 : vector<16x1xi32> to vector<16xi32>
        %gather3A_816 = tpu.dynamic_gather %gather3A_170[%gather3A_815] in [0] : vector<16xf32>, vector<16xi32> -> vector<16xf32>
        %lt3A_817 = arith.constant 0 : i32
        %lt3A_818 = vector.broadcast %lt3A_817 : i32 to vector<16xi32>
        %lt3A_819 = arith.cmpi slt, %add3A_796, %lt3A_818 : vector<16xi32>
        %add3A_820 = arith.constant 16 : i32
        %add3A_821 = vector.broadcast %add3A_820 : i32 to vector<16xi32>
        %add3A_822 = arith.addi %add3A_796, %add3A_821 : vector<16xi32>
        %select_n3A_823 = arith.select %lt3A_819, %add3A_822, %add3A_796 : vector<16xi1>, vector<16xi32>
        %broadcast_in_dim3A_824 = vector.shape_cast %select_n3A_823 : vector<16xi32> to vector<16x1xi32>
        %gather3A_825 = vector.shape_cast %broadcast_in_dim3A_824 : vector<16x1xi32> to vector<16xi32>
        %gather3A_826 = tpu.dynamic_gather %gather3A_171[%gather3A_825] in [0] : vector<16xf32>, vector<16xi32> -> vector<16xf32>
        %lt3A_827 = arith.constant 0 : i32
        %lt3A_828 = vector.broadcast %lt3A_827 : i32 to vector<16xi32>
        %lt3A_829 = arith.cmpi slt, %add3A_796, %lt3A_828 : vector<16xi32>
        %add3A_830 = arith.constant 16 : i32
        %add3A_831 = vector.broadcast %add3A_830 : i32 to vector<16xi32>
        %add3A_832 = arith.addi %add3A_796, %add3A_831 : vector<16xi32>
        %select_n3A_833 = arith.select %lt3A_829, %add3A_832, %add3A_796 : vector<16xi1>, vector<16xi32>
        %broadcast_in_dim3A_834 = vector.shape_cast %select_n3A_833 : vector<16xi32> to vector<16x1xi32>
        %gather3A_835 = vector.shape_cast %broadcast_in_dim3A_834 : vector<16x1xi32> to vector<16xi32>
        %gather3A_836 = tpu.dynamic_gather %gather3A_172[%gather3A_835] in [0] : vector<16xf32>, vector<16xi32> -> vector<16xf32>
        %lt3A_837 = arith.constant 0 : i32
        %lt3A_838 = vector.broadcast %lt3A_837 : i32 to vector<16xi32>
        %lt3A_839 = arith.cmpi slt, %add3A_796, %lt3A_838 : vector<16xi32>
        %add3A_840 = arith.constant 16 : i32
        %add3A_841 = vector.broadcast %add3A_840 : i32 to vector<16xi32>
        %add3A_842 = arith.addi %add3A_796, %add3A_841 : vector<16xi32>
        %select_n3A_843 = arith.select %lt3A_839, %add3A_842, %add3A_796 : vector<16xi1>, vector<16xi32>
        %broadcast_in_dim3A_844 = vector.shape_cast %select_n3A_843 : vector<16xi32> to vector<16x1xi32>
        %gather3A_845 = vector.shape_cast %broadcast_in_dim3A_844 : vector<16x1xi32> to vector<16xi32>
        %gather3A_846 = tpu.dynamic_gather %gather3A_173[%gather3A_845] in [0] : vector<16xf32>, vector<16xi32> -> vector<16xf32>
        %sub3A_847 = arith.subf %gather3A_836, %gather3A_816 : vector<16xf32>
        %max3A_848 = arith.constant 0.000000e+00 : f32
        %max3A_849 = vector.broadcast %max3A_848 : f32 to vector<16xf32>
        %max3A_850 = arith.maximumf %sub3A_847, %max3A_849 : vector<16xf32>
        %sub3A_851 = arith.subf %gather3A_846, %gather3A_826 : vector<16xf32>
        %max3A_852 = arith.constant 0.000000e+00 : f32
        %max3A_853 = vector.broadcast %max3A_852 : f32 to vector<16xf32>
        %max3A_854 = arith.maximumf %sub3A_851, %max3A_853 : vector<16xf32>
        %mul3A_855 = arith.mulf %max3A_850, %max3A_854 : vector<16xf32>
        %min3A_856 = arith.minimumf %gather3A_836, %gather3A_172 : vector<16xf32>
        %max3A_857 = arith.maximumf %gather3A_816, %gather3A_170 : vector<16xf32>
        %sub3A_858 = arith.subf %min3A_856, %max3A_857 : vector<16xf32>
        %max3A_859 = arith.constant 0.000000e+00 : f32
        %max3A_860 = vector.broadcast %max3A_859 : f32 to vector<16xf32>
        %max3A_861 = arith.maximumf %sub3A_858, %max3A_860 : vector<16xf32>
        %min3A_862 = arith.minimumf %gather3A_846, %gather3A_173 : vector<16xf32>
        %max3A_863 = arith.maximumf %gather3A_826, %gather3A_171 : vector<16xf32>
        %sub3A_864 = arith.subf %min3A_862, %max3A_863 : vector<16xf32>
        %max3A_865 = arith.constant 0.000000e+00 : f32
        %max3A_866 = vector.broadcast %max3A_865 : f32 to vector<16xf32>
        %max3A_867 = arith.maximumf %sub3A_864, %max3A_866 : vector<16xf32>
        %mul3A_868 = arith.mulf %max3A_861, %max3A_867 : vector<16xf32>
        %add3A_869 = arith.addf %mul3A_855, %mul3A_181 : vector<16xf32>
        %sub3A_870 = arith.subf %add3A_869, %mul3A_868 : vector<16xf32>
        %max3A_871 = arith.constant 9.99999971E-10 : f32
        %max3A_872 = vector.broadcast %max3A_871 : f32 to vector<16xf32>
        %max3A_873 = arith.maximumf %sub3A_870, %max3A_872 : vector<16xf32>
        %div3A_874 = arith.divf %mul3A_868, %max3A_873 : vector<16xf32>
        %gt3A_875 = arith.constant 5.000000e-01 : f32
        %gt3A_876 = vector.broadcast %gt3A_875 : f32 to vector<16xf32>
        %gt3A_877 = arith.cmpf ogt, %div3A_874, %gt3A_876 : vector<16xf32>
        %gt3A_878 = arith.constant 6 : i32
        %gt3A_879 = vector.broadcast %gt3A_878 : i32 to vector<16xi32>
        %gt3A_880 = arith.cmpi sgt, %iota3A, %gt3A_879 : vector<16xi32>
        %and3A_881 = arith.andi %gt3A_877, %gt3A_880 : vector<16xi1>
        %jit3A_882 = arith.constant 0.000000e+00 : f32
        %broadcast_in_dim3A_883 = vector.broadcast %jit3A_882 : f32 to vector<16xf32>
        %select_n3A_884 = arith.select %and3A_881, %gather3A_806, %broadcast_in_dim3A_883 : vector<16xi1>, vector<16xf32>
        %sub3A_885 = arith.constant 1.000000e+00 : f32
        %sub3A_886 = vector.broadcast %sub3A_885 : f32 to vector<16xf32>
        %sub3A_887 = arith.subf %sub3A_886, %select_n3A_884 : vector<16xf32>
        %mul3A_888 = arith.mulf %mul3A_793, %sub3A_887 : vector<16xf32>
        %add3A_889 = arith.constant 7 : i32
        %add3A_890 = vector.broadcast %add3A_889 : i32 to vector<16xi32>
        %add3A_891 = arith.addi %broadcast_in_dim3A_4, %add3A_890 : vector<16xi32>
        %lt3A_892 = arith.constant 0 : i32
        %lt3A_893 = vector.broadcast %lt3A_892 : i32 to vector<16xi32>
        %lt3A_894 = arith.cmpi slt, %add3A_891, %lt3A_893 : vector<16xi32>
        %add3A_895 = arith.constant 16 : i32
        %add3A_896 = vector.broadcast %add3A_895 : i32 to vector<16xi32>
        %add3A_897 = arith.addi %add3A_891, %add3A_896 : vector<16xi32>
        %select_n3A_898 = arith.select %lt3A_894, %add3A_897, %add3A_891 : vector<16xi1>, vector<16xi32>
        %broadcast_in_dim3A_899 = vector.shape_cast %select_n3A_898 : vector<16xi32> to vector<16x1xi32>
        %gather3A_900 = vector.shape_cast %broadcast_in_dim3A_899 : vector<16x1xi32> to vector<16xi32>
        %gather3A_901 = tpu.dynamic_gather %mul3A_888[%gather3A_900] in [0] : vector<16xf32>, vector<16xi32> -> vector<16xf32>
        %lt3A_902 = arith.constant 0 : i32
        %lt3A_903 = vector.broadcast %lt3A_902 : i32 to vector<16xi32>
        %lt3A_904 = arith.cmpi slt, %add3A_891, %lt3A_903 : vector<16xi32>
        %add3A_905 = arith.constant 16 : i32
        %add3A_906 = vector.broadcast %add3A_905 : i32 to vector<16xi32>
        %add3A_907 = arith.addi %add3A_891, %add3A_906 : vector<16xi32>
        %select_n3A_908 = arith.select %lt3A_904, %add3A_907, %add3A_891 : vector<16xi1>, vector<16xi32>
        %broadcast_in_dim3A_909 = vector.shape_cast %select_n3A_908 : vector<16xi32> to vector<16x1xi32>
        %gather3A_910 = vector.shape_cast %broadcast_in_dim3A_909 : vector<16x1xi32> to vector<16xi32>
        %gather3A_911 = tpu.dynamic_gather %gather3A_170[%gather3A_910] in [0] : vector<16xf32>, vector<16xi32> -> vector<16xf32>
        %lt3A_912 = arith.constant 0 : i32
        %lt3A_913 = vector.broadcast %lt3A_912 : i32 to vector<16xi32>
        %lt3A_914 = arith.cmpi slt, %add3A_891, %lt3A_913 : vector<16xi32>
        %add3A_915 = arith.constant 16 : i32
        %add3A_916 = vector.broadcast %add3A_915 : i32 to vector<16xi32>
        %add3A_917 = arith.addi %add3A_891, %add3A_916 : vector<16xi32>
        %select_n3A_918 = arith.select %lt3A_914, %add3A_917, %add3A_891 : vector<16xi1>, vector<16xi32>
        %broadcast_in_dim3A_919 = vector.shape_cast %select_n3A_918 : vector<16xi32> to vector<16x1xi32>
        %gather3A_920 = vector.shape_cast %broadcast_in_dim3A_919 : vector<16x1xi32> to vector<16xi32>
        %gather3A_921 = tpu.dynamic_gather %gather3A_171[%gather3A_920] in [0] : vector<16xf32>, vector<16xi32> -> vector<16xf32>
        %lt3A_922 = arith.constant 0 : i32
        %lt3A_923 = vector.broadcast %lt3A_922 : i32 to vector<16xi32>
        %lt3A_924 = arith.cmpi slt, %add3A_891, %lt3A_923 : vector<16xi32>
        %add3A_925 = arith.constant 16 : i32
        %add3A_926 = vector.broadcast %add3A_925 : i32 to vector<16xi32>
        %add3A_927 = arith.addi %add3A_891, %add3A_926 : vector<16xi32>
        %select_n3A_928 = arith.select %lt3A_924, %add3A_927, %add3A_891 : vector<16xi1>, vector<16xi32>
        %broadcast_in_dim3A_929 = vector.shape_cast %select_n3A_928 : vector<16xi32> to vector<16x1xi32>
        %gather3A_930 = vector.shape_cast %broadcast_in_dim3A_929 : vector<16x1xi32> to vector<16xi32>
        %gather3A_931 = tpu.dynamic_gather %gather3A_172[%gather3A_930] in [0] : vector<16xf32>, vector<16xi32> -> vector<16xf32>
        %lt3A_932 = arith.constant 0 : i32
        %lt3A_933 = vector.broadcast %lt3A_932 : i32 to vector<16xi32>
        %lt3A_934 = arith.cmpi slt, %add3A_891, %lt3A_933 : vector<16xi32>
        %add3A_935 = arith.constant 16 : i32
        %add3A_936 = vector.broadcast %add3A_935 : i32 to vector<16xi32>
        %add3A_937 = arith.addi %add3A_891, %add3A_936 : vector<16xi32>
        %select_n3A_938 = arith.select %lt3A_934, %add3A_937, %add3A_891 : vector<16xi1>, vector<16xi32>
        %broadcast_in_dim3A_939 = vector.shape_cast %select_n3A_938 : vector<16xi32> to vector<16x1xi32>
        %gather3A_940 = vector.shape_cast %broadcast_in_dim3A_939 : vector<16x1xi32> to vector<16xi32>
        %gather3A_941 = tpu.dynamic_gather %gather3A_173[%gather3A_940] in [0] : vector<16xf32>, vector<16xi32> -> vector<16xf32>
        %sub3A_942 = arith.subf %gather3A_931, %gather3A_911 : vector<16xf32>
        %max3A_943 = arith.constant 0.000000e+00 : f32
        %max3A_944 = vector.broadcast %max3A_943 : f32 to vector<16xf32>
        %max3A_945 = arith.maximumf %sub3A_942, %max3A_944 : vector<16xf32>
        %sub3A_946 = arith.subf %gather3A_941, %gather3A_921 : vector<16xf32>
        %max3A_947 = arith.constant 0.000000e+00 : f32
        %max3A_948 = vector.broadcast %max3A_947 : f32 to vector<16xf32>
        %max3A_949 = arith.maximumf %sub3A_946, %max3A_948 : vector<16xf32>
        %mul3A_950 = arith.mulf %max3A_945, %max3A_949 : vector<16xf32>
        %min3A_951 = arith.minimumf %gather3A_931, %gather3A_172 : vector<16xf32>
        %max3A_952 = arith.maximumf %gather3A_911, %gather3A_170 : vector<16xf32>
        %sub3A_953 = arith.subf %min3A_951, %max3A_952 : vector<16xf32>
        %max3A_954 = arith.constant 0.000000e+00 : f32
        %max3A_955 = vector.broadcast %max3A_954 : f32 to vector<16xf32>
        %max3A_956 = arith.maximumf %sub3A_953, %max3A_955 : vector<16xf32>
        %min3A_957 = arith.minimumf %gather3A_941, %gather3A_173 : vector<16xf32>
        %max3A_958 = arith.maximumf %gather3A_921, %gather3A_171 : vector<16xf32>
        %sub3A_959 = arith.subf %min3A_957, %max3A_958 : vector<16xf32>
        %max3A_960 = arith.constant 0.000000e+00 : f32
        %max3A_961 = vector.broadcast %max3A_960 : f32 to vector<16xf32>
        %max3A_962 = arith.maximumf %sub3A_959, %max3A_961 : vector<16xf32>
        %mul3A_963 = arith.mulf %max3A_956, %max3A_962 : vector<16xf32>
        %add3A_964 = arith.addf %mul3A_950, %mul3A_181 : vector<16xf32>
        %sub3A_965 = arith.subf %add3A_964, %mul3A_963 : vector<16xf32>
        %max3A_966 = arith.constant 9.99999971E-10 : f32
        %max3A_967 = vector.broadcast %max3A_966 : f32 to vector<16xf32>
        %max3A_968 = arith.maximumf %sub3A_965, %max3A_967 : vector<16xf32>
        %div3A_969 = arith.divf %mul3A_963, %max3A_968 : vector<16xf32>
        %gt3A_970 = arith.constant 5.000000e-01 : f32
        %gt3A_971 = vector.broadcast %gt3A_970 : f32 to vector<16xf32>
        %gt3A_972 = arith.cmpf ogt, %div3A_969, %gt3A_971 : vector<16xf32>
        %gt3A_973 = arith.constant 7 : i32
        %gt3A_974 = vector.broadcast %gt3A_973 : i32 to vector<16xi32>
        %gt3A_975 = arith.cmpi sgt, %iota3A, %gt3A_974 : vector<16xi32>
        %and3A_976 = arith.andi %gt3A_972, %gt3A_975 : vector<16xi1>
        %jit3A_977 = arith.constant 0.000000e+00 : f32
        %broadcast_in_dim3A_978 = vector.broadcast %jit3A_977 : f32 to vector<16xf32>
        %select_n3A_979 = arith.select %and3A_976, %gather3A_901, %broadcast_in_dim3A_978 : vector<16xi1>, vector<16xf32>
        %sub3A_980 = arith.constant 1.000000e+00 : f32
        %sub3A_981 = vector.broadcast %sub3A_980 : f32 to vector<16xf32>
        %sub3A_982 = arith.subf %sub3A_981, %select_n3A_979 : vector<16xf32>
        %mul3A_983 = arith.mulf %mul3A_888, %sub3A_982 : vector<16xf32>
        %add3A_984 = arith.constant 8 : i32
        %add3A_985 = vector.broadcast %add3A_984 : i32 to vector<16xi32>
        %add3A_986 = arith.addi %broadcast_in_dim3A_4, %add3A_985 : vector<16xi32>
        %lt3A_987 = arith.constant 0 : i32
        %lt3A_988 = vector.broadcast %lt3A_987 : i32 to vector<16xi32>
        %lt3A_989 = arith.cmpi slt, %add3A_986, %lt3A_988 : vector<16xi32>
        %add3A_990 = arith.constant 16 : i32
        %add3A_991 = vector.broadcast %add3A_990 : i32 to vector<16xi32>
        %add3A_992 = arith.addi %add3A_986, %add3A_991 : vector<16xi32>
        %select_n3A_993 = arith.select %lt3A_989, %add3A_992, %add3A_986 : vector<16xi1>, vector<16xi32>
        %broadcast_in_dim3A_994 = vector.shape_cast %select_n3A_993 : vector<16xi32> to vector<16x1xi32>
        %gather3A_995 = vector.shape_cast %broadcast_in_dim3A_994 : vector<16x1xi32> to vector<16xi32>
        %gather3A_996 = tpu.dynamic_gather %mul3A_983[%gather3A_995] in [0] : vector<16xf32>, vector<16xi32> -> vector<16xf32>
        %lt3A_997 = arith.constant 0 : i32
        %lt3A_998 = vector.broadcast %lt3A_997 : i32 to vector<16xi32>
        %lt3A_999 = arith.cmpi slt, %add3A_986, %lt3A_998 : vector<16xi32>
        %add3A_1000 = arith.constant 16 : i32
        %add3A_1001 = vector.broadcast %add3A_1000 : i32 to vector<16xi32>
        %add3A_1002 = arith.addi %add3A_986, %add3A_1001 : vector<16xi32>
        %select_n3A_1003 = arith.select %lt3A_999, %add3A_1002, %add3A_986 : vector<16xi1>, vector<16xi32>
        %broadcast_in_dim3A_1004 = vector.shape_cast %select_n3A_1003 : vector<16xi32> to vector<16x1xi32>
        %gather3A_1005 = vector.shape_cast %broadcast_in_dim3A_1004 : vector<16x1xi32> to vector<16xi32>
        %gather3A_1006 = tpu.dynamic_gather %gather3A_170[%gather3A_1005] in [0] : vector<16xf32>, vector<16xi32> -> vector<16xf32>
        %lt3A_1007 = arith.constant 0 : i32
        %lt3A_1008 = vector.broadcast %lt3A_1007 : i32 to vector<16xi32>
        %lt3A_1009 = arith.cmpi slt, %add3A_986, %lt3A_1008 : vector<16xi32>
        %add3A_1010 = arith.constant 16 : i32
        %add3A_1011 = vector.broadcast %add3A_1010 : i32 to vector<16xi32>
        %add3A_1012 = arith.addi %add3A_986, %add3A_1011 : vector<16xi32>
        %select_n3A_1013 = arith.select %lt3A_1009, %add3A_1012, %add3A_986 : vector<16xi1>, vector<16xi32>
        %broadcast_in_dim3A_1014 = vector.shape_cast %select_n3A_1013 : vector<16xi32> to vector<16x1xi32>
        %gather3A_1015 = vector.shape_cast %broadcast_in_dim3A_1014 : vector<16x1xi32> to vector<16xi32>
        %gather3A_1016 = tpu.dynamic_gather %gather3A_171[%gather3A_1015] in [0] : vector<16xf32>, vector<16xi32> -> vector<16xf32>
        %lt3A_1017 = arith.constant 0 : i32
        %lt3A_1018 = vector.broadcast %lt3A_1017 : i32 to vector<16xi32>
        %lt3A_1019 = arith.cmpi slt, %add3A_986, %lt3A_1018 : vector<16xi32>
        %add3A_1020 = arith.constant 16 : i32
        %add3A_1021 = vector.broadcast %add3A_1020 : i32 to vector<16xi32>
        %add3A_1022 = arith.addi %add3A_986, %add3A_1021 : vector<16xi32>
        %select_n3A_1023 = arith.select %lt3A_1019, %add3A_1022, %add3A_986 : vector<16xi1>, vector<16xi32>
        %broadcast_in_dim3A_1024 = vector.shape_cast %select_n3A_1023 : vector<16xi32> to vector<16x1xi32>
        %gather3A_1025 = vector.shape_cast %broadcast_in_dim3A_1024 : vector<16x1xi32> to vector<16xi32>
        %gather3A_1026 = tpu.dynamic_gather %gather3A_172[%gather3A_1025] in [0] : vector<16xf32>, vector<16xi32> -> vector<16xf32>
        %lt3A_1027 = arith.constant 0 : i32
        %lt3A_1028 = vector.broadcast %lt3A_1027 : i32 to vector<16xi32>
        %lt3A_1029 = arith.cmpi slt, %add3A_986, %lt3A_1028 : vector<16xi32>
        %add3A_1030 = arith.constant 16 : i32
        %add3A_1031 = vector.broadcast %add3A_1030 : i32 to vector<16xi32>
        %add3A_1032 = arith.addi %add3A_986, %add3A_1031 : vector<16xi32>
        %select_n3A_1033 = arith.select %lt3A_1029, %add3A_1032, %add3A_986 : vector<16xi1>, vector<16xi32>
        %broadcast_in_dim3A_1034 = vector.shape_cast %select_n3A_1033 : vector<16xi32> to vector<16x1xi32>
        %gather3A_1035 = vector.shape_cast %broadcast_in_dim3A_1034 : vector<16x1xi32> to vector<16xi32>
        %gather3A_1036 = tpu.dynamic_gather %gather3A_173[%gather3A_1035] in [0] : vector<16xf32>, vector<16xi32> -> vector<16xf32>
        %sub3A_1037 = arith.subf %gather3A_1026, %gather3A_1006 : vector<16xf32>
        %max3A_1038 = arith.constant 0.000000e+00 : f32
        %max3A_1039 = vector.broadcast %max3A_1038 : f32 to vector<16xf32>
        %max3A_1040 = arith.maximumf %sub3A_1037, %max3A_1039 : vector<16xf32>
        %sub3A_1041 = arith.subf %gather3A_1036, %gather3A_1016 : vector<16xf32>
        %max3A_1042 = arith.constant 0.000000e+00 : f32
        %max3A_1043 = vector.broadcast %max3A_1042 : f32 to vector<16xf32>
        %max3A_1044 = arith.maximumf %sub3A_1041, %max3A_1043 : vector<16xf32>
        %mul3A_1045 = arith.mulf %max3A_1040, %max3A_1044 : vector<16xf32>
        %min3A_1046 = arith.minimumf %gather3A_1026, %gather3A_172 : vector<16xf32>
        %max3A_1047 = arith.maximumf %gather3A_1006, %gather3A_170 : vector<16xf32>
        %sub3A_1048 = arith.subf %min3A_1046, %max3A_1047 : vector<16xf32>
        %max3A_1049 = arith.constant 0.000000e+00 : f32
        %max3A_1050 = vector.broadcast %max3A_1049 : f32 to vector<16xf32>
        %max3A_1051 = arith.maximumf %sub3A_1048, %max3A_1050 : vector<16xf32>
        %min3A_1052 = arith.minimumf %gather3A_1036, %gather3A_173 : vector<16xf32>
        %max3A_1053 = arith.maximumf %gather3A_1016, %gather3A_171 : vector<16xf32>
        %sub3A_1054 = arith.subf %min3A_1052, %max3A_1053 : vector<16xf32>
        %max3A_1055 = arith.constant 0.000000e+00 : f32
        %max3A_1056 = vector.broadcast %max3A_1055 : f32 to vector<16xf32>
        %max3A_1057 = arith.maximumf %sub3A_1054, %max3A_1056 : vector<16xf32>
        %mul3A_1058 = arith.mulf %max3A_1051, %max3A_1057 : vector<16xf32>
        %add3A_1059 = arith.addf %mul3A_1045, %mul3A_181 : vector<16xf32>
        %sub3A_1060 = arith.subf %add3A_1059, %mul3A_1058 : vector<16xf32>
        %max3A_1061 = arith.constant 9.99999971E-10 : f32
        %max3A_1062 = vector.broadcast %max3A_1061 : f32 to vector<16xf32>
        %max3A_1063 = arith.maximumf %sub3A_1060, %max3A_1062 : vector<16xf32>
        %div3A_1064 = arith.divf %mul3A_1058, %max3A_1063 : vector<16xf32>
        %gt3A_1065 = arith.constant 5.000000e-01 : f32
        %gt3A_1066 = vector.broadcast %gt3A_1065 : f32 to vector<16xf32>
        %gt3A_1067 = arith.cmpf ogt, %div3A_1064, %gt3A_1066 : vector<16xf32>
        %gt3A_1068 = arith.constant 8 : i32
        %gt3A_1069 = vector.broadcast %gt3A_1068 : i32 to vector<16xi32>
        %gt3A_1070 = arith.cmpi sgt, %iota3A, %gt3A_1069 : vector<16xi32>
        %and3A_1071 = arith.andi %gt3A_1067, %gt3A_1070 : vector<16xi1>
        %jit3A_1072 = arith.constant 0.000000e+00 : f32
        %broadcast_in_dim3A_1073 = vector.broadcast %jit3A_1072 : f32 to vector<16xf32>
        %select_n3A_1074 = arith.select %and3A_1071, %gather3A_996, %broadcast_in_dim3A_1073 : vector<16xi1>, vector<16xf32>
        %sub3A_1075 = arith.constant 1.000000e+00 : f32
        %sub3A_1076 = vector.broadcast %sub3A_1075 : f32 to vector<16xf32>
        %sub3A_1077 = arith.subf %sub3A_1076, %select_n3A_1074 : vector<16xf32>
        %mul3A_1078 = arith.mulf %mul3A_983, %sub3A_1077 : vector<16xf32>
        %add3A_1079 = arith.constant 9 : i32
        %add3A_1080 = vector.broadcast %add3A_1079 : i32 to vector<16xi32>
        %add3A_1081 = arith.addi %broadcast_in_dim3A_4, %add3A_1080 : vector<16xi32>
        %lt3A_1082 = arith.constant 0 : i32
        %lt3A_1083 = vector.broadcast %lt3A_1082 : i32 to vector<16xi32>
        %lt3A_1084 = arith.cmpi slt, %add3A_1081, %lt3A_1083 : vector<16xi32>
        %add3A_1085 = arith.constant 16 : i32
        %add3A_1086 = vector.broadcast %add3A_1085 : i32 to vector<16xi32>
        %add3A_1087 = arith.addi %add3A_1081, %add3A_1086 : vector<16xi32>
        %select_n3A_1088 = arith.select %lt3A_1084, %add3A_1087, %add3A_1081 : vector<16xi1>, vector<16xi32>
        %broadcast_in_dim3A_1089 = vector.shape_cast %select_n3A_1088 : vector<16xi32> to vector<16x1xi32>
        %gather3A_1090 = vector.shape_cast %broadcast_in_dim3A_1089 : vector<16x1xi32> to vector<16xi32>
        %gather3A_1091 = tpu.dynamic_gather %mul3A_1078[%gather3A_1090] in [0] : vector<16xf32>, vector<16xi32> -> vector<16xf32>
        %lt3A_1092 = arith.constant 0 : i32
        %lt3A_1093 = vector.broadcast %lt3A_1092 : i32 to vector<16xi32>
        %lt3A_1094 = arith.cmpi slt, %add3A_1081, %lt3A_1093 : vector<16xi32>
        %add3A_1095 = arith.constant 16 : i32
        %add3A_1096 = vector.broadcast %add3A_1095 : i32 to vector<16xi32>
        %add3A_1097 = arith.addi %add3A_1081, %add3A_1096 : vector<16xi32>
        %select_n3A_1098 = arith.select %lt3A_1094, %add3A_1097, %add3A_1081 : vector<16xi1>, vector<16xi32>
        %broadcast_in_dim3A_1099 = vector.shape_cast %select_n3A_1098 : vector<16xi32> to vector<16x1xi32>
        %gather3A_1100 = vector.shape_cast %broadcast_in_dim3A_1099 : vector<16x1xi32> to vector<16xi32>
        %gather3A_1101 = tpu.dynamic_gather %gather3A_170[%gather3A_1100] in [0] : vector<16xf32>, vector<16xi32> -> vector<16xf32>
        %lt3A_1102 = arith.constant 0 : i32
        %lt3A_1103 = vector.broadcast %lt3A_1102 : i32 to vector<16xi32>
        %lt3A_1104 = arith.cmpi slt, %add3A_1081, %lt3A_1103 : vector<16xi32>
        %add3A_1105 = arith.constant 16 : i32
        %add3A_1106 = vector.broadcast %add3A_1105 : i32 to vector<16xi32>
        %add3A_1107 = arith.addi %add3A_1081, %add3A_1106 : vector<16xi32>
        %select_n3A_1108 = arith.select %lt3A_1104, %add3A_1107, %add3A_1081 : vector<16xi1>, vector<16xi32>
        %broadcast_in_dim3A_1109 = vector.shape_cast %select_n3A_1108 : vector<16xi32> to vector<16x1xi32>
        %gather3A_1110 = vector.shape_cast %broadcast_in_dim3A_1109 : vector<16x1xi32> to vector<16xi32>
        %gather3A_1111 = tpu.dynamic_gather %gather3A_171[%gather3A_1110] in [0] : vector<16xf32>, vector<16xi32> -> vector<16xf32>
        %lt3A_1112 = arith.constant 0 : i32
        %lt3A_1113 = vector.broadcast %lt3A_1112 : i32 to vector<16xi32>
        %lt3A_1114 = arith.cmpi slt, %add3A_1081, %lt3A_1113 : vector<16xi32>
        %add3A_1115 = arith.constant 16 : i32
        %add3A_1116 = vector.broadcast %add3A_1115 : i32 to vector<16xi32>
        %add3A_1117 = arith.addi %add3A_1081, %add3A_1116 : vector<16xi32>
        %select_n3A_1118 = arith.select %lt3A_1114, %add3A_1117, %add3A_1081 : vector<16xi1>, vector<16xi32>
        %broadcast_in_dim3A_1119 = vector.shape_cast %select_n3A_1118 : vector<16xi32> to vector<16x1xi32>
        %gather3A_1120 = vector.shape_cast %broadcast_in_dim3A_1119 : vector<16x1xi32> to vector<16xi32>
        %gather3A_1121 = tpu.dynamic_gather %gather3A_172[%gather3A_1120] in [0] : vector<16xf32>, vector<16xi32> -> vector<16xf32>
        %lt3A_1122 = arith.constant 0 : i32
        %lt3A_1123 = vector.broadcast %lt3A_1122 : i32 to vector<16xi32>
        %lt3A_1124 = arith.cmpi slt, %add3A_1081, %lt3A_1123 : vector<16xi32>
        %add3A_1125 = arith.constant 16 : i32
        %add3A_1126 = vector.broadcast %add3A_1125 : i32 to vector<16xi32>
        %add3A_1127 = arith.addi %add3A_1081, %add3A_1126 : vector<16xi32>
        %select_n3A_1128 = arith.select %lt3A_1124, %add3A_1127, %add3A_1081 : vector<16xi1>, vector<16xi32>
        %broadcast_in_dim3A_1129 = vector.shape_cast %select_n3A_1128 : vector<16xi32> to vector<16x1xi32>
        %gather3A_1130 = vector.shape_cast %broadcast_in_dim3A_1129 : vector<16x1xi32> to vector<16xi32>
        %gather3A_1131 = tpu.dynamic_gather %gather3A_173[%gather3A_1130] in [0] : vector<16xf32>, vector<16xi32> -> vector<16xf32>
        %sub3A_1132 = arith.subf %gather3A_1121, %gather3A_1101 : vector<16xf32>
        %max3A_1133 = arith.constant 0.000000e+00 : f32
        %max3A_1134 = vector.broadcast %max3A_1133 : f32 to vector<16xf32>
        %max3A_1135 = arith.maximumf %sub3A_1132, %max3A_1134 : vector<16xf32>
        %sub3A_1136 = arith.subf %gather3A_1131, %gather3A_1111 : vector<16xf32>
        %max3A_1137 = arith.constant 0.000000e+00 : f32
        %max3A_1138 = vector.broadcast %max3A_1137 : f32 to vector<16xf32>
        %max3A_1139 = arith.maximumf %sub3A_1136, %max3A_1138 : vector<16xf32>
        %mul3A_1140 = arith.mulf %max3A_1135, %max3A_1139 : vector<16xf32>
        %min3A_1141 = arith.minimumf %gather3A_1121, %gather3A_172 : vector<16xf32>
        %max3A_1142 = arith.maximumf %gather3A_1101, %gather3A_170 : vector<16xf32>
        %sub3A_1143 = arith.subf %min3A_1141, %max3A_1142 : vector<16xf32>
        %max3A_1144 = arith.constant 0.000000e+00 : f32
        %max3A_1145 = vector.broadcast %max3A_1144 : f32 to vector<16xf32>
        %max3A_1146 = arith.maximumf %sub3A_1143, %max3A_1145 : vector<16xf32>
        %min3A_1147 = arith.minimumf %gather3A_1131, %gather3A_173 : vector<16xf32>
        %max3A_1148 = arith.maximumf %gather3A_1111, %gather3A_171 : vector<16xf32>
        %sub3A_1149 = arith.subf %min3A_1147, %max3A_1148 : vector<16xf32>
        %max3A_1150 = arith.constant 0.000000e+00 : f32
        %max3A_1151 = vector.broadcast %max3A_1150 : f32 to vector<16xf32>
        %max3A_1152 = arith.maximumf %sub3A_1149, %max3A_1151 : vector<16xf32>
        %mul3A_1153 = arith.mulf %max3A_1146, %max3A_1152 : vector<16xf32>
        %add3A_1154 = arith.addf %mul3A_1140, %mul3A_181 : vector<16xf32>
        %sub3A_1155 = arith.subf %add3A_1154, %mul3A_1153 : vector<16xf32>
        %max3A_1156 = arith.constant 9.99999971E-10 : f32
        %max3A_1157 = vector.broadcast %max3A_1156 : f32 to vector<16xf32>
        %max3A_1158 = arith.maximumf %sub3A_1155, %max3A_1157 : vector<16xf32>
        %div3A_1159 = arith.divf %mul3A_1153, %max3A_1158 : vector<16xf32>
        %gt3A_1160 = arith.constant 5.000000e-01 : f32
        %gt3A_1161 = vector.broadcast %gt3A_1160 : f32 to vector<16xf32>
        %gt3A_1162 = arith.cmpf ogt, %div3A_1159, %gt3A_1161 : vector<16xf32>
        %gt3A_1163 = arith.constant 9 : i32
        %gt3A_1164 = vector.broadcast %gt3A_1163 : i32 to vector<16xi32>
        %gt3A_1165 = arith.cmpi sgt, %iota3A, %gt3A_1164 : vector<16xi32>
        %and3A_1166 = arith.andi %gt3A_1162, %gt3A_1165 : vector<16xi1>
        %jit3A_1167 = arith.constant 0.000000e+00 : f32
        %broadcast_in_dim3A_1168 = vector.broadcast %jit3A_1167 : f32 to vector<16xf32>
        %select_n3A_1169 = arith.select %and3A_1166, %gather3A_1091, %broadcast_in_dim3A_1168 : vector<16xi1>, vector<16xf32>
        %sub3A_1170 = arith.constant 1.000000e+00 : f32
        %sub3A_1171 = vector.broadcast %sub3A_1170 : f32 to vector<16xf32>
        %sub3A_1172 = arith.subf %sub3A_1171, %select_n3A_1169 : vector<16xf32>
        %mul3A_1173 = arith.mulf %mul3A_1078, %sub3A_1172 : vector<16xf32>
        %add3A_1174 = arith.constant 10 : i32
        %add3A_1175 = vector.broadcast %add3A_1174 : i32 to vector<16xi32>
        %add3A_1176 = arith.addi %broadcast_in_dim3A_4, %add3A_1175 : vector<16xi32>
        %lt3A_1177 = arith.constant 0 : i32
        %lt3A_1178 = vector.broadcast %lt3A_1177 : i32 to vector<16xi32>
        %lt3A_1179 = arith.cmpi slt, %add3A_1176, %lt3A_1178 : vector<16xi32>
        %add3A_1180 = arith.constant 16 : i32
        %add3A_1181 = vector.broadcast %add3A_1180 : i32 to vector<16xi32>
        %add3A_1182 = arith.addi %add3A_1176, %add3A_1181 : vector<16xi32>
        %select_n3A_1183 = arith.select %lt3A_1179, %add3A_1182, %add3A_1176 : vector<16xi1>, vector<16xi32>
        %broadcast_in_dim3A_1184 = vector.shape_cast %select_n3A_1183 : vector<16xi32> to vector<16x1xi32>
        %gather3A_1185 = vector.shape_cast %broadcast_in_dim3A_1184 : vector<16x1xi32> to vector<16xi32>
        %gather3A_1186 = tpu.dynamic_gather %mul3A_1173[%gather3A_1185] in [0] : vector<16xf32>, vector<16xi32> -> vector<16xf32>
        %lt3A_1187 = arith.constant 0 : i32
        %lt3A_1188 = vector.broadcast %lt3A_1187 : i32 to vector<16xi32>
        %lt3A_1189 = arith.cmpi slt, %add3A_1176, %lt3A_1188 : vector<16xi32>
        %add3A_1190 = arith.constant 16 : i32
        %add3A_1191 = vector.broadcast %add3A_1190 : i32 to vector<16xi32>
        %add3A_1192 = arith.addi %add3A_1176, %add3A_1191 : vector<16xi32>
        %select_n3A_1193 = arith.select %lt3A_1189, %add3A_1192, %add3A_1176 : vector<16xi1>, vector<16xi32>
        %broadcast_in_dim3A_1194 = vector.shape_cast %select_n3A_1193 : vector<16xi32> to vector<16x1xi32>
        %gather3A_1195 = vector.shape_cast %broadcast_in_dim3A_1194 : vector<16x1xi32> to vector<16xi32>
        %gather3A_1196 = tpu.dynamic_gather %gather3A_170[%gather3A_1195] in [0] : vector<16xf32>, vector<16xi32> -> vector<16xf32>
        %lt3A_1197 = arith.constant 0 : i32
        %lt3A_1198 = vector.broadcast %lt3A_1197 : i32 to vector<16xi32>
        %lt3A_1199 = arith.cmpi slt, %add3A_1176, %lt3A_1198 : vector<16xi32>
        %add3A_1200 = arith.constant 16 : i32
        %add3A_1201 = vector.broadcast %add3A_1200 : i32 to vector<16xi32>
        %add3A_1202 = arith.addi %add3A_1176, %add3A_1201 : vector<16xi32>
        %select_n3A_1203 = arith.select %lt3A_1199, %add3A_1202, %add3A_1176 : vector<16xi1>, vector<16xi32>
        %broadcast_in_dim3A_1204 = vector.shape_cast %select_n3A_1203 : vector<16xi32> to vector<16x1xi32>
        %gather3A_1205 = vector.shape_cast %broadcast_in_dim3A_1204 : vector<16x1xi32> to vector<16xi32>
        %gather3A_1206 = tpu.dynamic_gather %gather3A_171[%gather3A_1205] in [0] : vector<16xf32>, vector<16xi32> -> vector<16xf32>
        %lt3A_1207 = arith.constant 0 : i32
        %lt3A_1208 = vector.broadcast %lt3A_1207 : i32 to vector<16xi32>
        %lt3A_1209 = arith.cmpi slt, %add3A_1176, %lt3A_1208 : vector<16xi32>
        %add3A_1210 = arith.constant 16 : i32
        %add3A_1211 = vector.broadcast %add3A_1210 : i32 to vector<16xi32>
        %add3A_1212 = arith.addi %add3A_1176, %add3A_1211 : vector<16xi32>
        %select_n3A_1213 = arith.select %lt3A_1209, %add3A_1212, %add3A_1176 : vector<16xi1>, vector<16xi32>
        %broadcast_in_dim3A_1214 = vector.shape_cast %select_n3A_1213 : vector<16xi32> to vector<16x1xi32>
        %gather3A_1215 = vector.shape_cast %broadcast_in_dim3A_1214 : vector<16x1xi32> to vector<16xi32>
        %gather3A_1216 = tpu.dynamic_gather %gather3A_172[%gather3A_1215] in [0] : vector<16xf32>, vector<16xi32> -> vector<16xf32>
        %lt3A_1217 = arith.constant 0 : i32
        %lt3A_1218 = vector.broadcast %lt3A_1217 : i32 to vector<16xi32>
        %lt3A_1219 = arith.cmpi slt, %add3A_1176, %lt3A_1218 : vector<16xi32>
        %add3A_1220 = arith.constant 16 : i32
        %add3A_1221 = vector.broadcast %add3A_1220 : i32 to vector<16xi32>
        %add3A_1222 = arith.addi %add3A_1176, %add3A_1221 : vector<16xi32>
        %select_n3A_1223 = arith.select %lt3A_1219, %add3A_1222, %add3A_1176 : vector<16xi1>, vector<16xi32>
        %broadcast_in_dim3A_1224 = vector.shape_cast %select_n3A_1223 : vector<16xi32> to vector<16x1xi32>
        %gather3A_1225 = vector.shape_cast %broadcast_in_dim3A_1224 : vector<16x1xi32> to vector<16xi32>
        %gather3A_1226 = tpu.dynamic_gather %gather3A_173[%gather3A_1225] in [0] : vector<16xf32>, vector<16xi32> -> vector<16xf32>
        %sub3A_1227 = arith.subf %gather3A_1216, %gather3A_1196 : vector<16xf32>
        %max3A_1228 = arith.constant 0.000000e+00 : f32
        %max3A_1229 = vector.broadcast %max3A_1228 : f32 to vector<16xf32>
        %max3A_1230 = arith.maximumf %sub3A_1227, %max3A_1229 : vector<16xf32>
        %sub3A_1231 = arith.subf %gather3A_1226, %gather3A_1206 : vector<16xf32>
        %max3A_1232 = arith.constant 0.000000e+00 : f32
        %max3A_1233 = vector.broadcast %max3A_1232 : f32 to vector<16xf32>
        %max3A_1234 = arith.maximumf %sub3A_1231, %max3A_1233 : vector<16xf32>
        %mul3A_1235 = arith.mulf %max3A_1230, %max3A_1234 : vector<16xf32>
        %min3A_1236 = arith.minimumf %gather3A_1216, %gather3A_172 : vector<16xf32>
        %max3A_1237 = arith.maximumf %gather3A_1196, %gather3A_170 : vector<16xf32>
        %sub3A_1238 = arith.subf %min3A_1236, %max3A_1237 : vector<16xf32>
        %max3A_1239 = arith.constant 0.000000e+00 : f32
        %max3A_1240 = vector.broadcast %max3A_1239 : f32 to vector<16xf32>
        %max3A_1241 = arith.maximumf %sub3A_1238, %max3A_1240 : vector<16xf32>
        %min3A_1242 = arith.minimumf %gather3A_1226, %gather3A_173 : vector<16xf32>
        %max3A_1243 = arith.maximumf %gather3A_1206, %gather3A_171 : vector<16xf32>
        %sub3A_1244 = arith.subf %min3A_1242, %max3A_1243 : vector<16xf32>
        %max3A_1245 = arith.constant 0.000000e+00 : f32
        %max3A_1246 = vector.broadcast %max3A_1245 : f32 to vector<16xf32>
        %max3A_1247 = arith.maximumf %sub3A_1244, %max3A_1246 : vector<16xf32>
        %mul3A_1248 = arith.mulf %max3A_1241, %max3A_1247 : vector<16xf32>
        %add3A_1249 = arith.addf %mul3A_1235, %mul3A_181 : vector<16xf32>
        %sub3A_1250 = arith.subf %add3A_1249, %mul3A_1248 : vector<16xf32>
        %max3A_1251 = arith.constant 9.99999971E-10 : f32
        %max3A_1252 = vector.broadcast %max3A_1251 : f32 to vector<16xf32>
        %max3A_1253 = arith.maximumf %sub3A_1250, %max3A_1252 : vector<16xf32>
        %div3A_1254 = arith.divf %mul3A_1248, %max3A_1253 : vector<16xf32>
        %gt3A_1255 = arith.constant 5.000000e-01 : f32
        %gt3A_1256 = vector.broadcast %gt3A_1255 : f32 to vector<16xf32>
        %gt3A_1257 = arith.cmpf ogt, %div3A_1254, %gt3A_1256 : vector<16xf32>
        %gt3A_1258 = arith.constant 10 : i32
        %gt3A_1259 = vector.broadcast %gt3A_1258 : i32 to vector<16xi32>
        %gt3A_1260 = arith.cmpi sgt, %iota3A, %gt3A_1259 : vector<16xi32>
        %and3A_1261 = arith.andi %gt3A_1257, %gt3A_1260 : vector<16xi1>
        %jit3A_1262 = arith.constant 0.000000e+00 : f32
        %broadcast_in_dim3A_1263 = vector.broadcast %jit3A_1262 : f32 to vector<16xf32>
        %select_n3A_1264 = arith.select %and3A_1261, %gather3A_1186, %broadcast_in_dim3A_1263 : vector<16xi1>, vector<16xf32>
        %sub3A_1265 = arith.constant 1.000000e+00 : f32
        %sub3A_1266 = vector.broadcast %sub3A_1265 : f32 to vector<16xf32>
        %sub3A_1267 = arith.subf %sub3A_1266, %select_n3A_1264 : vector<16xf32>
        %mul3A_1268 = arith.mulf %mul3A_1173, %sub3A_1267 : vector<16xf32>
        %add3A_1269 = arith.constant 11 : i32
        %add3A_1270 = vector.broadcast %add3A_1269 : i32 to vector<16xi32>
        %add3A_1271 = arith.addi %broadcast_in_dim3A_4, %add3A_1270 : vector<16xi32>
        %lt3A_1272 = arith.constant 0 : i32
        %lt3A_1273 = vector.broadcast %lt3A_1272 : i32 to vector<16xi32>
        %lt3A_1274 = arith.cmpi slt, %add3A_1271, %lt3A_1273 : vector<16xi32>
        %add3A_1275 = arith.constant 16 : i32
        %add3A_1276 = vector.broadcast %add3A_1275 : i32 to vector<16xi32>
        %add3A_1277 = arith.addi %add3A_1271, %add3A_1276 : vector<16xi32>
        %select_n3A_1278 = arith.select %lt3A_1274, %add3A_1277, %add3A_1271 : vector<16xi1>, vector<16xi32>
        %broadcast_in_dim3A_1279 = vector.shape_cast %select_n3A_1278 : vector<16xi32> to vector<16x1xi32>
        %gather3A_1280 = vector.shape_cast %broadcast_in_dim3A_1279 : vector<16x1xi32> to vector<16xi32>
        %gather3A_1281 = tpu.dynamic_gather %mul3A_1268[%gather3A_1280] in [0] : vector<16xf32>, vector<16xi32> -> vector<16xf32>
        %lt3A_1282 = arith.constant 0 : i32
        %lt3A_1283 = vector.broadcast %lt3A_1282 : i32 to vector<16xi32>
        %lt3A_1284 = arith.cmpi slt, %add3A_1271, %lt3A_1283 : vector<16xi32>
        %add3A_1285 = arith.constant 16 : i32
        %add3A_1286 = vector.broadcast %add3A_1285 : i32 to vector<16xi32>
        %add3A_1287 = arith.addi %add3A_1271, %add3A_1286 : vector<16xi32>
        %select_n3A_1288 = arith.select %lt3A_1284, %add3A_1287, %add3A_1271 : vector<16xi1>, vector<16xi32>
        %broadcast_in_dim3A_1289 = vector.shape_cast %select_n3A_1288 : vector<16xi32> to vector<16x1xi32>
        %gather3A_1290 = vector.shape_cast %broadcast_in_dim3A_1289 : vector<16x1xi32> to vector<16xi32>
        %gather3A_1291 = tpu.dynamic_gather %gather3A_170[%gather3A_1290] in [0] : vector<16xf32>, vector<16xi32> -> vector<16xf32>
        %lt3A_1292 = arith.constant 0 : i32
        %lt3A_1293 = vector.broadcast %lt3A_1292 : i32 to vector<16xi32>
        %lt3A_1294 = arith.cmpi slt, %add3A_1271, %lt3A_1293 : vector<16xi32>
        %add3A_1295 = arith.constant 16 : i32
        %add3A_1296 = vector.broadcast %add3A_1295 : i32 to vector<16xi32>
        %add3A_1297 = arith.addi %add3A_1271, %add3A_1296 : vector<16xi32>
        %select_n3A_1298 = arith.select %lt3A_1294, %add3A_1297, %add3A_1271 : vector<16xi1>, vector<16xi32>
        %broadcast_in_dim3A_1299 = vector.shape_cast %select_n3A_1298 : vector<16xi32> to vector<16x1xi32>
        %gather3A_1300 = vector.shape_cast %broadcast_in_dim3A_1299 : vector<16x1xi32> to vector<16xi32>
        %gather3A_1301 = tpu.dynamic_gather %gather3A_171[%gather3A_1300] in [0] : vector<16xf32>, vector<16xi32> -> vector<16xf32>
        %lt3A_1302 = arith.constant 0 : i32
        %lt3A_1303 = vector.broadcast %lt3A_1302 : i32 to vector<16xi32>
        %lt3A_1304 = arith.cmpi slt, %add3A_1271, %lt3A_1303 : vector<16xi32>
        %add3A_1305 = arith.constant 16 : i32
        %add3A_1306 = vector.broadcast %add3A_1305 : i32 to vector<16xi32>
        %add3A_1307 = arith.addi %add3A_1271, %add3A_1306 : vector<16xi32>
        %select_n3A_1308 = arith.select %lt3A_1304, %add3A_1307, %add3A_1271 : vector<16xi1>, vector<16xi32>
        %broadcast_in_dim3A_1309 = vector.shape_cast %select_n3A_1308 : vector<16xi32> to vector<16x1xi32>
        %gather3A_1310 = vector.shape_cast %broadcast_in_dim3A_1309 : vector<16x1xi32> to vector<16xi32>
        %gather3A_1311 = tpu.dynamic_gather %gather3A_172[%gather3A_1310] in [0] : vector<16xf32>, vector<16xi32> -> vector<16xf32>
        %lt3A_1312 = arith.constant 0 : i32
        %lt3A_1313 = vector.broadcast %lt3A_1312 : i32 to vector<16xi32>
        %lt3A_1314 = arith.cmpi slt, %add3A_1271, %lt3A_1313 : vector<16xi32>
        %add3A_1315 = arith.constant 16 : i32
        %add3A_1316 = vector.broadcast %add3A_1315 : i32 to vector<16xi32>
        %add3A_1317 = arith.addi %add3A_1271, %add3A_1316 : vector<16xi32>
        %select_n3A_1318 = arith.select %lt3A_1314, %add3A_1317, %add3A_1271 : vector<16xi1>, vector<16xi32>
        %broadcast_in_dim3A_1319 = vector.shape_cast %select_n3A_1318 : vector<16xi32> to vector<16x1xi32>
        %gather3A_1320 = vector.shape_cast %broadcast_in_dim3A_1319 : vector<16x1xi32> to vector<16xi32>
        %gather3A_1321 = tpu.dynamic_gather %gather3A_173[%gather3A_1320] in [0] : vector<16xf32>, vector<16xi32> -> vector<16xf32>
        %sub3A_1322 = arith.subf %gather3A_1311, %gather3A_1291 : vector<16xf32>
        %max3A_1323 = arith.constant 0.000000e+00 : f32
        %max3A_1324 = vector.broadcast %max3A_1323 : f32 to vector<16xf32>
        %max3A_1325 = arith.maximumf %sub3A_1322, %max3A_1324 : vector<16xf32>
        %sub3A_1326 = arith.subf %gather3A_1321, %gather3A_1301 : vector<16xf32>
        %max3A_1327 = arith.constant 0.000000e+00 : f32
        %max3A_1328 = vector.broadcast %max3A_1327 : f32 to vector<16xf32>
        %max3A_1329 = arith.maximumf %sub3A_1326, %max3A_1328 : vector<16xf32>
        %mul3A_1330 = arith.mulf %max3A_1325, %max3A_1329 : vector<16xf32>
        %min3A_1331 = arith.minimumf %gather3A_1311, %gather3A_172 : vector<16xf32>
        %max3A_1332 = arith.maximumf %gather3A_1291, %gather3A_170 : vector<16xf32>
        %sub3A_1333 = arith.subf %min3A_1331, %max3A_1332 : vector<16xf32>
        %max3A_1334 = arith.constant 0.000000e+00 : f32
        %max3A_1335 = vector.broadcast %max3A_1334 : f32 to vector<16xf32>
        %max3A_1336 = arith.maximumf %sub3A_1333, %max3A_1335 : vector<16xf32>
        %min3A_1337 = arith.minimumf %gather3A_1321, %gather3A_173 : vector<16xf32>
        %max3A_1338 = arith.maximumf %gather3A_1301, %gather3A_171 : vector<16xf32>
        %sub3A_1339 = arith.subf %min3A_1337, %max3A_1338 : vector<16xf32>
        %max3A_1340 = arith.constant 0.000000e+00 : f32
        %max3A_1341 = vector.broadcast %max3A_1340 : f32 to vector<16xf32>
        %max3A_1342 = arith.maximumf %sub3A_1339, %max3A_1341 : vector<16xf32>
        %mul3A_1343 = arith.mulf %max3A_1336, %max3A_1342 : vector<16xf32>
        %add3A_1344 = arith.addf %mul3A_1330, %mul3A_181 : vector<16xf32>
        %sub3A_1345 = arith.subf %add3A_1344, %mul3A_1343 : vector<16xf32>
        %max3A_1346 = arith.constant 9.99999971E-10 : f32
        %max3A_1347 = vector.broadcast %max3A_1346 : f32 to vector<16xf32>
        %max3A_1348 = arith.maximumf %sub3A_1345, %max3A_1347 : vector<16xf32>
        %div3A_1349 = arith.divf %mul3A_1343, %max3A_1348 : vector<16xf32>
        %gt3A_1350 = arith.constant 5.000000e-01 : f32
        %gt3A_1351 = vector.broadcast %gt3A_1350 : f32 to vector<16xf32>
        %gt3A_1352 = arith.cmpf ogt, %div3A_1349, %gt3A_1351 : vector<16xf32>
        %gt3A_1353 = arith.constant 11 : i32
        %gt3A_1354 = vector.broadcast %gt3A_1353 : i32 to vector<16xi32>
        %gt3A_1355 = arith.cmpi sgt, %iota3A, %gt3A_1354 : vector<16xi32>
        %and3A_1356 = arith.andi %gt3A_1352, %gt3A_1355 : vector<16xi1>
        %jit3A_1357 = arith.constant 0.000000e+00 : f32
        %broadcast_in_dim3A_1358 = vector.broadcast %jit3A_1357 : f32 to vector<16xf32>
        %select_n3A_1359 = arith.select %and3A_1356, %gather3A_1281, %broadcast_in_dim3A_1358 : vector<16xi1>, vector<16xf32>
        %sub3A_1360 = arith.constant 1.000000e+00 : f32
        %sub3A_1361 = vector.broadcast %sub3A_1360 : f32 to vector<16xf32>
        %sub3A_1362 = arith.subf %sub3A_1361, %select_n3A_1359 : vector<16xf32>
        %mul3A_1363 = arith.mulf %mul3A_1268, %sub3A_1362 : vector<16xf32>
        %add3A_1364 = arith.constant 12 : i32
        %add3A_1365 = vector.broadcast %add3A_1364 : i32 to vector<16xi32>
        %add3A_1366 = arith.addi %broadcast_in_dim3A_4, %add3A_1365 : vector<16xi32>
        %lt3A_1367 = arith.constant 0 : i32
        %lt3A_1368 = vector.broadcast %lt3A_1367 : i32 to vector<16xi32>
        %lt3A_1369 = arith.cmpi slt, %add3A_1366, %lt3A_1368 : vector<16xi32>
        %add3A_1370 = arith.constant 16 : i32
        %add3A_1371 = vector.broadcast %add3A_1370 : i32 to vector<16xi32>
        %add3A_1372 = arith.addi %add3A_1366, %add3A_1371 : vector<16xi32>
        %select_n3A_1373 = arith.select %lt3A_1369, %add3A_1372, %add3A_1366 : vector<16xi1>, vector<16xi32>
        %broadcast_in_dim3A_1374 = vector.shape_cast %select_n3A_1373 : vector<16xi32> to vector<16x1xi32>
        %gather3A_1375 = vector.shape_cast %broadcast_in_dim3A_1374 : vector<16x1xi32> to vector<16xi32>
        %gather3A_1376 = tpu.dynamic_gather %mul3A_1363[%gather3A_1375] in [0] : vector<16xf32>, vector<16xi32> -> vector<16xf32>
        %lt3A_1377 = arith.constant 0 : i32
        %lt3A_1378 = vector.broadcast %lt3A_1377 : i32 to vector<16xi32>
        %lt3A_1379 = arith.cmpi slt, %add3A_1366, %lt3A_1378 : vector<16xi32>
        %add3A_1380 = arith.constant 16 : i32
        %add3A_1381 = vector.broadcast %add3A_1380 : i32 to vector<16xi32>
        %add3A_1382 = arith.addi %add3A_1366, %add3A_1381 : vector<16xi32>
        %select_n3A_1383 = arith.select %lt3A_1379, %add3A_1382, %add3A_1366 : vector<16xi1>, vector<16xi32>
        %broadcast_in_dim3A_1384 = vector.shape_cast %select_n3A_1383 : vector<16xi32> to vector<16x1xi32>
        %gather3A_1385 = vector.shape_cast %broadcast_in_dim3A_1384 : vector<16x1xi32> to vector<16xi32>
        %gather3A_1386 = tpu.dynamic_gather %gather3A_170[%gather3A_1385] in [0] : vector<16xf32>, vector<16xi32> -> vector<16xf32>
        %lt3A_1387 = arith.constant 0 : i32
        %lt3A_1388 = vector.broadcast %lt3A_1387 : i32 to vector<16xi32>
        %lt3A_1389 = arith.cmpi slt, %add3A_1366, %lt3A_1388 : vector<16xi32>
        %add3A_1390 = arith.constant 16 : i32
        %add3A_1391 = vector.broadcast %add3A_1390 : i32 to vector<16xi32>
        %add3A_1392 = arith.addi %add3A_1366, %add3A_1391 : vector<16xi32>
        %select_n3A_1393 = arith.select %lt3A_1389, %add3A_1392, %add3A_1366 : vector<16xi1>, vector<16xi32>
        %broadcast_in_dim3A_1394 = vector.shape_cast %select_n3A_1393 : vector<16xi32> to vector<16x1xi32>
        %gather3A_1395 = vector.shape_cast %broadcast_in_dim3A_1394 : vector<16x1xi32> to vector<16xi32>
        %gather3A_1396 = tpu.dynamic_gather %gather3A_171[%gather3A_1395] in [0] : vector<16xf32>, vector<16xi32> -> vector<16xf32>
        %lt3A_1397 = arith.constant 0 : i32
        %lt3A_1398 = vector.broadcast %lt3A_1397 : i32 to vector<16xi32>
        %lt3A_1399 = arith.cmpi slt, %add3A_1366, %lt3A_1398 : vector<16xi32>
        %add3A_1400 = arith.constant 16 : i32
        %add3A_1401 = vector.broadcast %add3A_1400 : i32 to vector<16xi32>
        %add3A_1402 = arith.addi %add3A_1366, %add3A_1401 : vector<16xi32>
        %select_n3A_1403 = arith.select %lt3A_1399, %add3A_1402, %add3A_1366 : vector<16xi1>, vector<16xi32>
        %broadcast_in_dim3A_1404 = vector.shape_cast %select_n3A_1403 : vector<16xi32> to vector<16x1xi32>
        %gather3A_1405 = vector.shape_cast %broadcast_in_dim3A_1404 : vector<16x1xi32> to vector<16xi32>
        %gather3A_1406 = tpu.dynamic_gather %gather3A_172[%gather3A_1405] in [0] : vector<16xf32>, vector<16xi32> -> vector<16xf32>
        %lt3A_1407 = arith.constant 0 : i32
        %lt3A_1408 = vector.broadcast %lt3A_1407 : i32 to vector<16xi32>
        %lt3A_1409 = arith.cmpi slt, %add3A_1366, %lt3A_1408 : vector<16xi32>
        %add3A_1410 = arith.constant 16 : i32
        %add3A_1411 = vector.broadcast %add3A_1410 : i32 to vector<16xi32>
        %add3A_1412 = arith.addi %add3A_1366, %add3A_1411 : vector<16xi32>
        %select_n3A_1413 = arith.select %lt3A_1409, %add3A_1412, %add3A_1366 : vector<16xi1>, vector<16xi32>
        %broadcast_in_dim3A_1414 = vector.shape_cast %select_n3A_1413 : vector<16xi32> to vector<16x1xi32>
        %gather3A_1415 = vector.shape_cast %broadcast_in_dim3A_1414 : vector<16x1xi32> to vector<16xi32>
        %gather3A_1416 = tpu.dynamic_gather %gather3A_173[%gather3A_1415] in [0] : vector<16xf32>, vector<16xi32> -> vector<16xf32>
        %sub3A_1417 = arith.subf %gather3A_1406, %gather3A_1386 : vector<16xf32>
        %max3A_1418 = arith.constant 0.000000e+00 : f32
        %max3A_1419 = vector.broadcast %max3A_1418 : f32 to vector<16xf32>
        %max3A_1420 = arith.maximumf %sub3A_1417, %max3A_1419 : vector<16xf32>
        %sub3A_1421 = arith.subf %gather3A_1416, %gather3A_1396 : vector<16xf32>
        %max3A_1422 = arith.constant 0.000000e+00 : f32
        %max3A_1423 = vector.broadcast %max3A_1422 : f32 to vector<16xf32>
        %max3A_1424 = arith.maximumf %sub3A_1421, %max3A_1423 : vector<16xf32>
        %mul3A_1425 = arith.mulf %max3A_1420, %max3A_1424 : vector<16xf32>
        %min3A_1426 = arith.minimumf %gather3A_1406, %gather3A_172 : vector<16xf32>
        %max3A_1427 = arith.maximumf %gather3A_1386, %gather3A_170 : vector<16xf32>
        %sub3A_1428 = arith.subf %min3A_1426, %max3A_1427 : vector<16xf32>
        %max3A_1429 = arith.constant 0.000000e+00 : f32
        %max3A_1430 = vector.broadcast %max3A_1429 : f32 to vector<16xf32>
        %max3A_1431 = arith.maximumf %sub3A_1428, %max3A_1430 : vector<16xf32>
        %min3A_1432 = arith.minimumf %gather3A_1416, %gather3A_173 : vector<16xf32>
        %max3A_1433 = arith.maximumf %gather3A_1396, %gather3A_171 : vector<16xf32>
        %sub3A_1434 = arith.subf %min3A_1432, %max3A_1433 : vector<16xf32>
        %max3A_1435 = arith.constant 0.000000e+00 : f32
        %max3A_1436 = vector.broadcast %max3A_1435 : f32 to vector<16xf32>
        %max3A_1437 = arith.maximumf %sub3A_1434, %max3A_1436 : vector<16xf32>
        %mul3A_1438 = arith.mulf %max3A_1431, %max3A_1437 : vector<16xf32>
        %add3A_1439 = arith.addf %mul3A_1425, %mul3A_181 : vector<16xf32>
        %sub3A_1440 = arith.subf %add3A_1439, %mul3A_1438 : vector<16xf32>
        %max3A_1441 = arith.constant 9.99999971E-10 : f32
        %max3A_1442 = vector.broadcast %max3A_1441 : f32 to vector<16xf32>
        %max3A_1443 = arith.maximumf %sub3A_1440, %max3A_1442 : vector<16xf32>
        %div3A_1444 = arith.divf %mul3A_1438, %max3A_1443 : vector<16xf32>
        %gt3A_1445 = arith.constant 5.000000e-01 : f32
        %gt3A_1446 = vector.broadcast %gt3A_1445 : f32 to vector<16xf32>
        %gt3A_1447 = arith.cmpf ogt, %div3A_1444, %gt3A_1446 : vector<16xf32>
        %gt3A_1448 = arith.constant 12 : i32
        %gt3A_1449 = vector.broadcast %gt3A_1448 : i32 to vector<16xi32>
        %gt3A_1450 = arith.cmpi sgt, %iota3A, %gt3A_1449 : vector<16xi32>
        %and3A_1451 = arith.andi %gt3A_1447, %gt3A_1450 : vector<16xi1>
        %jit3A_1452 = arith.constant 0.000000e+00 : f32
        %broadcast_in_dim3A_1453 = vector.broadcast %jit3A_1452 : f32 to vector<16xf32>
        %select_n3A_1454 = arith.select %and3A_1451, %gather3A_1376, %broadcast_in_dim3A_1453 : vector<16xi1>, vector<16xf32>
        %sub3A_1455 = arith.constant 1.000000e+00 : f32
        %sub3A_1456 = vector.broadcast %sub3A_1455 : f32 to vector<16xf32>
        %sub3A_1457 = arith.subf %sub3A_1456, %select_n3A_1454 : vector<16xf32>
        %mul3A_1458 = arith.mulf %mul3A_1363, %sub3A_1457 : vector<16xf32>
        %add3A_1459 = arith.constant 13 : i32
        %add3A_1460 = vector.broadcast %add3A_1459 : i32 to vector<16xi32>
        %add3A_1461 = arith.addi %broadcast_in_dim3A_4, %add3A_1460 : vector<16xi32>
        %lt3A_1462 = arith.constant 0 : i32
        %lt3A_1463 = vector.broadcast %lt3A_1462 : i32 to vector<16xi32>
        %lt3A_1464 = arith.cmpi slt, %add3A_1461, %lt3A_1463 : vector<16xi32>
        %add3A_1465 = arith.constant 16 : i32
        %add3A_1466 = vector.broadcast %add3A_1465 : i32 to vector<16xi32>
        %add3A_1467 = arith.addi %add3A_1461, %add3A_1466 : vector<16xi32>
        %select_n3A_1468 = arith.select %lt3A_1464, %add3A_1467, %add3A_1461 : vector<16xi1>, vector<16xi32>
        %broadcast_in_dim3A_1469 = vector.shape_cast %select_n3A_1468 : vector<16xi32> to vector<16x1xi32>
        %gather3A_1470 = vector.shape_cast %broadcast_in_dim3A_1469 : vector<16x1xi32> to vector<16xi32>
        %gather3A_1471 = tpu.dynamic_gather %mul3A_1458[%gather3A_1470] in [0] : vector<16xf32>, vector<16xi32> -> vector<16xf32>
        %lt3A_1472 = arith.constant 0 : i32
        %lt3A_1473 = vector.broadcast %lt3A_1472 : i32 to vector<16xi32>
        %lt3A_1474 = arith.cmpi slt, %add3A_1461, %lt3A_1473 : vector<16xi32>
        %add3A_1475 = arith.constant 16 : i32
        %add3A_1476 = vector.broadcast %add3A_1475 : i32 to vector<16xi32>
        %add3A_1477 = arith.addi %add3A_1461, %add3A_1476 : vector<16xi32>
        %select_n3A_1478 = arith.select %lt3A_1474, %add3A_1477, %add3A_1461 : vector<16xi1>, vector<16xi32>
        %broadcast_in_dim3A_1479 = vector.shape_cast %select_n3A_1478 : vector<16xi32> to vector<16x1xi32>
        %gather3A_1480 = vector.shape_cast %broadcast_in_dim3A_1479 : vector<16x1xi32> to vector<16xi32>
        %gather3A_1481 = tpu.dynamic_gather %gather3A_170[%gather3A_1480] in [0] : vector<16xf32>, vector<16xi32> -> vector<16xf32>
        %lt3A_1482 = arith.constant 0 : i32
        %lt3A_1483 = vector.broadcast %lt3A_1482 : i32 to vector<16xi32>
        %lt3A_1484 = arith.cmpi slt, %add3A_1461, %lt3A_1483 : vector<16xi32>
        %add3A_1485 = arith.constant 16 : i32
        %add3A_1486 = vector.broadcast %add3A_1485 : i32 to vector<16xi32>
        %add3A_1487 = arith.addi %add3A_1461, %add3A_1486 : vector<16xi32>
        %select_n3A_1488 = arith.select %lt3A_1484, %add3A_1487, %add3A_1461 : vector<16xi1>, vector<16xi32>
        %broadcast_in_dim3A_1489 = vector.shape_cast %select_n3A_1488 : vector<16xi32> to vector<16x1xi32>
        %gather3A_1490 = vector.shape_cast %broadcast_in_dim3A_1489 : vector<16x1xi32> to vector<16xi32>
        %gather3A_1491 = tpu.dynamic_gather %gather3A_171[%gather3A_1490] in [0] : vector<16xf32>, vector<16xi32> -> vector<16xf32>
        %lt3A_1492 = arith.constant 0 : i32
        %lt3A_1493 = vector.broadcast %lt3A_1492 : i32 to vector<16xi32>
        %lt3A_1494 = arith.cmpi slt, %add3A_1461, %lt3A_1493 : vector<16xi32>
        %add3A_1495 = arith.constant 16 : i32
        %add3A_1496 = vector.broadcast %add3A_1495 : i32 to vector<16xi32>
        %add3A_1497 = arith.addi %add3A_1461, %add3A_1496 : vector<16xi32>
        %select_n3A_1498 = arith.select %lt3A_1494, %add3A_1497, %add3A_1461 : vector<16xi1>, vector<16xi32>
        %broadcast_in_dim3A_1499 = vector.shape_cast %select_n3A_1498 : vector<16xi32> to vector<16x1xi32>
        %gather3A_1500 = vector.shape_cast %broadcast_in_dim3A_1499 : vector<16x1xi32> to vector<16xi32>
        %gather3A_1501 = tpu.dynamic_gather %gather3A_172[%gather3A_1500] in [0] : vector<16xf32>, vector<16xi32> -> vector<16xf32>
        %lt3A_1502 = arith.constant 0 : i32
        %lt3A_1503 = vector.broadcast %lt3A_1502 : i32 to vector<16xi32>
        %lt3A_1504 = arith.cmpi slt, %add3A_1461, %lt3A_1503 : vector<16xi32>
        %add3A_1505 = arith.constant 16 : i32
        %add3A_1506 = vector.broadcast %add3A_1505 : i32 to vector<16xi32>
        %add3A_1507 = arith.addi %add3A_1461, %add3A_1506 : vector<16xi32>
        %select_n3A_1508 = arith.select %lt3A_1504, %add3A_1507, %add3A_1461 : vector<16xi1>, vector<16xi32>
        %broadcast_in_dim3A_1509 = vector.shape_cast %select_n3A_1508 : vector<16xi32> to vector<16x1xi32>
        %gather3A_1510 = vector.shape_cast %broadcast_in_dim3A_1509 : vector<16x1xi32> to vector<16xi32>
        %gather3A_1511 = tpu.dynamic_gather %gather3A_173[%gather3A_1510] in [0] : vector<16xf32>, vector<16xi32> -> vector<16xf32>
        %sub3A_1512 = arith.subf %gather3A_1501, %gather3A_1481 : vector<16xf32>
        %max3A_1513 = arith.constant 0.000000e+00 : f32
        %max3A_1514 = vector.broadcast %max3A_1513 : f32 to vector<16xf32>
        %max3A_1515 = arith.maximumf %sub3A_1512, %max3A_1514 : vector<16xf32>
        %sub3A_1516 = arith.subf %gather3A_1511, %gather3A_1491 : vector<16xf32>
        %max3A_1517 = arith.constant 0.000000e+00 : f32
        %max3A_1518 = vector.broadcast %max3A_1517 : f32 to vector<16xf32>
        %max3A_1519 = arith.maximumf %sub3A_1516, %max3A_1518 : vector<16xf32>
        %mul3A_1520 = arith.mulf %max3A_1515, %max3A_1519 : vector<16xf32>
        %min3A_1521 = arith.minimumf %gather3A_1501, %gather3A_172 : vector<16xf32>
        %max3A_1522 = arith.maximumf %gather3A_1481, %gather3A_170 : vector<16xf32>
        %sub3A_1523 = arith.subf %min3A_1521, %max3A_1522 : vector<16xf32>
        %max3A_1524 = arith.constant 0.000000e+00 : f32
        %max3A_1525 = vector.broadcast %max3A_1524 : f32 to vector<16xf32>
        %max3A_1526 = arith.maximumf %sub3A_1523, %max3A_1525 : vector<16xf32>
        %min3A_1527 = arith.minimumf %gather3A_1511, %gather3A_173 : vector<16xf32>
        %max3A_1528 = arith.maximumf %gather3A_1491, %gather3A_171 : vector<16xf32>
        %sub3A_1529 = arith.subf %min3A_1527, %max3A_1528 : vector<16xf32>
        %max3A_1530 = arith.constant 0.000000e+00 : f32
        %max3A_1531 = vector.broadcast %max3A_1530 : f32 to vector<16xf32>
        %max3A_1532 = arith.maximumf %sub3A_1529, %max3A_1531 : vector<16xf32>
        %mul3A_1533 = arith.mulf %max3A_1526, %max3A_1532 : vector<16xf32>
        %add3A_1534 = arith.addf %mul3A_1520, %mul3A_181 : vector<16xf32>
        %sub3A_1535 = arith.subf %add3A_1534, %mul3A_1533 : vector<16xf32>
        %max3A_1536 = arith.constant 9.99999971E-10 : f32
        %max3A_1537 = vector.broadcast %max3A_1536 : f32 to vector<16xf32>
        %max3A_1538 = arith.maximumf %sub3A_1535, %max3A_1537 : vector<16xf32>
        %div3A_1539 = arith.divf %mul3A_1533, %max3A_1538 : vector<16xf32>
        %gt3A_1540 = arith.constant 5.000000e-01 : f32
        %gt3A_1541 = vector.broadcast %gt3A_1540 : f32 to vector<16xf32>
        %gt3A_1542 = arith.cmpf ogt, %div3A_1539, %gt3A_1541 : vector<16xf32>
        %gt3A_1543 = arith.constant 13 : i32
        %gt3A_1544 = vector.broadcast %gt3A_1543 : i32 to vector<16xi32>
        %gt3A_1545 = arith.cmpi sgt, %iota3A, %gt3A_1544 : vector<16xi32>
        %and3A_1546 = arith.andi %gt3A_1542, %gt3A_1545 : vector<16xi1>
        %jit3A_1547 = arith.constant 0.000000e+00 : f32
        %broadcast_in_dim3A_1548 = vector.broadcast %jit3A_1547 : f32 to vector<16xf32>
        %select_n3A_1549 = arith.select %and3A_1546, %gather3A_1471, %broadcast_in_dim3A_1548 : vector<16xi1>, vector<16xf32>
        %sub3A_1550 = arith.constant 1.000000e+00 : f32
        %sub3A_1551 = vector.broadcast %sub3A_1550 : f32 to vector<16xf32>
        %sub3A_1552 = arith.subf %sub3A_1551, %select_n3A_1549 : vector<16xf32>
        %mul3A_1553 = arith.mulf %mul3A_1458, %sub3A_1552 : vector<16xf32>
        %add3A_1554 = arith.constant 14 : i32
        %add3A_1555 = vector.broadcast %add3A_1554 : i32 to vector<16xi32>
        %add3A_1556 = arith.addi %broadcast_in_dim3A_4, %add3A_1555 : vector<16xi32>
        %lt3A_1557 = arith.constant 0 : i32
        %lt3A_1558 = vector.broadcast %lt3A_1557 : i32 to vector<16xi32>
        %lt3A_1559 = arith.cmpi slt, %add3A_1556, %lt3A_1558 : vector<16xi32>
        %add3A_1560 = arith.constant 16 : i32
        %add3A_1561 = vector.broadcast %add3A_1560 : i32 to vector<16xi32>
        %add3A_1562 = arith.addi %add3A_1556, %add3A_1561 : vector<16xi32>
        %select_n3A_1563 = arith.select %lt3A_1559, %add3A_1562, %add3A_1556 : vector<16xi1>, vector<16xi32>
        %broadcast_in_dim3A_1564 = vector.shape_cast %select_n3A_1563 : vector<16xi32> to vector<16x1xi32>
        %gather3A_1565 = vector.shape_cast %broadcast_in_dim3A_1564 : vector<16x1xi32> to vector<16xi32>
        %gather3A_1566 = tpu.dynamic_gather %mul3A_1553[%gather3A_1565] in [0] : vector<16xf32>, vector<16xi32> -> vector<16xf32>
        %lt3A_1567 = arith.constant 0 : i32
        %lt3A_1568 = vector.broadcast %lt3A_1567 : i32 to vector<16xi32>
        %lt3A_1569 = arith.cmpi slt, %add3A_1556, %lt3A_1568 : vector<16xi32>
        %add3A_1570 = arith.constant 16 : i32
        %add3A_1571 = vector.broadcast %add3A_1570 : i32 to vector<16xi32>
        %add3A_1572 = arith.addi %add3A_1556, %add3A_1571 : vector<16xi32>
        %select_n3A_1573 = arith.select %lt3A_1569, %add3A_1572, %add3A_1556 : vector<16xi1>, vector<16xi32>
        %broadcast_in_dim3A_1574 = vector.shape_cast %select_n3A_1573 : vector<16xi32> to vector<16x1xi32>
        %gather3A_1575 = vector.shape_cast %broadcast_in_dim3A_1574 : vector<16x1xi32> to vector<16xi32>
        %gather3A_1576 = tpu.dynamic_gather %gather3A_170[%gather3A_1575] in [0] : vector<16xf32>, vector<16xi32> -> vector<16xf32>
        %lt3A_1577 = arith.constant 0 : i32
        %lt3A_1578 = vector.broadcast %lt3A_1577 : i32 to vector<16xi32>
        %lt3A_1579 = arith.cmpi slt, %add3A_1556, %lt3A_1578 : vector<16xi32>
        %add3A_1580 = arith.constant 16 : i32
        %add3A_1581 = vector.broadcast %add3A_1580 : i32 to vector<16xi32>
        %add3A_1582 = arith.addi %add3A_1556, %add3A_1581 : vector<16xi32>
        %select_n3A_1583 = arith.select %lt3A_1579, %add3A_1582, %add3A_1556 : vector<16xi1>, vector<16xi32>
        %broadcast_in_dim3A_1584 = vector.shape_cast %select_n3A_1583 : vector<16xi32> to vector<16x1xi32>
        %gather3A_1585 = vector.shape_cast %broadcast_in_dim3A_1584 : vector<16x1xi32> to vector<16xi32>
        %gather3A_1586 = tpu.dynamic_gather %gather3A_171[%gather3A_1585] in [0] : vector<16xf32>, vector<16xi32> -> vector<16xf32>
        %lt3A_1587 = arith.constant 0 : i32
        %lt3A_1588 = vector.broadcast %lt3A_1587 : i32 to vector<16xi32>
        %lt3A_1589 = arith.cmpi slt, %add3A_1556, %lt3A_1588 : vector<16xi32>
        %add3A_1590 = arith.constant 16 : i32
        %add3A_1591 = vector.broadcast %add3A_1590 : i32 to vector<16xi32>
        %add3A_1592 = arith.addi %add3A_1556, %add3A_1591 : vector<16xi32>
        %select_n3A_1593 = arith.select %lt3A_1589, %add3A_1592, %add3A_1556 : vector<16xi1>, vector<16xi32>
        %broadcast_in_dim3A_1594 = vector.shape_cast %select_n3A_1593 : vector<16xi32> to vector<16x1xi32>
        %gather3A_1595 = vector.shape_cast %broadcast_in_dim3A_1594 : vector<16x1xi32> to vector<16xi32>
        %gather3A_1596 = tpu.dynamic_gather %gather3A_172[%gather3A_1595] in [0] : vector<16xf32>, vector<16xi32> -> vector<16xf32>
        %lt3A_1597 = arith.constant 0 : i32
        %lt3A_1598 = vector.broadcast %lt3A_1597 : i32 to vector<16xi32>
        %lt3A_1599 = arith.cmpi slt, %add3A_1556, %lt3A_1598 : vector<16xi32>
        %add3A_1600 = arith.constant 16 : i32
        %add3A_1601 = vector.broadcast %add3A_1600 : i32 to vector<16xi32>
        %add3A_1602 = arith.addi %add3A_1556, %add3A_1601 : vector<16xi32>
        %select_n3A_1603 = arith.select %lt3A_1599, %add3A_1602, %add3A_1556 : vector<16xi1>, vector<16xi32>
        %broadcast_in_dim3A_1604 = vector.shape_cast %select_n3A_1603 : vector<16xi32> to vector<16x1xi32>
        %gather3A_1605 = vector.shape_cast %broadcast_in_dim3A_1604 : vector<16x1xi32> to vector<16xi32>
        %gather3A_1606 = tpu.dynamic_gather %gather3A_173[%gather3A_1605] in [0] : vector<16xf32>, vector<16xi32> -> vector<16xf32>
        %sub3A_1607 = arith.subf %gather3A_1596, %gather3A_1576 : vector<16xf32>
        %max3A_1608 = arith.constant 0.000000e+00 : f32
        %max3A_1609 = vector.broadcast %max3A_1608 : f32 to vector<16xf32>
        %max3A_1610 = arith.maximumf %sub3A_1607, %max3A_1609 : vector<16xf32>
        %sub3A_1611 = arith.subf %gather3A_1606, %gather3A_1586 : vector<16xf32>
        %max3A_1612 = arith.constant 0.000000e+00 : f32
        %max3A_1613 = vector.broadcast %max3A_1612 : f32 to vector<16xf32>
        %max3A_1614 = arith.maximumf %sub3A_1611, %max3A_1613 : vector<16xf32>
        %mul3A_1615 = arith.mulf %max3A_1610, %max3A_1614 : vector<16xf32>
        %min3A_1616 = arith.minimumf %gather3A_1596, %gather3A_172 : vector<16xf32>
        %max3A_1617 = arith.maximumf %gather3A_1576, %gather3A_170 : vector<16xf32>
        %sub3A_1618 = arith.subf %min3A_1616, %max3A_1617 : vector<16xf32>
        %max3A_1619 = arith.constant 0.000000e+00 : f32
        %max3A_1620 = vector.broadcast %max3A_1619 : f32 to vector<16xf32>
        %max3A_1621 = arith.maximumf %sub3A_1618, %max3A_1620 : vector<16xf32>
        %min3A_1622 = arith.minimumf %gather3A_1606, %gather3A_173 : vector<16xf32>
        %max3A_1623 = arith.maximumf %gather3A_1586, %gather3A_171 : vector<16xf32>
        %sub3A_1624 = arith.subf %min3A_1622, %max3A_1623 : vector<16xf32>
        %max3A_1625 = arith.constant 0.000000e+00 : f32
        %max3A_1626 = vector.broadcast %max3A_1625 : f32 to vector<16xf32>
        %max3A_1627 = arith.maximumf %sub3A_1624, %max3A_1626 : vector<16xf32>
        %mul3A_1628 = arith.mulf %max3A_1621, %max3A_1627 : vector<16xf32>
        %add3A_1629 = arith.addf %mul3A_1615, %mul3A_181 : vector<16xf32>
        %sub3A_1630 = arith.subf %add3A_1629, %mul3A_1628 : vector<16xf32>
        %max3A_1631 = arith.constant 9.99999971E-10 : f32
        %max3A_1632 = vector.broadcast %max3A_1631 : f32 to vector<16xf32>
        %max3A_1633 = arith.maximumf %sub3A_1630, %max3A_1632 : vector<16xf32>
        %div3A_1634 = arith.divf %mul3A_1628, %max3A_1633 : vector<16xf32>
        %gt3A_1635 = arith.constant 5.000000e-01 : f32
        %gt3A_1636 = vector.broadcast %gt3A_1635 : f32 to vector<16xf32>
        %gt3A_1637 = arith.cmpf ogt, %div3A_1634, %gt3A_1636 : vector<16xf32>
        %gt3A_1638 = arith.constant 14 : i32
        %gt3A_1639 = vector.broadcast %gt3A_1638 : i32 to vector<16xi32>
        %gt3A_1640 = arith.cmpi sgt, %iota3A, %gt3A_1639 : vector<16xi32>
        %and3A_1641 = arith.andi %gt3A_1637, %gt3A_1640 : vector<16xi1>
        %jit3A_1642 = arith.constant 0.000000e+00 : f32
        %broadcast_in_dim3A_1643 = vector.broadcast %jit3A_1642 : f32 to vector<16xf32>
        %select_n3A_1644 = arith.select %and3A_1641, %gather3A_1566, %broadcast_in_dim3A_1643 : vector<16xi1>, vector<16xf32>
        %sub3A_1645 = arith.constant 1.000000e+00 : f32
        %sub3A_1646 = vector.broadcast %sub3A_1645 : f32 to vector<16xf32>
        %sub3A_1647 = arith.subf %sub3A_1646, %select_n3A_1644 : vector<16xf32>
        %mul3A_1648 = arith.mulf %mul3A_1553, %sub3A_1647 : vector<16xf32>
        %add3A_1649 = arith.constant 15 : i32
        %add3A_1650 = vector.broadcast %add3A_1649 : i32 to vector<16xi32>
        %add3A_1651 = arith.addi %broadcast_in_dim3A_4, %add3A_1650 : vector<16xi32>
        %lt3A_1652 = arith.constant 0 : i32
        %lt3A_1653 = vector.broadcast %lt3A_1652 : i32 to vector<16xi32>
        %lt3A_1654 = arith.cmpi slt, %add3A_1651, %lt3A_1653 : vector<16xi32>
        %add3A_1655 = arith.constant 16 : i32
        %add3A_1656 = vector.broadcast %add3A_1655 : i32 to vector<16xi32>
        %add3A_1657 = arith.addi %add3A_1651, %add3A_1656 : vector<16xi32>
        %select_n3A_1658 = arith.select %lt3A_1654, %add3A_1657, %add3A_1651 : vector<16xi1>, vector<16xi32>
        %broadcast_in_dim3A_1659 = vector.shape_cast %select_n3A_1658 : vector<16xi32> to vector<16x1xi32>
        %gather3A_1660 = vector.shape_cast %broadcast_in_dim3A_1659 : vector<16x1xi32> to vector<16xi32>
        %gather3A_1661 = tpu.dynamic_gather %mul3A_1648[%gather3A_1660] in [0] : vector<16xf32>, vector<16xi32> -> vector<16xf32>
        %lt3A_1662 = arith.constant 0 : i32
        %lt3A_1663 = vector.broadcast %lt3A_1662 : i32 to vector<16xi32>
        %lt3A_1664 = arith.cmpi slt, %add3A_1651, %lt3A_1663 : vector<16xi32>
        %add3A_1665 = arith.constant 16 : i32
        %add3A_1666 = vector.broadcast %add3A_1665 : i32 to vector<16xi32>
        %add3A_1667 = arith.addi %add3A_1651, %add3A_1666 : vector<16xi32>
        %select_n3A_1668 = arith.select %lt3A_1664, %add3A_1667, %add3A_1651 : vector<16xi1>, vector<16xi32>
        %broadcast_in_dim3A_1669 = vector.shape_cast %select_n3A_1668 : vector<16xi32> to vector<16x1xi32>
        %gather3A_1670 = vector.shape_cast %broadcast_in_dim3A_1669 : vector<16x1xi32> to vector<16xi32>
        %gather3A_1671 = tpu.dynamic_gather %gather3A_170[%gather3A_1670] in [0] : vector<16xf32>, vector<16xi32> -> vector<16xf32>
        %lt3A_1672 = arith.constant 0 : i32
        %lt3A_1673 = vector.broadcast %lt3A_1672 : i32 to vector<16xi32>
        %lt3A_1674 = arith.cmpi slt, %add3A_1651, %lt3A_1673 : vector<16xi32>
        %add3A_1675 = arith.constant 16 : i32
        %add3A_1676 = vector.broadcast %add3A_1675 : i32 to vector<16xi32>
        %add3A_1677 = arith.addi %add3A_1651, %add3A_1676 : vector<16xi32>
        %select_n3A_1678 = arith.select %lt3A_1674, %add3A_1677, %add3A_1651 : vector<16xi1>, vector<16xi32>
        %broadcast_in_dim3A_1679 = vector.shape_cast %select_n3A_1678 : vector<16xi32> to vector<16x1xi32>
        %gather3A_1680 = vector.shape_cast %broadcast_in_dim3A_1679 : vector<16x1xi32> to vector<16xi32>
        %gather3A_1681 = tpu.dynamic_gather %gather3A_171[%gather3A_1680] in [0] : vector<16xf32>, vector<16xi32> -> vector<16xf32>
        %lt3A_1682 = arith.constant 0 : i32
        %lt3A_1683 = vector.broadcast %lt3A_1682 : i32 to vector<16xi32>
        %lt3A_1684 = arith.cmpi slt, %add3A_1651, %lt3A_1683 : vector<16xi32>
        %add3A_1685 = arith.constant 16 : i32
        %add3A_1686 = vector.broadcast %add3A_1685 : i32 to vector<16xi32>
        %add3A_1687 = arith.addi %add3A_1651, %add3A_1686 : vector<16xi32>
        %select_n3A_1688 = arith.select %lt3A_1684, %add3A_1687, %add3A_1651 : vector<16xi1>, vector<16xi32>
        %broadcast_in_dim3A_1689 = vector.shape_cast %select_n3A_1688 : vector<16xi32> to vector<16x1xi32>
        %gather3A_1690 = vector.shape_cast %broadcast_in_dim3A_1689 : vector<16x1xi32> to vector<16xi32>
        %gather3A_1691 = tpu.dynamic_gather %gather3A_172[%gather3A_1690] in [0] : vector<16xf32>, vector<16xi32> -> vector<16xf32>
        %lt3A_1692 = arith.constant 0 : i32
        %lt3A_1693 = vector.broadcast %lt3A_1692 : i32 to vector<16xi32>
        %lt3A_1694 = arith.cmpi slt, %add3A_1651, %lt3A_1693 : vector<16xi32>
        %add3A_1695 = arith.constant 16 : i32
        %add3A_1696 = vector.broadcast %add3A_1695 : i32 to vector<16xi32>
        %add3A_1697 = arith.addi %add3A_1651, %add3A_1696 : vector<16xi32>
        %select_n3A_1698 = arith.select %lt3A_1694, %add3A_1697, %add3A_1651 : vector<16xi1>, vector<16xi32>
        %broadcast_in_dim3A_1699 = vector.shape_cast %select_n3A_1698 : vector<16xi32> to vector<16x1xi32>
        %gather3A_1700 = vector.shape_cast %broadcast_in_dim3A_1699 : vector<16x1xi32> to vector<16xi32>
        %gather3A_1701 = tpu.dynamic_gather %gather3A_173[%gather3A_1700] in [0] : vector<16xf32>, vector<16xi32> -> vector<16xf32>
        %sub3A_1702 = arith.subf %gather3A_1691, %gather3A_1671 : vector<16xf32>
        %max3A_1703 = arith.constant 0.000000e+00 : f32
        %max3A_1704 = vector.broadcast %max3A_1703 : f32 to vector<16xf32>
        %max3A_1705 = arith.maximumf %sub3A_1702, %max3A_1704 : vector<16xf32>
        %sub3A_1706 = arith.subf %gather3A_1701, %gather3A_1681 : vector<16xf32>
        %max3A_1707 = arith.constant 0.000000e+00 : f32
        %max3A_1708 = vector.broadcast %max3A_1707 : f32 to vector<16xf32>
        %max3A_1709 = arith.maximumf %sub3A_1706, %max3A_1708 : vector<16xf32>
        %mul3A_1710 = arith.mulf %max3A_1705, %max3A_1709 : vector<16xf32>
        %min3A_1711 = arith.minimumf %gather3A_1691, %gather3A_172 : vector<16xf32>
        %max3A_1712 = arith.maximumf %gather3A_1671, %gather3A_170 : vector<16xf32>
        %sub3A_1713 = arith.subf %min3A_1711, %max3A_1712 : vector<16xf32>
        %max3A_1714 = arith.constant 0.000000e+00 : f32
        %max3A_1715 = vector.broadcast %max3A_1714 : f32 to vector<16xf32>
        %max3A_1716 = arith.maximumf %sub3A_1713, %max3A_1715 : vector<16xf32>
        %min3A_1717 = arith.minimumf %gather3A_1701, %gather3A_173 : vector<16xf32>
        %max3A_1718 = arith.maximumf %gather3A_1681, %gather3A_171 : vector<16xf32>
        %sub3A_1719 = arith.subf %min3A_1717, %max3A_1718 : vector<16xf32>
        %max3A_1720 = arith.constant 0.000000e+00 : f32
        %max3A_1721 = vector.broadcast %max3A_1720 : f32 to vector<16xf32>
        %max3A_1722 = arith.maximumf %sub3A_1719, %max3A_1721 : vector<16xf32>
        %mul3A_1723 = arith.mulf %max3A_1716, %max3A_1722 : vector<16xf32>
        %add3A_1724 = arith.addf %mul3A_1710, %mul3A_181 : vector<16xf32>
        %sub3A_1725 = arith.subf %add3A_1724, %mul3A_1723 : vector<16xf32>
        %max3A_1726 = arith.constant 9.99999971E-10 : f32
        %max3A_1727 = vector.broadcast %max3A_1726 : f32 to vector<16xf32>
        %max3A_1728 = arith.maximumf %sub3A_1725, %max3A_1727 : vector<16xf32>
        %div3A_1729 = arith.divf %mul3A_1723, %max3A_1728 : vector<16xf32>
        %gt3A_1730 = arith.constant 5.000000e-01 : f32
        %gt3A_1731 = vector.broadcast %gt3A_1730 : f32 to vector<16xf32>
        %gt3A_1732 = arith.cmpf ogt, %div3A_1729, %gt3A_1731 : vector<16xf32>
        %gt3A_1733 = arith.constant 15 : i32
        %gt3A_1734 = vector.broadcast %gt3A_1733 : i32 to vector<16xi32>
        %gt3A_1735 = arith.cmpi sgt, %iota3A, %gt3A_1734 : vector<16xi32>
        %and3A_1736 = arith.andi %gt3A_1732, %gt3A_1735 : vector<16xi1>
        %jit3A_1737 = arith.constant 0.000000e+00 : f32
        %broadcast_in_dim3A_1738 = vector.broadcast %jit3A_1737 : f32 to vector<16xf32>
        %select_n3A_1739 = arith.select %and3A_1736, %gather3A_1661, %broadcast_in_dim3A_1738 : vector<16xi1>, vector<16xf32>
        %sub3A_1740 = arith.constant 1.000000e+00 : f32
        %sub3A_1741 = vector.broadcast %sub3A_1740 : f32 to vector<16xf32>
        %sub3A_1742 = arith.subf %sub3A_1741, %select_n3A_1739 : vector<16xf32>
        %mul3A_1743 = arith.mulf %mul3A_1648, %sub3A_1742 : vector<16xf32>
        %add3A_1744 = vector.broadcast %mul3A_168 : i32 to vector<16xi32>
        %add3A_1745 = arith.addi %add3A_1744, %iota3A : vector<16xi32>
        tpu.vector_store_idx %arg15[%add3A_1745], %mul3A_1743 : memref<5120xf32, #tpu.memory_space<vmem>>[vector<16xi32>], vector<16xf32>,
        %gt3A_1746 = arith.constant 0.000000e+00 : f32
        %gt3A_1747 = vector.broadcast %gt3A_1746 : f32 to vector<16xf32>
        %gt3A_1748 = arith.cmpf ogt, %mul3A_1743, %gt3A_1747 : vector<16xf32>
        %broadcast_in_dim3A_1749 = arith.constant true
        %broadcast_in_dim3A_1750 = vector.broadcast %broadcast_in_dim3A_1749 : i1 to vector<16xi1>
        %masked_cumsum3A = tpu.scan <sum>, %mul3A_1743 masked %broadcast_in_dim3A_1750 : vector<16xf32>, vector<16xi1> -> vector<16xf32>
        %convert_element_type3A_1751 = arith.sitofp %while3A_167 : i32 to f32
        %add3A_1752 = vector.broadcast %convert_element_type3A_1751 : f32 to vector<16xf32>
        %add3A_1753 = arith.addf %add3A_1752, %masked_cumsum3A : vector<16xf32>
        %sub3A_1754 = arith.constant 1.000000e+00 : f32
        %sub3A_1755 = vector.broadcast %sub3A_1754 : f32 to vector<16xf32>
        %sub3A_1756 = arith.subf %add3A_1753, %sub3A_1755 : vector<16xf32>
        %jit3A_1757 = arith.constant 0.000000e+00 : f32
        %broadcast_in_dim3A_1758 = vector.broadcast %jit3A_1757 : f32 to vector<16xf32>
        %select_n3A_1759 = arith.select %gt3A_1748, %sub3A_1756, %broadcast_in_dim3A_1758 : vector<16xi1>, vector<16xf32>
        %convert_element_type3A_1760 = arith.fptosi %select_n3A_1759 : vector<16xf32> to vector<16xi32>
        tpu.vector_store_idx %arg16[%convert_element_type3A_1760], %gather3A_170 masked %gt3A_1748 : memref<128xf32, #tpu.memory_space<vmem>>[vector<16xi32>], vector<16xf32>, vector<16xi1>
        tpu.vector_store_idx %arg17[%convert_element_type3A_1760], %gather3A_171 masked %gt3A_1748 : memref<128xf32, #tpu.memory_space<vmem>>[vector<16xi32>], vector<16xf32>, vector<16xi1>
        tpu.vector_store_idx %arg18[%convert_element_type3A_1760], %gather3A_172 masked %gt3A_1748 : memref<128xf32, #tpu.memory_space<vmem>>[vector<16xi32>], vector<16xf32>, vector<16xi1>
        tpu.vector_store_idx %arg19[%convert_element_type3A_1760], %gather3A_173 masked %gt3A_1748 : memref<128xf32, #tpu.memory_space<vmem>>[vector<16xi32>], vector<16xf32>, vector<16xi1>
        tpu.vector_store_idx %arg20[%convert_element_type3A_1760], %mul3A_181 masked %gt3A_1748 : memref<128xf32, #tpu.memory_space<vmem>>[vector<16xi32>], vector<16xf32>, vector<16xi1>
        %reduce_sum3A = arith.constant true
        %reduce_sum3A_1761 = vector.broadcast %reduce_sum3A : i1 to vector<16xi1>
        %reduce_sum3A_1762 = tpu.scan <sum>, %mul3A_1743 masked %reduce_sum3A_1761 : vector<16xf32>, vector<16xi1> -> vector<16xf32>
        %reduce_sum3A_1763 = vector.extract %reduce_sum3A_1762[15] : f32 from vector<16xf32>
        %convert_element_type3A_1764 = arith.fptosi %reduce_sum3A_1763 : f32 to i32
        %add3A_1765 = arith.constant 1 : i32
        %add3A_1766 = arith.addi %while3A_166, %add3A_1765 : i32
        %add3A_1767 = arith.addi %while3A_167, %convert_element_type3A_1764 : i32
        scf.yield %add3A_1766, %add3A_1767 : i32, i32
      }
      %convert_element_type3A_152 = arith.sitofp %while3A_151#1 : i32 to f32
      %while3A_153 = arith.constant 0 : i32
      %while3A_154 = arith.constant 0.000000e+00 : f32
      %while3A_155 = arith.constant 0.000000e+00 : f32
      %while3A_156 = arith.subi %while3A_151#0, %while3A_153 : i32
      %while3A_157 = arith.addi %while3A_153, %while3A_156 : i32
      %while3A_158 = arith.constant 1 : i32
      %while3A_159 = arith.divsi %while3A_156, %while3A_158 : i32
      %while3A_160 = arith.muli %while3A_159, %while3A_158 : i32
      %while3A_161 = arith.addi %while3A_153, %while3A_160 : i32
      %while3A_162 = arith.constant 1 : i32
      %while3A_163:2 = scf.for %while3A_166 = %while3A_153 to %while3A_161 step %while3A_162 iter_args(%while3A_167 = %while3A_154, %while3A_168 = %while3A_155) -> (f32, f32)  : i32 {
        %mul3A = arith.constant 16 : i32
        %mul3A_169 = arith.muli %while3A_166, %mul3A : i32
        %add3A = vector.broadcast %mul3A_169 : i32 to vector<16xi32>
        %add3A_170 = arith.addi %add3A, %iota3A : vector<16xi32>
        %gather3A = tpu.vector_load_idx %arg15[%add3A_170] : memref<5120xf32, #tpu.memory_space<vmem>>[vector<16xi32>], vector<16xf32>,
        %gather3A_171 = tpu.vector_load_idx %arg14[%add3A_170] : memref<5120xi32, #tpu.memory_space<vmem>>[vector<16xi32>], vector<16xi32>,
        %gather3A_172 = tpu.vector_load_idx %arg9[%gather3A_171] : memref<5120xf32, #tpu.memory_space<vmem>>[vector<16xi32>], vector<16xf32>,
        %gather3A_173 = tpu.vector_load_idx %arg10[%gather3A_171] : memref<5120xf32, #tpu.memory_space<vmem>>[vector<16xi32>], vector<16xf32>,
        %gather3A_174 = tpu.vector_load_idx %arg11[%gather3A_171] : memref<5120xf32, #tpu.memory_space<vmem>>[vector<16xi32>], vector<16xf32>,
        %gather3A_175 = tpu.vector_load_idx %arg12[%gather3A_171] : memref<5120xf32, #tpu.memory_space<vmem>>[vector<16xi32>], vector<16xf32>,
        %gather3A_176 = tpu.vector_load_idx %arg13[%gather3A_171] : memref<5120xf32, #tpu.memory_space<vmem>>[vector<16xi32>], vector<16xf32>,
        %gt3A = arith.constant 0.000000e+00 : f32
        %gt3A_177 = vector.broadcast %gt3A : f32 to vector<16xf32>
        %gt3A_178 = arith.cmpf ogt, %gather3A, %gt3A_177 : vector<16xf32>
        %jit3A = arith.constant 1.000000e+00 : f32
        %jit3A_179 = arith.constant 0.000000e+00 : f32
        %broadcast_in_dim3A_180 = vector.broadcast %jit3A : f32 to vector<16xf32>
        %broadcast_in_dim3A_181 = vector.broadcast %jit3A_179 : f32 to vector<16xf32>
        %select_n3A = arith.select %gt3A_178, %broadcast_in_dim3A_180, %broadcast_in_dim3A_181 : vector<16xi1>, vector<16xf32>
        %broadcast_in_dim3A_182 = arith.constant true
        %broadcast_in_dim3A_183 = vector.broadcast %broadcast_in_dim3A_182 : i1 to vector<16xi1>
        %masked_cumsum3A = tpu.scan <sum>, %select_n3A masked %broadcast_in_dim3A_183 : vector<16xf32>, vector<16xi1> -> vector<16xf32>
        %add3A_184 = vector.broadcast %while3A_167 : f32 to vector<16xf32>
        %add3A_185 = arith.addf %add3A_184, %masked_cumsum3A : vector<16xf32>
        %sub3A = arith.constant 1.000000e+00 : f32
        %sub3A_186 = vector.broadcast %sub3A : f32 to vector<16xf32>
        %sub3A_187 = arith.subf %add3A_185, %sub3A_186 : vector<16xf32>
        %lt3A = arith.constant 1.000000e+02 : f32
        %lt3A_188 = vector.broadcast %lt3A : f32 to vector<16xf32>
        %lt3A_189 = arith.cmpf olt, %sub3A_187, %lt3A_188 : vector<16xf32>
        %and3A_190 = arith.andi %gt3A_178, %lt3A_189 : vector<16xi1>
        %jit3A_191 = arith.constant 0.000000e+00 : f32
        %broadcast_in_dim3A_192 = vector.broadcast %jit3A_191 : f32 to vector<16xf32>
        %select_n3A_193 = arith.select %and3A_190, %sub3A_187, %broadcast_in_dim3A_192 : vector<16xi1>, vector<16xf32>
        %convert_element_type3A_194 = arith.fptosi %select_n3A_193 : vector<16xf32> to vector<16xi32>
        %mul3A_195 = arith.constant 5 : i32
        %mul3A_196 = vector.broadcast %mul3A_195 : i32 to vector<16xi32>
        %mul3A_197 = arith.muli %convert_element_type3A_194, %mul3A_196 : vector<16xi32>
        %add3A_198 = arith.constant 0 : i32
        %add3A_199 = vector.broadcast %add3A_198 : i32 to vector<16xi32>
        %add3A_200 = arith.addi %mul3A_197, %add3A_199 : vector<16xi32>
        tpu.vector_store_idx %arg21[%add3A_200], %gather3A_172 masked %and3A_190 : memref<512xf32, #tpu.memory_space<vmem>>[vector<16xi32>], vector<16xf32>, vector<16xi1>
        %add3A_201 = arith.constant 1 : i32
        %add3A_202 = vector.broadcast %add3A_201 : i32 to vector<16xi32>
        %add3A_203 = arith.addi %mul3A_197, %add3A_202 : vector<16xi32>
        tpu.vector_store_idx %arg21[%add3A_203], %gather3A_173 masked %and3A_190 : memref<512xf32, #tpu.memory_space<vmem>>[vector<16xi32>], vector<16xf32>, vector<16xi1>
        %add3A_204 = arith.constant 2 : i32
        %add3A_205 = vector.broadcast %add3A_204 : i32 to vector<16xi32>
        %add3A_206 = arith.addi %mul3A_197, %add3A_205 : vector<16xi32>
        tpu.vector_store_idx %arg21[%add3A_206], %gather3A_174 masked %and3A_190 : memref<512xf32, #tpu.memory_space<vmem>>[vector<16xi32>], vector<16xf32>, vector<16xi1>
        %add3A_207 = arith.constant 3 : i32
        %add3A_208 = vector.broadcast %add3A_207 : i32 to vector<16xi32>
        %add3A_209 = arith.addi %mul3A_197, %add3A_208 : vector<16xi32>
        tpu.vector_store_idx %arg21[%add3A_209], %gather3A_175 masked %and3A_190 : memref<512xf32, #tpu.memory_space<vmem>>[vector<16xi32>], vector<16xf32>, vector<16xi1>
        %add3A_210 = arith.constant 4 : i32
        %add3A_211 = vector.broadcast %add3A_210 : i32 to vector<16xi32>
        %add3A_212 = arith.addi %mul3A_197, %add3A_211 : vector<16xi32>
        tpu.vector_store_idx %arg21[%add3A_212], %gather3A_176 masked %and3A_190 : memref<512xf32, #tpu.memory_space<vmem>>[vector<16xi32>], vector<16xf32>, vector<16xi1>
        %not3A = arith.constant dense<true> : vector<16xi1>
        %not3A_213 = arith.xori %gt3A_178, %not3A : vector<16xi1>
        %lt3A_214 = arith.constant 5000 : i32
        %lt3A_215 = vector.broadcast %lt3A_214 : i32 to vector<16xi32>
        %lt3A_216 = arith.cmpi slt, %add3A_170, %lt3A_215 : vector<16xi32>
        %and3A_217 = arith.andi %not3A_213, %lt3A_216 : vector<16xi1>
        %jit3A_218 = arith.constant 1.000000e+00 : f32
        %jit3A_219 = arith.constant 0.000000e+00 : f32
        %broadcast_in_dim3A_220 = vector.broadcast %jit3A_218 : f32 to vector<16xf32>
        %broadcast_in_dim3A_221 = vector.broadcast %jit3A_219 : f32 to vector<16xf32>
        %select_n3A_222 = arith.select %and3A_217, %broadcast_in_dim3A_220, %broadcast_in_dim3A_221 : vector<16xi1>, vector<16xf32>
        %broadcast_in_dim3A_223 = arith.constant true
        %broadcast_in_dim3A_224 = vector.broadcast %broadcast_in_dim3A_223 : i1 to vector<16xi1>
        %masked_cumsum3A_225 = tpu.scan <sum>, %select_n3A_222 masked %broadcast_in_dim3A_224 : vector<16xf32>, vector<16xi1> -> vector<16xf32>
        %add3A_226 = arith.addf %convert_element_type3A_152, %while3A_168 : f32
        %add3A_227 = vector.broadcast %add3A_226 : f32 to vector<16xf32>
        %add3A_228 = arith.addf %add3A_227, %masked_cumsum3A_225 : vector<16xf32>
        %sub3A_229 = arith.constant 1.000000e+00 : f32
        %sub3A_230 = vector.broadcast %sub3A_229 : f32 to vector<16xf32>
        %sub3A_231 = arith.subf %add3A_228, %sub3A_230 : vector<16xf32>
        %gt3A_232 = arith.constant 0.000000e+00 : f32
        %gt3A_233 = vector.broadcast %gt3A_232 : f32 to vector<16xf32>
        %gt3A_234 = arith.cmpf ogt, %select_n3A_222, %gt3A_233 : vector<16xf32>
        %lt3A_235 = arith.constant 1.000000e+02 : f32
        %lt3A_236 = vector.broadcast %lt3A_235 : f32 to vector<16xf32>
        %lt3A_237 = arith.cmpf olt, %sub3A_231, %lt3A_236 : vector<16xf32>
        %and3A_238 = arith.andi %gt3A_234, %lt3A_237 : vector<16xi1>
        %jit3A_239 = arith.constant 0.000000e+00 : f32
        %broadcast_in_dim3A_240 = vector.broadcast %jit3A_239 : f32 to vector<16xf32>
        %select_n3A_241 = arith.select %and3A_238, %sub3A_231, %broadcast_in_dim3A_240 : vector<16xi1>, vector<16xf32>
        %convert_element_type3A_242 = arith.fptosi %select_n3A_241 : vector<16xf32> to vector<16xi32>
        %mul3A_243 = arith.constant 5 : i32
        %mul3A_244 = vector.broadcast %mul3A_243 : i32 to vector<16xi32>
        %mul3A_245 = arith.muli %convert_element_type3A_242, %mul3A_244 : vector<16xi32>
        %add3A_246 = arith.constant 0 : i32
        %add3A_247 = vector.broadcast %add3A_246 : i32 to vector<16xi32>
        %add3A_248 = arith.addi %mul3A_245, %add3A_247 : vector<16xi32>
        tpu.vector_store_idx %arg21[%add3A_248], %gather3A_172 masked %and3A_238 : memref<512xf32, #tpu.memory_space<vmem>>[vector<16xi32>], vector<16xf32>, vector<16xi1>
        %add3A_249 = arith.constant 1 : i32
        %add3A_250 = vector.broadcast %add3A_249 : i32 to vector<16xi32>
        %add3A_251 = arith.addi %mul3A_245, %add3A_250 : vector<16xi32>
        tpu.vector_store_idx %arg21[%add3A_251], %gather3A_173 masked %and3A_238 : memref<512xf32, #tpu.memory_space<vmem>>[vector<16xi32>], vector<16xf32>, vector<16xi1>
        %add3A_252 = arith.constant 2 : i32
        %add3A_253 = vector.broadcast %add3A_252 : i32 to vector<16xi32>
        %add3A_254 = arith.addi %mul3A_245, %add3A_253 : vector<16xi32>
        tpu.vector_store_idx %arg21[%add3A_254], %gather3A_174 masked %and3A_238 : memref<512xf32, #tpu.memory_space<vmem>>[vector<16xi32>], vector<16xf32>, vector<16xi1>
        %add3A_255 = arith.constant 3 : i32
        %add3A_256 = vector.broadcast %add3A_255 : i32 to vector<16xi32>
        %add3A_257 = arith.addi %mul3A_245, %add3A_256 : vector<16xi32>
        tpu.vector_store_idx %arg21[%add3A_257], %gather3A_175 masked %and3A_238 : memref<512xf32, #tpu.memory_space<vmem>>[vector<16xi32>], vector<16xf32>, vector<16xi1>
        %reduce_sum3A = arith.constant true
        %reduce_sum3A_258 = vector.broadcast %reduce_sum3A : i1 to vector<16xi1>
        %reduce_sum3A_259 = tpu.scan <sum>, %select_n3A masked %reduce_sum3A_258 : vector<16xf32>, vector<16xi1> -> vector<16xf32>
        %reduce_sum3A_260 = vector.extract %reduce_sum3A_259[15] : f32 from vector<16xf32>
        %add3A_261 = arith.addf %while3A_167, %reduce_sum3A_260 : f32
        %reduce_sum3A_262 = arith.constant true
        %reduce_sum3A_263 = vector.broadcast %reduce_sum3A_262 : i1 to vector<16xi1>
        %reduce_sum3A_264 = tpu.scan <sum>, %select_n3A_222 masked %reduce_sum3A_263 : vector<16xf32>, vector<16xi1> -> vector<16xf32>
        %reduce_sum3A_265 = vector.extract %reduce_sum3A_264[15] : f32 from vector<16xf32>
        %add3A_266 = arith.addf %while3A_168, %reduce_sum3A_265 : f32
        scf.yield %add3A_261, %add3A_266 : f32, f32
      }
      %while3A_164 = arith.constant 1 : i32
      %while3A_165:2 = scf.for %while3A_166 = %while3A_161 to %while3A_157 step %while3A_164 iter_args(%while3A_167 = %while3A_163#0, %while3A_168 = %while3A_163#1) -> (f32, f32)  : i32 {
        %mul3A = arith.constant 16 : i32
        %mul3A_169 = arith.muli %while3A_166, %mul3A : i32
        %add3A = vector.broadcast %mul3A_169 : i32 to vector<16xi32>
        %add3A_170 = arith.addi %add3A, %iota3A : vector<16xi32>
        %gather3A = tpu.vector_load_idx %arg15[%add3A_170] : memref<5120xf32, #tpu.memory_space<vmem>>[vector<16xi32>], vector<16xf32>,
        %gather3A_171 = tpu.vector_load_idx %arg14[%add3A_170] : memref<5120xi32, #tpu.memory_space<vmem>>[vector<16xi32>], vector<16xi32>,
        %gather3A_172 = tpu.vector_load_idx %arg9[%gather3A_171] : memref<5120xf32, #tpu.memory_space<vmem>>[vector<16xi32>], vector<16xf32>,
        %gather3A_173 = tpu.vector_load_idx %arg10[%gather3A_171] : memref<5120xf32, #tpu.memory_space<vmem>>[vector<16xi32>], vector<16xf32>,
        %gather3A_174 = tpu.vector_load_idx %arg11[%gather3A_171] : memref<5120xf32, #tpu.memory_space<vmem>>[vector<16xi32>], vector<16xf32>,
        %gather3A_175 = tpu.vector_load_idx %arg12[%gather3A_171] : memref<5120xf32, #tpu.memory_space<vmem>>[vector<16xi32>], vector<16xf32>,
        %gather3A_176 = tpu.vector_load_idx %arg13[%gather3A_171] : memref<5120xf32, #tpu.memory_space<vmem>>[vector<16xi32>], vector<16xf32>,
        %gt3A = arith.constant 0.000000e+00 : f32
        %gt3A_177 = vector.broadcast %gt3A : f32 to vector<16xf32>
        %gt3A_178 = arith.cmpf ogt, %gather3A, %gt3A_177 : vector<16xf32>
        %jit3A = arith.constant 1.000000e+00 : f32
        %jit3A_179 = arith.constant 0.000000e+00 : f32
        %broadcast_in_dim3A_180 = vector.broadcast %jit3A : f32 to vector<16xf32>
        %broadcast_in_dim3A_181 = vector.broadcast %jit3A_179 : f32 to vector<16xf32>
        %select_n3A = arith.select %gt3A_178, %broadcast_in_dim3A_180, %broadcast_in_dim3A_181 : vector<16xi1>, vector<16xf32>
        %broadcast_in_dim3A_182 = arith.constant true
        %broadcast_in_dim3A_183 = vector.broadcast %broadcast_in_dim3A_182 : i1 to vector<16xi1>
        %masked_cumsum3A = tpu.scan <sum>, %select_n3A masked %broadcast_in_dim3A_183 : vector<16xf32>, vector<16xi1> -> vector<16xf32>
        %add3A_184 = vector.broadcast %while3A_167 : f32 to vector<16xf32>
        %add3A_185 = arith.addf %add3A_184, %masked_cumsum3A : vector<16xf32>
        %sub3A = arith.constant 1.000000e+00 : f32
        %sub3A_186 = vector.broadcast %sub3A : f32 to vector<16xf32>
        %sub3A_187 = arith.subf %add3A_185, %sub3A_186 : vector<16xf32>
        %lt3A = arith.constant 1.000000e+02 : f32
        %lt3A_188 = vector.broadcast %lt3A : f32 to vector<16xf32>
        %lt3A_189 = arith.cmpf olt, %sub3A_187, %lt3A_188 : vector<16xf32>
        %and3A_190 = arith.andi %gt3A_178, %lt3A_189 : vector<16xi1>
        %jit3A_191 = arith.constant 0.000000e+00 : f32
        %broadcast_in_dim3A_192 = vector.broadcast %jit3A_191 : f32 to vector<16xf32>
        %select_n3A_193 = arith.select %and3A_190, %sub3A_187, %broadcast_in_dim3A_192 : vector<16xi1>, vector<16xf32>
        %convert_element_type3A_194 = arith.fptosi %select_n3A_193 : vector<16xf32> to vector<16xi32>
        %mul3A_195 = arith.constant 5 : i32
        %mul3A_196 = vector.broadcast %mul3A_195 : i32 to vector<16xi32>
        %mul3A_197 = arith.muli %convert_element_type3A_194, %mul3A_196 : vector<16xi32>
        %add3A_198 = arith.constant 0 : i32
        %add3A_199 = vector.broadcast %add3A_198 : i32 to vector<16xi32>
        %add3A_200 = arith.addi %mul3A_197, %add3A_199 : vector<16xi32>
        tpu.vector_store_idx %arg21[%add3A_200], %gather3A_172 masked %and3A_190 : memref<512xf32, #tpu.memory_space<vmem>>[vector<16xi32>], vector<16xf32>, vector<16xi1>
        %add3A_201 = arith.constant 1 : i32
        %add3A_202 = vector.broadcast %add3A_201 : i32 to vector<16xi32>
        %add3A_203 = arith.addi %mul3A_197, %add3A_202 : vector<16xi32>
        tpu.vector_store_idx %arg21[%add3A_203], %gather3A_173 masked %and3A_190 : memref<512xf32, #tpu.memory_space<vmem>>[vector<16xi32>], vector<16xf32>, vector<16xi1>
        %add3A_204 = arith.constant 2 : i32
        %add3A_205 = vector.broadcast %add3A_204 : i32 to vector<16xi32>
        %add3A_206 = arith.addi %mul3A_197, %add3A_205 : vector<16xi32>
        tpu.vector_store_idx %arg21[%add3A_206], %gather3A_174 masked %and3A_190 : memref<512xf32, #tpu.memory_space<vmem>>[vector<16xi32>], vector<16xf32>, vector<16xi1>
        %add3A_207 = arith.constant 3 : i32
        %add3A_208 = vector.broadcast %add3A_207 : i32 to vector<16xi32>
        %add3A_209 = arith.addi %mul3A_197, %add3A_208 : vector<16xi32>
        tpu.vector_store_idx %arg21[%add3A_209], %gather3A_175 masked %and3A_190 : memref<512xf32, #tpu.memory_space<vmem>>[vector<16xi32>], vector<16xf32>, vector<16xi1>
        %add3A_210 = arith.constant 4 : i32
        %add3A_211 = vector.broadcast %add3A_210 : i32 to vector<16xi32>
        %add3A_212 = arith.addi %mul3A_197, %add3A_211 : vector<16xi32>
        tpu.vector_store_idx %arg21[%add3A_212], %gather3A_176 masked %and3A_190 : memref<512xf32, #tpu.memory_space<vmem>>[vector<16xi32>], vector<16xf32>, vector<16xi1>
        %not3A = arith.constant dense<true> : vector<16xi1>
        %not3A_213 = arith.xori %gt3A_178, %not3A : vector<16xi1>
        %lt3A_214 = arith.constant 5000 : i32
        %lt3A_215 = vector.broadcast %lt3A_214 : i32 to vector<16xi32>
        %lt3A_216 = arith.cmpi slt, %add3A_170, %lt3A_215 : vector<16xi32>
        %and3A_217 = arith.andi %not3A_213, %lt3A_216 : vector<16xi1>
        %jit3A_218 = arith.constant 1.000000e+00 : f32
        %jit3A_219 = arith.constant 0.000000e+00 : f32
        %broadcast_in_dim3A_220 = vector.broadcast %jit3A_218 : f32 to vector<16xf32>
        %broadcast_in_dim3A_221 = vector.broadcast %jit3A_219 : f32 to vector<16xf32>
        %select_n3A_222 = arith.select %and3A_217, %broadcast_in_dim3A_220, %broadcast_in_dim3A_221 : vector<16xi1>, vector<16xf32>
        %broadcast_in_dim3A_223 = arith.constant true
        %broadcast_in_dim3A_224 = vector.broadcast %broadcast_in_dim3A_223 : i1 to vector<16xi1>
        %masked_cumsum3A_225 = tpu.scan <sum>, %select_n3A_222 masked %broadcast_in_dim3A_224 : vector<16xf32>, vector<16xi1> -> vector<16xf32>
        %add3A_226 = arith.addf %convert_element_type3A_152, %while3A_168 : f32
        %add3A_227 = vector.broadcast %add3A_226 : f32 to vector<16xf32>
        %add3A_228 = arith.addf %add3A_227, %masked_cumsum3A_225 : vector<16xf32>
        %sub3A_229 = arith.constant 1.000000e+00 : f32
        %sub3A_230 = vector.broadcast %sub3A_229 : f32 to vector<16xf32>
        %sub3A_231 = arith.subf %add3A_228, %sub3A_230 : vector<16xf32>
        %gt3A_232 = arith.constant 0.000000e+00 : f32
        %gt3A_233 = vector.broadcast %gt3A_232 : f32 to vector<16xf32>
        %gt3A_234 = arith.cmpf ogt, %select_n3A_222, %gt3A_233 : vector<16xf32>
        %lt3A_235 = arith.constant 1.000000e+02 : f32
        %lt3A_236 = vector.broadcast %lt3A_235 : f32 to vector<16xf32>
        %lt3A_237 = arith.cmpf olt, %sub3A_231, %lt3A_236 : vector<16xf32>
        %and3A_238 = arith.andi %gt3A_234, %lt3A_237 : vector<16xi1>
        %jit3A_239 = arith.constant 0.000000e+00 : f32
        %broadcast_in_dim3A_240 = vector.broadcast %jit3A_239 : f32 to vector<16xf32>
        %select_n3A_241 = arith.select %and3A_238, %sub3A_231, %broadcast_in_dim3A_240 : vector<16xi1>, vector<16xf32>
        %convert_element_type3A_242 = arith.fptosi %select_n3A_241 : vector<16xf32> to vector<16xi32>
        %mul3A_243 = arith.constant 5 : i32
        %mul3A_244 = vector.broadcast %mul3A_243 : i32 to vector<16xi32>
        %mul3A_245 = arith.muli %convert_element_type3A_242, %mul3A_244 : vector<16xi32>
        %add3A_246 = arith.constant 0 : i32
        %add3A_247 = vector.broadcast %add3A_246 : i32 to vector<16xi32>
        %add3A_248 = arith.addi %mul3A_245, %add3A_247 : vector<16xi32>
        tpu.vector_store_idx %arg21[%add3A_248], %gather3A_172 masked %and3A_238 : memref<512xf32, #tpu.memory_space<vmem>>[vector<16xi32>], vector<16xf32>, vector<16xi1>
        %add3A_249 = arith.constant 1 : i32
        %add3A_250 = vector.broadcast %add3A_249 : i32 to vector<16xi32>
        %add3A_251 = arith.addi %mul3A_245, %add3A_250 : vector<16xi32>
        tpu.vector_store_idx %arg21[%add3A_251], %gather3A_173 masked %and3A_238 : memref<512xf32, #tpu.memory_space<vmem>>[vector<16xi32>], vector<16xf32>, vector<16xi1>
        %add3A_252 = arith.constant 2 : i32
        %add3A_253 = vector.broadcast %add3A_252 : i32 to vector<16xi32>
        %add3A_254 = arith.addi %mul3A_245, %add3A_253 : vector<16xi32>
        tpu.vector_store_idx %arg21[%add3A_254], %gather3A_174 masked %and3A_238 : memref<512xf32, #tpu.memory_space<vmem>>[vector<16xi32>], vector<16xf32>, vector<16xi1>
        %add3A_255 = arith.constant 3 : i32
        %add3A_256 = vector.broadcast %add3A_255 : i32 to vector<16xi32>
        %add3A_257 = arith.addi %mul3A_245, %add3A_256 : vector<16xi32>
        tpu.vector_store_idx %arg21[%add3A_257], %gather3A_175 masked %and3A_238 : memref<512xf32, #tpu.memory_space<vmem>>[vector<16xi32>], vector<16xf32>, vector<16xi1>
        %reduce_sum3A = arith.constant true
        %reduce_sum3A_258 = vector.broadcast %reduce_sum3A : i1 to vector<16xi1>
        %reduce_sum3A_259 = tpu.scan <sum>, %select_n3A masked %reduce_sum3A_258 : vector<16xf32>, vector<16xi1> -> vector<16xf32>
        %reduce_sum3A_260 = vector.extract %reduce_sum3A_259[15] : f32 from vector<16xf32>
        %add3A_261 = arith.addf %while3A_167, %reduce_sum3A_260 : f32
        %reduce_sum3A_262 = arith.constant true
        %reduce_sum3A_263 = vector.broadcast %reduce_sum3A_262 : i1 to vector<16xi1>
        %reduce_sum3A_264 = tpu.scan <sum>, %select_n3A_222 masked %reduce_sum3A_263 : vector<16xf32>, vector<16xi1> -> vector<16xf32>
        %reduce_sum3A_265 = vector.extract %reduce_sum3A_264[15] : f32 from vector<16xf32>
        %add3A_266 = arith.addf %while3A_168, %reduce_sum3A_265 : f32
        scf.yield %add3A_261, %add3A_266 : f32, f32
      }
      "tpu.region"() ({
        %run_scoped3A = tpu.sem_alloc : memref<!tpu.dma_semaphore, #tpu.memory_space<semaphore_mem>>
        tpu.enqueue_dma source(%arg21 : memref<512xf32, #tpu.memory_space<vmem>>) target(%arg8 : memref<512xf32, #tpu.memory_space<hbm>>) target_semaphore(%run_scoped3A : memref<!tpu.dma_semaphore, #tpu.memory_space<semaphore_mem>>)
        tpu.wait_dma2 semaphore(%run_scoped3A : memref<!tpu.dma_semaphore, #tpu.memory_space<semaphore_mem>>) src(%arg21 : memref<512xf32, #tpu.memory_space<vmem>>) dst(%arg8 : memref<512xf32, #tpu.memory_space<hbm>>)
        tpu.yield
      }) : () -> ()
    } else {
    }
    return
  }
}

</mosaic_0001>

<sc_bundles>
// kernel: kernel.3.cloned.1.call-start
scs
__scs_entry_jumppad:
0x0: {  	(pc) =	sbr.rel $0x88, $3  }
0x1: {  	(tag) =	ssettag $0x0;
	lr =	simm.s32 $0x1  }
0x2: {  	[smem:$0x3F9F] =	sst lr;
	_ =	strace $0xD0000000  }
0x3: {  	_ = 	snop  }
0x4: {  	_ = 	snop  }
0x5: {  	_ = 	snop  }
0x6: {  	_ = 	snop  }
0x7: {  	_ = 	snop  }
__scs_overlays_trampoline_lowered:
0x8: {  	[smem:$0x3FAE] =	sst s0  }
0x9: {  	[smem:$0x3FAF] =	sst s1  }
0xa: {  	[smem:$0x3FB0] =	sst s2  }
0xb: {  	[smem:$0x3FB1] =	sst s3  }
0xc: {  	[smem:$0x3FB2] =	sst s4  }
0xd: {  	[smem:$0x3FB3] =	sst s5  }
0xe: {  	[smem:$0x3FB4] =	sst s6  }
0xf: {  	[smem:$0x3FB5] =	sst s7  }
0x10: {  	[smem:$0x3FB6] =	sst s8  }
0x11: {  	[smem:$0x3FB7] =	sst s9;
	s0 =	simm.s32 @!p0 $0x0  }
0x12: {  	s1 =	sld [smem:$0x3F9D];
	s0 =	simm.s32 @p0 $0x1  }
0x13: {  	[smem:$0x3FB8] =	sst s0;
	s0 =	simm.s32 @!p1 $0x0  }
0x14: {  	s2 =	sld [smem:$0x3F9C];
	s0 =	simm.s32 @p1 $0x1  }
0x15: {  	[smem:$0x3FB9] =	sst s0;
	s0 =	simm.s32 @!p2 $0x0  }
0x16: {  	s3 =	sld [smem:$0x3FDB];
	s0 =	simm.s32 @p2 $0x1  }
0x17: {  	s4 =	simm.s32 $0x1BF5;
	[smem:$0x3FBB] =	sst s0  }
0x18: {  	s0 =	sld [smem:$0x3F9E];
	_ =	swait.ge [sflag:s4], $0x0  }
0x19: {  	s7 =	sld [smem:$0x3F9F]  }
0x1a: {  	s8 =	sadd.s32 $0xFFFFE003, lr  }
0x1b: {  	s9 =	sadd.s32 $0xFFFFFEF7, lr;
	s5 =	simm.s32 $0xFFFFFFFF;
	p2 =	slt.u32 s8, $0xFFFFF086  }
0x1c: {  	p1 =	slt.u32 s9, $0xF7A;
	s5 =	simm.s32 @!p2 $0x0  }
0x1d: {  	s5 =	simm.s32 @p1 $0x1;
	p0 =	seq.s32 s7, s2  }
0x1e: {  	s7 =	smul.u32 @!p0 $0xF7A, s2;
	p2 =	seq.s32 @!p0 s5, $0x0  }
0x1f: {  	s9 =	smul.u32 $0xF7A, s1;
	s8 =	simm.s32 @!p0 $0x1BF5;
	p2 =	por !p2, p0  }
0x20: {  	[sflag:s8] =	ssyncset.s32 @!p0 $0xFFFFF086;
	s6 =	sadd.s32 @!p0 s3, s7;
	s7 =	simm.s32 @!p0 $0x108  }
0x21: {  	s3 =	sadd.s32 s3, s9;
	s6 =	sadd.s32 @!p0 $0x88, s6;
	s7 =	simm.s32 @p2 $0x1082  }
0x22: {  	[simem:s7], [sflag:s8] =	dma.local @!p0 [hbm:s6], $0xF7A  }
0x23: {  	s9 =	sor.u32 $0xD0000000, s2;
	s6 =	simm.s32 $0x108;
	_ =	swait.ge @!p0 [sflag:s8], $0x0  }
0x24: {  	s3 =	sadd.s32 $0x88, s3;
	s6 =	simm.s32 @!p1 $0x1082;
	[sflag:s4] =	ssyncset.s32 $0xFFFFF086  }
0x25: {  	[simem:s6], [sflag:s4] =	dma.local [hbm:s3], $0xF7A  }
0x26: {  	[smem:$0x3F9F] =	sst s1;
	(tag) =	ssettag s2;
	_ =	strace s9  }
0x27: {  	s1 =	sld [smem:$0x3FAF]  }
0x28: {  	s2 =	sld [smem:$0x3FB0]  }
0x29: {  	s4 =	sld [smem:$0x3FB2]  }
0x2a: {  	p0 =	seq.s32 s5, $0x0;
	s5 =	sld [smem:$0x3FB3]  }
0x2b: {  	s6 =	sld [smem:$0x3FB4]  }
0x2c: {  	s7 =	sld [smem:$0x3FB5]  }
0x2d: {  	s3 =	simm.s32 $0x108;
	s8 =	sld [smem:$0x3FB6]  }
0x2e: {  	s3 =	simm.s32 @!p0 $0x1082;
	s9 =	sld [smem:$0x3FB7]  }
0x2f: {  	lr =	sadd.s32 s0, s3;
	s0 =	sld [smem:$0x3FAE]  }
0x30: {  	s3 =	sld [smem:$0x3FB1]  }
0x31: {  	[smem:$0x3FBA] =	sst s10  }
0x32: {  	s10 =	sld [smem:$0x3FB8];
	_ =	sdelay $0x3  }
0x33: {  	p0 =	seq.s32 s10, $0x1;
	s10 =	sld [smem:$0x3FBA];
	_ =	sdelay $0x3  }
0x34: {  	[smem:$0x3FBA] =	sst s10  }
0x35: {  	s10 =	sld [smem:$0x3FB9];
	_ =	sdelay $0x3  }
0x36: {  	p1 =	seq.s32 s10, $0x1;
	s10 =	sld [smem:$0x3FBA];
	_ =	sdelay $0x3  }
0x37: {  	[smem:$0x3FBA] =	sst s10  }
0x38: {  	s10 =	sld [smem:$0x3FBB]  }
0x39: {  	_ = 	snop;
	(pc) =	sbr.ind lr, $3  }
0x3a: {  	_ = 	snop  }
0x3b: {  	_ = 	snop  }
0x3c: {  	p2 =	seq.s32 s10, $0x1;
	s10 =	sld [smem:$0x3FBA]  }
0x3d: {  	_ =	shalt  }
0x3e: {  	_ =	shalt  }
0x3f: {  	_ =	shalt  }
0x40: {  	_ =	shalt  }
0x41: {  	_ =	shalt  }
0x42: {  	_ =	shalt  }
0x43: {  	_ =	shalt  }
0x44: {  	_ =	shalt  }
0x45: {  	_ =	shalt  }
0x46: {  	_ =	shalt  }
0x47: {  	_ =	shalt  }
0x48: {  	_ =	shalt  }
0x49: {  	_ =	shalt  }
0x4a: {  	_ =	shalt  }
0x4b: {  	_ =	shalt  }
0x4c: {  	_ =	shalt  }
0x4d: {  	_ =	shalt  }
0x4e: {  	_ =	shalt  }
0x4f: {  	_ =	shalt  }
0x50: {  	_ =	shalt  }
0x51: {  	_ =	shalt  }
0x52: {  	_ =	shalt  }
0x53: {  	_ =	shalt  }
0x54: {  	_ =	shalt  }
0x55: {  	_ =	shalt  }
0x56: {  	_ =	shalt  }
0x57: {  	_ =	shalt  }
0x58: {  	_ =	shalt  }
0x59: {  	_ =	shalt  }
0x5a: {  	_ =	shalt  }
0x5b: {  	_ =	shalt  }
0x5c: {  	_ =	shalt  }
0x5d: {  	_ =	shalt  }
0x5e: {  	_ =	shalt  }
0x5f: {  	_ =	shalt  }
0x60: {  	_ =	shalt  }
0x61: {  	_ =	shalt  }
0x62: {  	_ =	shalt  }
0x63: {  	_ =	shalt  }
0x64: {  	_ =	shalt  }
0x65: {  	_ =	shalt  }
0x66: {  	_ =	shalt  }
0x67: {  	_ =	shalt  }
0x68: {  	_ =	shalt  }
0x69: {  	_ =	shalt  }
0x6a: {  	_ =	shalt  }
0x6b: {  	_ =	shalt  }
0x6c: {  	_ =	shalt  }
0x6d: {  	_ =	shalt  }
0x6e: {  	_ =	shalt  }
0x6f: {  	_ =	shalt  }
0x70: {  	_ =	shalt  }
0x71: {  	_ =	shalt  }
0x72: {  	_ =	shalt  }
0x73: {  	_ =	shalt  }
0x74: {  	_ =	shalt  }
0x75: {  	_ =	shalt  }
0x76: {  	_ =	shalt  }
0x77: {  	_ =	shalt  }
0x78: {  	_ =	shalt  }
0x79: {  	_ =	shalt  }
0x7a: {  	_ =	shalt  }
0x7b: {  	_ =	shalt  }
0x7c: {  	_ =	shalt  }
0x7d: {  	_ =	shalt  }
0x7e: {  	_ =	shalt  }
0x7f: {  	_ =	shalt  }
0x80: {  	_ =	shalt  }
0x81: {  	_ =	shalt  }
0x82: {  	_ =	shalt  }
0x83: {  	_ =	shalt  }
0x84: {  	_ =	shalt  }
0x85: {  	_ =	shalt  }
0x86: {  	_ =	shalt  }
0x87: {  	_ =	shalt  }
.Lfunc_end0:
.L_simem_size_0:
called_computation_lowered:
.L_overlay_start_0:
0x88: {  	s2 =	sld [smem:$0x3FD9]  }
0x89: {  	s3 =	sld [smem:$0x3FFE];
	_ =	sdelay $0x1  }
0x8a: {  	s1 =	srdreg.scid  }
0x8b: {  	s0 =	sand.u32 $0x1, s1  }
0x8c: {  	s17 =	sshll.u32 s0, $0xA;
	s2 =	sadd.s32 s3, s2  }
0x8d: {  	s2 =	sadd.s32 s2, s17  }
0x8e: {  	[smem:$0x3FC6] =	sst s2  }
0x8f: {  	_ = 	snop  }
0x90: {  	s2 =	sld [smem:$0x3FD0];
	(tm) =	ssettm $0x1  }
0x91: {  	s18 =	sld [smem:$0x3FFB];
	_ =	sdelay $0x3  }
0x92: {  	_ =	strace s18  }
0x93: {  	s3 =	sld [smem:$0x3FFC];
	_ =	sdelay $0x3  }
0x94: {  	_ =	strace s3  }
0x95: {  	s3 =	sld [smem:$0x3FFD];
	_ =	sdelay $0x3  }
0x96: {  	_ =	strace s3  }
0x97: {  	_ =	strace $0x8FFFFFFF  }
0x98: {  	s19 =	sld [smem:$0x3FDB];
	_ =	sdelay $0x1  }
0x99: {  	s4 =	simm.s32 $_scs_section_size  }
0x9a: {  	s5 =	simm.s32 $_size__tile_overlayer_lowered;
	s6 =	simm.s32 $_tile_overlayer_lowered  }
0x9b: {  	s22 =	simm.s32 $0x1BFF;
	s21 =	sshll.u32 s6, $0x1;
	s3 =	sadd.s32 s4, s19  }
0x9c: {  	s7 =	simm.s32 $0x0;
	s20 =	sshll.u32 s5, $0x1;
	s5 =	sadd.s32 s21, s3  }
0x9d: {  	[timem:s7], [sflag:s22] =	dma.local [hbm:s5], s20  }
0x9e: {  	_ =	swait.ge [sflag:s22], s20  }
0x9f: {  	s4 =	ssub.s32 $0x0, s20;
	[sflag:s22] =	ssyncset.done $0x0  }
0xa0: {  	[sflag:s22] =	ssyncadd.s32 s4;
	_ =	sdelay $0x1  }
0xa1: {  	s23 =	simm.s32 $0x1B8B  }
0xa2: {  	_ =	swait.ge [sflag:s23], $0x1  }
0xa3: {  	[sflag:s23] =	ssyncset.done $0x0  }
0xa4: {  	s25 =	simm.s32 $0x1B8E;
	s24 =	sld [smem:$0x3FFE];
	[sflag:s23] =	ssyncadd.s32 $0xFFFFFFFF  }
0xa5: {  	s26 =	simm.s32 $execute0_lowered;
	[smem:$0x3FD2] =	sst s25  }
0xa6: {  	s5 =	sshll.u32 s26, $0x1;
	_ =	strace $0x80000046;
	[dreg:$0x1] =	wrdreg $0xFFFFFFFF  }
0xa7: {  	s28 =	simm.s32 $_size_execute0_lowered;
	s3 =	sadd.s32 s3, s5;
	[dreg:$0x0] =	wrdreg $0x0  }
0xa8: {  	s5 =	sshll.u32 s28, $0x1;
	[dreg:$0x2] =	wrdreg s3  }
0xa9: {  	[dreg:$0x3] =	wrdreg s5  }
0xaa: {  	[dreg:$0x4] =	wrdreg $0xC0  }
0xab: {  	_ =	task [dreg:s7], $0x5FFFF  }
0xac: {  	[dreg:$0x1] =	wrdreg $0xFFFFFFFF  }
0xad: {  	[dreg:$0x0] =	wrdreg $0x60  }
0xae: {  	[dreg:$0x2] =	wrdreg s24  }
0xaf: {  	[dreg:$0x3] =	wrdreg s2  }
0xb0: {  	[dreg:$0x4] =	wrdreg $0x9  }
0xb1: {  	_ =	task.clear_ibuf [dreg:s7], $0x5FFFF;
	_ =	strace $0x90000046  }
0xb2: {  	s29 =	simm.s32 $0x9;
	_ =	strace $0x80000048  }
0xb3: {  	_ =	swait.ge [sflag:s29], $0x1  }
0xb4: {  	[sflag:s29] =	ssyncadd.s32 $0xFFFFFFFF  }
0xb5: {  	_ =	strace $0x90000048  }
0xb6: {  	_ =	sfence  }
0xb7: {  	s30 =	sld [smem:$0x0];
	_ =	sdelay $0x2  }
0xb8: {  	s31 =	sshll.u32 s1, $0xD;
	s1 =	sshrl.u32 s1, $0x2  }
0xb9: {  	s3 =	sand.u32 $0x4000, s31;
	s1 =	sadd.s32 s1, s30  }
0xba: {  	s0 =	sor.u32 s3, s0;
	s1 =	sshll.u32 s1, $0x11  }
0xbb: {  	s0 =	sor.u32 s1, s0  }
0xbc: {  	s0 =	sadd.s32 $0x8F2B, s0  }
0xbd: {  	[sflag:s0] =	ssyncadd.remote.s32 $0x1  }
0xbe: {  	_ =	sfence.sel $0xFFFF  }
0xbf: {  	[dreg:$0x0] =	wrdreg $0xFFFFFFFF;
	(pc) =	sbr.abs _section_cstart, $3  }
0xc0: {  	[dreg:$0x1] =	wrdreg $0xFFFFFFFF  }
0xc1: {  	_ =	task.clear_ibuf [dreg:s7], $0x2FFFF;
	_ =	strace $0x9FFFFFFF  }
0xc2: {  	(tm) =	ssettm $0x7FFFFFFF  }
0xc3: {  	_ =	shalt  }
tec
execute0_lowered:
.L_overlay_start_1:
0x0: {  	(tag) =	ssettag $0x1  }
0x1: {  	s0 =	srdreg.scid  }
0x2: {  	s31 =	stileid.u32;
	s1 =	sand.u32 $0x1, s0  }
0x3: {  	s4 =	sor.u32 s31, s1  }
0x4: {  	p0 =	sne.s32 s4, $0x0  }
.Ltmp0:
0x5: {  	_ = 	snop;
	(pc) =	sbr.rel @!p0 .LBB2_1-.Ltmp0, $3  }
0x6: {  	_ =	sdelay $0x1  }
0x7: {  	s2 =	rddreg [dreg:$0x0]  }
0x8: {  	s3 =	rddreg [dreg:$0x1];
	_ =	strace $0x80000047  }
.LBB2_18:
0x9: {  	_ =	sfence.sel $0x180000  }
0xa: {  	[bflag:$0x0] =	sbarrier.arrive $0xFFFF  }
0xb: {  	_ =	strace $0x90000047  }
0xc: {  	s0 =	stileid.u32;
	[bflag:$0x2] =	sbarrier.arrive $0xFFFF  }
0xd: {  	p0 =	sne.s32 s0, $0x0;
	s0 =	rddreg [dreg:$0x2]  }
0xe: {  	s0 =	sadd.s32 @!p0 $0x100000, s0  }
0xf: {  	[sflag:s0] =	ssyncadd.tile.s32 @!p0 $0x1;
	_ =	shalt  }
.LBB2_1:
0x10: {  	v0 =	vimm.f32 $0.0e+00;
	v1 =	vlaneseq.u32  }
0x11: {  	v2 =	vimm.f32 $1.000000000e+00;
	v3 =	vimm.s32 $0x0;
	vm1 =	vcmask $0x3F04  }
0x12: {  	v4 =	vimm.s32 $0x1;
	vm2 =	vcmask $0x3F08;
	v5 =	vimm.s32 $0x2  }
0x13: {  	s4 =	sadd.s32 $0x1000, s2;
	s5 =	sadd.s32 $0x800, s2;
	s1 =	ssub.s32 $0x2, s1;
	v6 =	vimm.s32 $0x3;
	vm3 =	vcmask $0x3F10;
	v7 =	vimm.s32 $0x4  }
0x14: {  	s6 =	sadd.s32 $0xC00, s2;
	s7 =	sadd.s32 $0x400, s2;
	vm4 =	vcmask $0x3F14;
	v8 =	vimm.s32 $0x5;
	vm5 =	vcmask $0x3F18;
	s8 =	sadd.s32 $0x1400, s2  }
0x15: {  	s10 =	simm.s32 $0x0;
	v9 =	vimm.s32 $0x6;
	vm6 =	vcmask $0x3F1C;
	v10 =	vimm.s32 $0x7;
	s11 =	simm.s32 $0x1400;
	s12 =	simm.s32 $0x2800  }
0x16: {  	s13 =	simm.s32 $0x3C00;
	vm7 =	vcmask $0x3F20;
	v11 =	vimm.s32 $0x8;
	vm8 =	vcmask $0x3F24;
	s14 =	simm.s32 $0x5000;
	s15 =	simm.s32 $0x6400  }
0x17: {  	s16 =	simm.s32 $0x0;
	v12 =	vimm.s32 $0x9;
	vm9 =	vcmask $0x3F28;
	v13 =	vimm.s32 $0xA;
	s17 =	simm.s32 $0x1;
	s18 =	simm.s32 $0x8C00  }
0x18: {  	s19 =	simm.s32 $0x8C80;
	vm10 =	vcmask $0x3F2C;
	v14 =	vimm.s32 $0xB;
	vm11 =	vcmask $0x3F30;
	s20 =	simm.s32 $0x8D00;
	s21 =	simm.s32 $0x8D80  }
0x19: {  	s22 =	simm.s32 $0x8E00;
	v15 =	vimm.s32 $0xC;
	vm12 =	vcmask $0x3F34;
	v16 =	vimm.s32 $0xD;
	s23 =	simm.s32 $0x7800;
	s9 =	sshrl.u32 s1, $0x1  }
0x1a: {  	vm13 =	vcmask $0x3F38;
	v17 =	vimm.s32 $0xE;
	vm14 =	vcmask $0x3F3C;
	s24 =	simm.s32 $0x8E80;
	s25 =	simm.s32 $0x2;
	s9 =	ssub.s32 s1, s9  }
.LBB2_2:
0x1b: {  	[tilespmem:s16], [sflag:$0x1] =	stream.linear.gather [hbm4b:s4+s16], $0x1400, $0x38;
	[tilespmem:$0x9080] =	vst v63  }
0x1c: {  	_ = 	snop  }
0x1d: {  	[tilespmem:s11], [sflag:$0x1] =	stream.linear.gather [hbm4b:s5+s16], $0x1400, $0x38;
	[tilespmem:$0x9080] =	vst v63  }
0x1e: {  	_ = 	snop  }
0x1f: {  	[tilespmem:s12], [sflag:$0x1] =	stream.linear.gather [hbm4b:s6+s16], $0x1400, $0x38;
	[tilespmem:$0x9080] =	vst v63  }
0x20: {  	_ = 	snop  }
0x21: {  	[tilespmem:s13], [sflag:$0x1] =	stream.linear.gather [hbm4b:s7+s16], $0x1400, $0x38;
	[tilespmem:$0x9080] =	vst v63  }
0x22: {  	_ = 	snop  }
0x23: {  	[tilespmem:s14], [sflag:$0x1] =	stream.linear.gather [hbm4b:s2+s16], $0x1400, $0x38;
	[tilespmem:$0x9080] =	vst v63  }
0x24: {  	_ = 	snop  }
0x25: {  	[tilespmem:s15], [sflag:$0x1] =	stream.linear.gather [hbm4b:s8+s16], $0x1400, $0x38;
	[tilespmem:$0x9080] =	vst v63  }
0x26: {  	[tilespmem:$0x8C00] =	vst v0  }
0x27: {  	[tilespmem:$0x8C80] =	vst v0  }
0x28: {  	[tilespmem:$0x8D00] =	vst v0  }
0x29: {  	[tilespmem:$0x8D80] =	vst v0  }
0x2a: {  	[tilespmem:$0x8E00] =	vst v0  }
0x2b: {  	[tilespmem:$0x8C10] =	vst v0  }
0x2c: {  	[tilespmem:$0x8C90] =	vst v0  }
0x2d: {  	[tilespmem:$0x8D10] =	vst v0  }
0x2e: {  	[tilespmem:$0x8D90] =	vst v0  }
0x2f: {  	[tilespmem:$0x8E10] =	vst v0  }
0x30: {  	[tilespmem:$0x8C20] =	vst v0  }
0x31: {  	[tilespmem:$0x8CA0] =	vst v0  }
0x32: {  	[tilespmem:$0x8D20] =	vst v0  }
0x33: {  	[tilespmem:$0x8DA0] =	vst v0  }
0x34: {  	[tilespmem:$0x8E20] =	vst v0  }
0x35: {  	[tilespmem:$0x8C30] =	vst v0  }
0x36: {  	[tilespmem:$0x8CB0] =	vst v0  }
0x37: {  	[tilespmem:$0x8D30] =	vst v0  }
0x38: {  	[tilespmem:$0x8DB0] =	vst v0  }
0x39: {  	[tilespmem:$0x8E30] =	vst v0  }
0x3a: {  	[tilespmem:$0x8C40] =	vst v0  }
0x3b: {  	[tilespmem:$0x8CC0] =	vst v0  }
0x3c: {  	[tilespmem:$0x8D40] =	vst v0  }
0x3d: {  	[tilespmem:$0x8DC0] =	vst v0  }
0x3e: {  	[tilespmem:$0x8E40] =	vst v0  }
0x3f: {  	[tilespmem:$0x8C50] =	vst v0  }
0x40: {  	[tilespmem:$0x8CD0] =	vst v0  }
0x41: {  	[tilespmem:$0x8D50] =	vst v0  }
0x42: {  	[tilespmem:$0x8DD0] =	vst v0  }
0x43: {  	[tilespmem:$0x8E50] =	vst v0  }
0x44: {  	[tilespmem:$0x8C60] =	vst v0  }
0x45: {  	[tilespmem:$0x8CE0] =	vst v0  }
0x46: {  	[tilespmem:$0x8D60] =	vst v0  }
0x47: {  	[tilespmem:$0x8DE0] =	vst v0  }
0x48: {  	[tilespmem:$0x8E60] =	vst v0  }
0x49: {  	[tilespmem:$0x8C70] =	vst v0  }
0x4a: {  	[tilespmem:$0x8CF0] =	vst v0  }
0x4b: {  	[tilespmem:$0x8D70] =	vst v0  }
0x4c: {  	[tilespmem:$0x8DF0] =	vst v0  }
0x4d: {  	[tilespmem:$0x8E70] =	vst v0  }
0x4e: {  	[tilespmem:$0x8E80] =	vst v0  }
0x4f: {  	[tilespmem:$0x8E90] =	vst v0  }
0x50: {  	[tilespmem:$0x8EA0] =	vst v0  }
0x51: {  	[tilespmem:$0x8EB0] =	vst v0  }
0x52: {  	[tilespmem:$0x8EC0] =	vst v0  }
0x53: {  	[tilespmem:$0x8ED0] =	vst v0  }
0x54: {  	[tilespmem:$0x8EE0] =	vst v0  }
0x55: {  	[tilespmem:$0x8EF0] =	vst v0  }
0x56: {  	[tilespmem:$0x8F00] =	vst v0  }
0x57: {  	[tilespmem:$0x8F10] =	vst v0  }
0x58: {  	[tilespmem:$0x8F20] =	vst v0  }
0x59: {  	[tilespmem:$0x8F30] =	vst v0  }
0x5a: {  	[tilespmem:$0x8F40] =	vst v0  }
0x5b: {  	[tilespmem:$0x8F50] =	vst v0  }
0x5c: {  	[tilespmem:$0x8F60] =	vst v0  }
0x5d: {  	[tilespmem:$0x8F70] =	vst v0  }
0x5e: {  	[tilespmem:$0x8F80] =	vst v0  }
0x5f: {  	[tilespmem:$0x8F90] =	vst v0  }
0x60: {  	[tilespmem:$0x8FA0] =	vst v0  }
0x61: {  	[tilespmem:$0x8FB0] =	vst v0  }
0x62: {  	[tilespmem:$0x8FC0] =	vst v0  }
0x63: {  	[tilespmem:$0x8FD0] =	vst v0  }
0x64: {  	[tilespmem:$0x8FE0] =	vst v0  }
0x65: {  	[tilespmem:$0x8FF0] =	vst v0  }
0x66: {  	[tilespmem:$0x9000] =	vst v0  }
0x67: {  	[tilespmem:$0x9010] =	vst v0  }
0x68: {  	[tilespmem:$0x9020] =	vst v0  }
0x69: {  	[tilespmem:$0x9030] =	vst v0  }
0x6a: {  	[tilespmem:$0x9040] =	vst v0  }
0x6b: {  	[tilespmem:$0x9050] =	vst v0  }
0x6c: {  	[tilespmem:$0x9060] =	vst v0  }
0x6d: {  	[tilespmem:$0x9070] =	vst v0  }
0x6e: {  	_ =	swait.ge [sflag:s17], $0x1400  }
0x6f: {  	[sflag:s17] =	ssyncset.done $0x0  }
0x70: {  	[sflag:s17] =	ssyncadd.s32 $0xFFFFEC00  }
0x71: {  	_ =	swait.ge [sflag:s17], $0x1400  }
0x72: {  	[sflag:s17] =	ssyncset.done $0x0  }
0x73: {  	[sflag:s17] =	ssyncadd.s32 $0xFFFFEC00  }
0x74: {  	_ =	swait.ge [sflag:s17], $0x1400  }
0x75: {  	[sflag:s17] =	ssyncset.done $0x0  }
0x76: {  	[sflag:s17] =	ssyncadd.s32 $0xFFFFEC00  }
0x77: {  	_ =	swait.ge [sflag:s17], $0x1400  }
0x78: {  	[sflag:s17] =	ssyncset.done $0x0  }
0x79: {  	[sflag:s17] =	ssyncadd.s32 $0xFFFFEC00  }
0x7a: {  	_ =	swait.ge [sflag:s17], $0x1400  }
.Ltmp1:
0x7b: {  	[sflag:s17] =	ssyncset.done $0x0;
	(pc) =	sbr.rel .LBB2_3-.Ltmp1, $4  }
0x7c: {  	[sflag:s17] =	ssyncadd.s32 $0xFFFFEC00  }
0x7d: {  	_ =	swait.ge [sflag:s17], $0x1400  }
0x7e: {  	s30 =	simm.s32 $0x1;
	[sflag:s17] =	ssyncset.done $0x0  }
0x7f: {  	s26 =	simm.s32 $0x0;
	s28 =	simm.s32 $0x0;
	[sflag:s17] =	ssyncadd.s32 $0xFFFFEC00  }
.LBB2_5:
0x80: {  	v35 =	vmov v24  }
.LBB2_9:
0x81: {  	_ =	sdelay $0x3  }
0x82: {  	v26 =	vld.idx.msk [tilespmem:v26+s18+$0x0], $0xffff;
	v47 =	vsub.f32 @p0 v47, v33  }
0x83: {  	v40 =	vmax.f32 v40, v22;
	v38 =	vmin.f32 v38, v18;
	v43 =	vsub.f32 v46, v43  }
0x84: {  	v42 =	vmin.f32 v42, v18;
	v39 =	vsub.f32 v45, v39;
	v44 =	vmax.f32 v44, $0.0e+00;
	v51 =	vld.idx.msk [tilespmem:v32+s20+$0x0], $0xffff  }
0x85: {  	v30 =	vmin.f32 v30, v19;
	v53 =	vld.idx.msk [tilespmem:v32+s21+$0x0], $0xffff;
	v29 =	vadd.f32 v29, v23;
	v36 =	vsub.f32 v42, v36  }
0x86: {  	v52 =	vld.idx.msk [tilespmem:v32+s19+$0x0], $0xffff;
	v38 =	vsub.f32 v38, v40;
	v39 =	vmax.f32 v39, $0.0e+00;
	v43 =	vmax.f32 v43, $0.0e+00  }
0x87: {  	v54 =	vld.idx.msk [tilespmem:v32+s18+$0x0], $0xffff;
	v36 =	vmax.f32 v36, $0.0e+00;
	v56 =	vmul.f32 v44, v39;
	v26 =	vmax.f32 v26, v21  }
0x88: {  	v39 =	vmax.f32 @p0 v47, $9.999999710e-10;
	v38 =	vmax.f32 v38, $0.0e+00;
	v26 =	vsub.f32 v30, v26  }
0x89: {  	v55 =	vmul.f32 v36, v43;
	(erf) = vrcp.f32 @p0 v39;
	v34 =	vsub.f32 v34, v56  }
0x8a: {  	v57 =	vmin.f32 v51, v19;
	v58 =	vmin.f32 v53, v18;
	v26 =	vmax.f32 v26, $0.0e+00  }
0x8b: {  	v40 =	vmax.f32 v52, v22;
	v28 =	vsub.f32 v28, v55;
	v26 =	vmul.f32 v38, v26  }
0x8c: {  	v30 =	vmax.f32 v54, v21;
	v60 =	vsub.f32 v58, v40;
	v34 =	vmax.f32 v34, $9.999999710e-10  }
0x8d: {  	v59 =	vsub.f32 v57, v30;
	v28 =	vmax.f32 v28, $9.999999710e-10;
	v29 =	vsub.f32 v29, v26  }
0x8e: {  	v61 =	vmax.f32 v60, $0.0e+00;
	(erf) = vrcp.f32 v28  }
0x8f: {  	v28 =	vmax.f32 v59, $0.0e+00;
	(erf) = vrcp.f32 v34;
	v29 =	vmax.f32 v29, $9.999999710e-10  }
0x90: {  	v25 =	vadd.f32 v25, v23;
	v34 =	vpop @p0 (erf);
	v28 =	vmul.f32 v61, v28;
	(erf) = vrcp.f32 v29  }
0x91: {  	v30 =	vmul.f32 @p0 v34, v31  }
0x92: {  	v25 =	vsub.f32 v25, v28  }
0x93: {  	vm0 =	vgt.f32 @p0 v30, $5.000000000e-01  }
0x94: {  	v29 =	vsel @p0 vm0, $0x0, v2;
	v25 =	vmax.f32 v25, $9.999999710e-10  }
0x95: {  	vm15 =	vgt.f32 @p0 v41, $5.000000000e-01;
	v27 =	vmul.f32 @p0 v37, v27;
	v29 =	vmul.f32 @p0 v29, v35  }
0x96: {  	v30 =	vsel @p0 vm15, $0x0, v2;
	v31 =	vpop @p0 (erf);
	(erf) = vrcp.f32 v25  }
0x97: {  	v31 =	vmul.f32 @p0 v31, v33;
	vm0 =	vgt.f32 @p0 v27, $5.000000000e-01;
	v27 =	vmul.f32 @p0 v30, v29;
	v25 =	vpop (erf)  }
0x98: {  	v29 =	vsel @p0 vm0, $0x0, v2;
	v62 =	vpop (erf)  }
0x99: {  	vm0 =	vgt.f32 @p0 v31, $5.000000000e-01;
	v27 =	vmul.f32 @p0 v29, v27;
	v63 =	vpop (erf)  }
0x9a: {  	v31 =	vsel @p0 vm0, $0x0, v2;
	v26 =	vmul.f32 v63, v26  }
0x9b: {  	v27 =	vmul.f32 @p0 v31, v27  }
0x9c: {  	v25 =	vmul.f32 v25, v55;
	vm0 =	vgt.f32 v26, $5.000000000e-01  }
0x9d: {  	v24 =	vpsel p0, v27, v24;
	v26 =	vsel vm0, $0x0, v2  }
0x9e: {  	vm0 =	vgt.f32 v25, $5.000000000e-01;
	v25 =	vmul.f32 v62, v56;
	v24 =	vmul.f32 v26, v24  }
0x9f: {  	v27 =	vpop (erf);
	v26 =	vsel vm0, $0x0, v2  }
0xa0: {  	v27 =	vmul.f32 v27, v28;
	vm0 =	vgt.f32 v25, $5.000000000e-01;
	v24 =	vmul.f32 v26, v24  }
0xa1: {  	v25 =	vsel vm0, $0x0, v2  }
0xa2: {  	vm0 =	vgt.f32 v27, $5.000000000e-01;
	v24 =	vmul.f32 v25, v24  }
0xa3: {  	v25 =	vsel vm0, $0x0, v2  }
0xa4: {  	v24 =	vmul.f32 v25, v24  }
.LBB2_10:
0xa5: {  	v25 =	vperm.xlane v21, v3;
	v26 =	vperm.xlane v22, v3  }
0xa6: {  	v27 =	vperm.xlane v19, v3;
	v28 =	vperm.xlane v18, v3  }
0xa7: {  	v37 =	vperm.xlane v21, v4;
	v38 =	vperm.xlane v19, v4  }
0xa8: {  	v39 =	vperm.xlane v22, v4;
	v31 =	vperm.xlane v18, v4  }
0xa9: {  	v44 =	vperm.xlane v21, v5;
	v45 =	vperm.xlane v19, v5  }
0xaa: {  	v46 =	vperm.xlane v22, v5;
	v47 =	vperm.xlane v18, v5  }
0xab: {  	v58 =	vperm.xlane v21, v6;
	v59 =	vperm.xlane v19, v6  }
0xac: {  	v60 =	vperm.xlane v22, v6;
	v61 =	vperm.xlane v18, v6;
	vm15 =	vcmask $0x3F0C  }
0xad: {  	v33 =	vperm.xlane v18, v8;
	v52 =	vperm.xlane v24, v3;
	v29 =	vsub.f32 v27, v25  }
0xae: {  	v30 =	vsub.f32 v28, v26;
	v27 =	vmin.f32 v27, v19;
	v25 =	vmax.f32 v25, v21  }
0xaf: {  	v28 =	vmin.f32 v28, v18;
	v32 =	vsub.f32 v38, v37;
	v42 =	vsub.f32 v31, v39  }
0xb0: {  	v26 =	vmax.f32 v26, v22;
	v48 =	vsub.f32 v45, v44;
	v50 =	vsub.f32 v47, v46  }
0xb1: {  	v31 =	vmin.f32 v31, v18;
	v62 =	vsub.f32 v59, v58;
	v63 =	vsub.f32 v61, v60  }
0xb2: {  	v25 =	vsub.f32 v27, v25;
	v26 =	vsub.f32 v28, v26;
	v28 =	vmax.f32 v37, v21  }
0xb3: {  	v54 =	vsub.f32 $1.000000000e+00, v52;
	v29 =	vmax.f32 v29, $0.0e+00;
	v36 =	vmax.f32 v30, $0.0e+00  }
0xb4: {  	v41 =	vmax.f32 v32, $0.0e+00;
	v30 =	vmin.f32 v38, v19;
	v32 =	vmax.f32 v42, $0.0e+00  }
0xb5: {  	v49 =	vmax.f32 v48, $0.0e+00;
	v42 =	vperm.xlane v21, v7;
	v27 =	vmul.f32 v36, v29  }
0xb6: {  	v25 =	vmax.f32 v25, $0.0e+00;
	v26 =	vmax.f32 v26, $0.0e+00;
	v29 =	vmax.f32 v39, v22  }
0xb7: {  	v28 =	vsub.f32 v30, v28;
	v30 =	vmax.f32 v46, v22;
	v25 =	vmul.f32 v26, v25  }
0xb8: {  	v29 =	vsub.f32 v31, v29;
	v31 =	vmin.f32 v47, v18;
	v40 =	vadd.f32 v27, v23  }
0xb9: {  	v27 =	vmul.f32 v32, v41;
	v28 =	vmax.f32 v28, $0.0e+00;
	v32 =	vmax.f32 v50, $0.0e+00  }
0xba: {  	v51 =	vsub.f32 v31, v30;
	v30 =	vmin.f32 v61, v18;
	v26 =	vsub.f32 v40, v25  }
0xbb: {  	v50 =	vperm.xlane v19, v8;
	v61 =	vperm.xlane v19, v9;
	v29 =	vmax.f32 v29, $0.0e+00  }
0xbc: {  	v28 =	vmul.f32 v29, v28;
	v27 =	vadd.f32 v27, v23;
	v26 =	vmax.f32 v26, $9.999999710e-10  }
0xbd: {  	v31 =	vmax.f32 v62, $0.0e+00;
	v62 =	vperm.xlane v22, v9;
	(erf) = vrcp.f32 v26  }
0xbe: {  	v29 =	vmin.f32 v45, v19;
	v43 =	vsub.f32 v27, v28;
	v27 =	vmax.f32 v44, v21  }
0xbf: {  	v45 =	vperm.xlane v18, v7;
	v44 =	vperm.xlane v19, v7;
	v27 =	vsub.f32 v29, v27  }
0xc0: {  	v29 =	vmax.f32 v51, $0.0e+00;
	v51 =	vperm.xlane v22, v8;
	v26 =	vmax.f32 v43, $9.999999710e-10  }
0xc1: {  	v43 =	vperm.xlane v22, v7;
	v46 =	vsub.f32 v44, v42;
	(erf) = vrcp.f32 v26  }
0xc2: {  	v26 =	vmul.f32 v32, v49;
	v27 =	vmax.f32 v27, $0.0e+00;
	v49 =	vperm.xlane v21, v8  }
0xc3: {  	v32 =	vmax.f32 v63, $0.0e+00;
	v63 =	vperm.xlane v18, v9;
	v27 =	vmul.f32 v29, v27  }
0xc4: {  	v29 =	vmax.f32 v60, v22;
	v36 =	vmul.f32 v32, v31;
	v47 =	vsub.f32 v45, v43  }
0xc5: {  	v31 =	vmin.f32 v45, v18;
	v32 =	vmin.f32 v50, v19;
	v26 =	vadd.f32 v26, v23  }
0xc6: {  	v60 =	vperm.xlane v21, v9;
	v34 =	vsub.f32 v30, v29;
	v30 =	vmin.f32 v44, v19;
	v53 =	vpop (erf)  }
0xc7: {  	v29 =	vmax.f32 v43, v22;
	v26 =	vsub.f32 v26, v27;
	v25 =	vmul.f32 v53, v25  }
0xc8: {  	v38 =	vadd.f32 v36, v23;
	v29 =	vsub.f32 v31, v29;
	v48 =	vmax.f32 v47, $0.0e+00  }
0xc9: {  	v31 =	vmax.f32 v49, v21;
	v26 =	vmax.f32 v26, $9.999999710e-10;
	vm0 =	vgt.f32 v25, $5.000000000e-01  }
0xca: {  	v36 =	vsub.f32 v61, v60;
	v56 =	vpop (erf);
	(erf) = vrcp.f32 v26;
	vm0 =	vmand vm0, vm1  }
0xcb: {  	v37 =	vmax.f32 v34, $0.0e+00;
	v34 =	vsub.f32 v50, v49;
	v25 =	vnsel vm0, $0x3F800000, v54  }
0xcc: {  	v31 =	vsub.f32 v32, v31;
	v55 =	vmul.f32 v25, v24;
	v25 =	vmul.f32 v56, v28  }
0xcd: {  	v32 =	vmin.f32 v63, v18;
	v49 =	vperm.xlane v19, v10;
	v50 =	vperm.xlane v22, v10  }
0xce: {  	v28 =	vmin.f32 v59, v19;
	vm0 =	vgt.f32 v25, $5.000000000e-01;
	v25 =	vmax.f32 v58, v21  }
0xcf: {  	v29 =	vmax.f32 v29, $0.0e+00;
	v57 =	vperm.xlane v55, v4;
	v25 =	vsub.f32 v28, v25  }
0xd0: {  	v53 =	vmax.f32 v34, $0.0e+00;
	v54 =	vsub.f32 v33, v51;
	v33 =	vmin.f32 v33, v18  }
0xd1: {  	v28 =	vmax.f32 v42, v21;
	v26 =	vsub.f32 $1.000000000e+00, v57;
	v25 =	vmax.f32 v25, $0.0e+00  }
0xd2: {  	vm0 =	vmand vm0, vm2;
	v28 =	vsub.f32 v30, v28;
	v25 =	vmul.f32 v37, v25  }
0xd3: {  	v30 =	vmax.f32 v51, v22;
	v57 =	vmax.f32 v31, $0.0e+00;
	v35 =	vpop (erf);
	v26 =	vnsel vm0, $0x3F800000, v26  }
0xd4: {  	v24 =	vmul.f32 v26, v55;
	v26 =	vmul.f32 v35, v27;
	v40 =	vsub.f32 v38, v25  }
0xd5: {  	v31 =	vmax.f32 v62, v22;
	v51 =	vperm.xlane v18, v10;
	v30 =	vsub.f32 v33, v30  }
0xd6: {  	v28 =	vmax.f32 v28, $0.0e+00;
	vm0 =	vgt.f32 v26, $5.000000000e-01;
	v26 =	vmax.f32 v40, $9.999999710e-10  }
0xd7: {  	v37 =	vmax.f32 v36, $0.0e+00;
	(erf) = vrcp.f32 v26;
	v26 =	vmax.f32 v46, $0.0e+00  }
0xd8: {  	v52 =	vmul.f32 v29, v28;
	v29 =	vmax.f32 v54, $0.0e+00;
	v26 =	vmul.f32 v48, v26  }
0xd9: {  	v36 =	vperm.xlane v19, v11;
	v30 =	vmax.f32 v30, $0.0e+00;
	v28 =	vmul.f32 v29, v53  }
0xda: {  	v38 =	vsub.f32 v63, v62;
	v39 =	vperm.xlane v24, v5;
	v26 =	vadd.f32 v26, v23  }
0xdb: {  	v29 =	vmul.f32 v30, v57;
	v53 =	vsub.f32 v51, v50;
	v28 =	vadd.f32 v28, v23  }
0xdc: {  	v30 =	vmin.f32 v61, v19;
	v41 =	vsub.f32 $1.000000000e+00, v39;
	v26 =	vsub.f32 v26, v52  }
0xdd: {  	v62 =	vperm.xlane v21, v11;
	v63 =	vperm.xlane v22, v11;
	vm0 =	vmand vm0, vm15  }
0xde: {  	v59 =	vsub.f32 v28, v29;
	v27 =	vnsel vm0, $0x3F800000, v41;
	v26 =	vmax.f32 v26, $9.999999710e-10  }
0xdf: {  	v28 =	vmax.f32 v60, v21;
	v24 =	vmul.f32 v27, v24;
	(erf) = vrcp.f32 v26  }
0xe0: {  	v39 =	vsub.f32 v32, v31;
	v48 =	vperm.xlane v21, v10;
	v28 =	vsub.f32 v30, v28;
	v56 =	vpop (erf)  }
0xe1: {  	v32 =	vmax.f32 v53, $0.0e+00;
	v55 =	vperm.xlane v24, v6;
	v25 =	vmul.f32 v56, v25  }
0xe2: {  	v44 =	vmax.f32 v39, $0.0e+00;
	v30 =	vmin.f32 v51, v18;
	v43 =	vmax.f32 v28, $0.0e+00  }
0xe3: {  	v27 =	vmul.f32 v44, v43;
	v58 =	vsub.f32 $1.000000000e+00, v55;
	vm0 =	vgt.f32 v25, $5.000000000e-01  }
0xe4: {  	v44 =	vperm.xlane v18, v12;
	v26 =	vmax.f32 v59, $9.999999710e-10;
	vm0 =	vmand vm0, vm3  }
0xe5: {  	(erf) = vrcp.f32 v26;
	v26 =	vmax.f32 v38, $0.0e+00;
	v25 =	vnsel vm0, $0x3F800000, v58  }
0xe6: {  	v28 =	vmin.f32 v49, v19;
	v24 =	vmul.f32 v25, v24;
	v25 =	vmul.f32 v26, v37  }
0xe7: {  	v43 =	vperm.xlane v22, v12;
	v33 =	vmin.f32 v44, v18;
	v37 =	vperm.xlane v18, v11  }
0xe8: {  	v38 =	vsub.f32 v36, v62;
	v40 =	vperm.xlane v24, v7;
	v41 =	vpop (erf);
	v25 =	vadd.f32 v25, v23  }
0xe9: {  	v39 =	vsub.f32 v37, v63;
	v42 =	vmul.f32 v41, v52;
	v52 =	vsub.f32 v49, v48  }
0xea: {  	v41 =	vperm.xlane v21, v12;
	v45 =	vsub.f32 $1.000000000e+00, v40;
	v25 =	vsub.f32 v25, v27  }
0xeb: {  	v40 =	vmax.f32 v39, $0.0e+00;
	v39 =	vperm.xlane v21, v14;
	vm0 =	vgt.f32 v42, $5.000000000e-01  }
0xec: {  	v31 =	vmax.f32 v52, $0.0e+00;
	v42 =	vperm.xlane v19, v12;
	vm0 =	vmand vm0, vm4  }
0xed: {  	v25 =	vmax.f32 v25, $9.999999710e-10;
	v56 =	vmul.f32 v32, v31;
	v31 =	vmin.f32 v37, v18  }
0xee: {  	v46 =	vpop (erf);
	v26 =	vnsel vm0, $0x3F800000, v45;
	(erf) = vrcp.f32 v25;
	v45 =	vsub.f32 v42, v41  }
0xef: {  	v32 =	vmin.f32 v42, v19;
	v42 =	vperm.xlane v22, v14;
	v24 =	vmul.f32 v26, v24  }
0xf0: {  	v26 =	vmul.f32 v46, v29;
	v29 =	vmax.f32 v50, v22;
	v58 =	vadd.f32 v56, v23  }
0xf1: {  	v56 =	vperm.xlane v22, v13;
	v54 =	vsub.f32 v30, v29;
	v30 =	vmin.f32 v36, v19  }
0xf2: {  	v29 =	vmax.f32 v63, v22;
	v47 =	vperm.xlane v24, v8;
	vm0 =	vgt.f32 v26, $5.000000000e-01  }
0xf3: {  	v26 =	vmax.f32 v48, v21;
	v29 =	vsub.f32 v31, v29;
	v48 =	vsub.f32 v44, v43  }
0xf4: {  	v31 =	vmax.f32 v41, v21;
	vm0 =	vmand vm0, vm5;
	v26 =	vsub.f32 v28, v26  }
0xf5: {  	v57 =	vmax.f32 v54, $0.0e+00;
	v28 =	vmax.f32 v62, v21;
	v31 =	vsub.f32 v32, v31  }
0xf6: {  	v54 =	vperm.xlane v21, v13;
	v25 =	vsub.f32 $1.000000000e+00, v47;
	v28 =	vsub.f32 v30, v28  }
0xf7: {  	v29 =	vmax.f32 v29, $0.0e+00;
	v47 =	vmax.f32 v45, $0.0e+00;
	v30 =	vmax.f32 v43, v22  }
0xf8: {  	v43 =	vperm.xlane v18, v14;
	v26 =	vmax.f32 v26, $0.0e+00;
	v30 =	vsub.f32 v33, v30  }
0xf9: {  	v51 =	vmax.f32 v31, $0.0e+00;
	v31 =	vmax.f32 v56, v22;
	v25 =	vnsel vm0, $0x3F800000, v25  }
0xfa: {  	v26 =	vmul.f32 v57, v26;
	v28 =	vmax.f32 v28, $0.0e+00;
	v57 =	vperm.xlane v18, v13  }
0xfb: {  	v24 =	vmul.f32 v25, v24;
	v46 =	vmul.f32 v29, v28;
	v29 =	vmax.f32 v48, $0.0e+00;
	v55 =	vpop (erf)  }
0xfc: {  	v30 =	vmax.f32 v30, $0.0e+00;
	v60 =	vsub.f32 v58, v26;
	v25 =	vmul.f32 v55, v27  }
0xfd: {  	v28 =	vmul.f32 v29, v47;
	v29 =	vmul.f32 v30, v51;
	v32 =	vmin.f32 v57, v18  }
0xfe: {  	v59 =	vperm.xlane v24, v9;
	vm0 =	vgt.f32 v25, $5.000000000e-01;
	v25 =	vmax.f32 v60, $9.999999710e-10  }
0xff: {  	v55 =	vperm.xlane v19, v13;
	(erf) = vrcp.f32 v25;
	v25 =	vmax.f32 v38, $0.0e+00  }
0x100: {  	v47 =	vsub.f32 v43, v42;
	v28 =	vadd.f32 v28, v23;
	v25 =	vmul.f32 v40, v25  }
0x101: {  	v51 =	vperm.xlane v22, v15;
	v61 =	vsub.f32 $1.000000000e+00, v59;
	v58 =	vsub.f32 v55, v54  }
0x102: {  	v60 =	vsub.f32 v57, v56;
	v30 =	vmin.f32 v55, v19;
	v25 =	vadd.f32 v25, v23  }
0x103: {  	vm0 =	vmand vm0, vm6;
	v53 =	vsub.f32 v28, v29;
	v28 =	vmax.f32 v54, v21  }
0x104: {  	v54 =	vperm.xlane v18, v15;
	v27 =	vnsel vm0, $0x3F800000, v61;
	v25 =	vsub.f32 v25, v46  }
0x105: {  	v59 =	vmax.f32 v58, $0.0e+00;
	v28 =	vsub.f32 v30, v28;
	v61 =	vsub.f32 v32, v31  }
0x106: {  	v40 =	vperm.xlane v19, v14;
	v30 =	vmax.f32 v39, v21;
	v25 =	vmax.f32 v25, $9.999999710e-10  }
0x107: {  	v32 =	vmax.f32 v47, $0.0e+00;
	v24 =	vmul.f32 v27, v24;
	(erf) = vrcp.f32 v25  }
0x108: {  	v56 =	vsub.f32 v54, v51;
	v35 =	vmax.f32 v28, $0.0e+00;
	v36 =	vmax.f32 v61, $0.0e+00;
	v50 =	vpop (erf)  }
0x109: {  	v44 =	vsub.f32 v40, v39;
	v49 =	vperm.xlane v24, v10;
	v26 =	vmul.f32 v50, v26  }
0x10a: {  	v31 =	vmin.f32 v40, v19;
	v28 =	vmax.f32 v42, v22;
	v61 =	vperm.xlane v21, v16  }
0x10b: {  	v52 =	vsub.f32 $1.000000000e+00, v49;
	vm0 =	vgt.f32 v26, $5.000000000e-01;
	v26 =	vmax.f32 v53, $9.999999710e-10  }
0x10c: {  	v42 =	vperm.xlane v21, v17;
	vm0 =	vmand vm0, vm7;
	(erf) = vrcp.f32 v26  }
0x10d: {  	v27 =	vmul.f32 v36, v35;
	v30 =	vsub.f32 v31, v30;
	v25 =	vnsel vm0, $0x3F800000, v52  }
0x10e: {  	v50 =	vperm.xlane v21, v15;
	v26 =	vmax.f32 v60, $0.0e+00;
	v24 =	vmul.f32 v25, v24  }
0x10f: {  	v58 =	vmax.f32 v56, $0.0e+00;
	v53 =	vperm.xlane v19, v15;
	v25 =	vmul.f32 v26, v59  }
0x110: {  	v36 =	vperm.xlane v18, v16;
	v49 =	vmax.f32 v30, $0.0e+00;
	v62 =	vperm.xlane v24, v11;
	v63 =	vpop (erf)  }
0x111: {  	v55 =	vsub.f32 v53, v50;
	v25 =	vadd.f32 v25, v23;
	v34 =	vmul.f32 v63, v46  }
0x112: {  	v31 =	vmin.f32 v53, v19;
	v46 =	vmax.f32 v44, $0.0e+00;
	v37 =	vsub.f32 $1.000000000e+00, v62  }
0x113: {  	v25 =	vsub.f32 v25, v27;
	v62 =	vperm.xlane v22, v16;
	vm0 =	vgt.f32 v34, $5.000000000e-01  }
0x114: {  	v63 =	vperm.xlane v19, v16;
	v44 =	vperm.xlane v22, v17;
	vm0 =	vmand vm0, vm8  }
0x115: {  	v25 =	vmax.f32 v25, $9.999999710e-10;
	v30 =	vmax.f32 v62, v22;
	v26 =	vnsel vm0, $0x3F800000, v37;
	v38 =	vpop (erf)  }
0x116: {  	(erf) = vrcp.f32 v25;
	v41 =	vmul.f32 v38, v29;
	v29 =	vmin.f32 v43, v18  }
0x117: {  	v25 =	vmul.f32 v32, v46;
	v24 =	vmul.f32 v26, v24;
	v28 =	vsub.f32 v29, v28  }
0x118: {  	v32 =	vmin.f32 v54, v18;
	v37 =	vsub.f32 v63, v61;
	v38 =	vsub.f32 v36, v62  }
0x119: {  	v43 =	vperm.xlane v19, v17;
	v45 =	vperm.xlane v24, v12;
	v28 =	vmax.f32 v28, $0.0e+00  }
0x11a: {  	v25 =	vadd.f32 v25, v23;
	v29 =	vmax.f32 v51, v22;
	v28 =	vmul.f32 v28, v49  }
0x11b: {  	v40 =	vmax.f32 v37, $0.0e+00;
	vm0 =	vgt.f32 v41, $5.000000000e-01;
	v48 =	vsub.f32 $1.000000000e+00, v45  }
0x11c: {  	v29 =	vsub.f32 v32, v29;
	vm0 =	vmand vm0, vm9;
	v25 =	vsub.f32 v25, v28  }
0x11d: {  	v32 =	vmin.f32 v36, v18;
	v41 =	vmax.f32 v38, $0.0e+00;
	v26 =	vnsel vm0, $0x3F800000, v48  }
0x11e: {  	v24 =	vmul.f32 v26, v24;
	v26 =	vmax.f32 v50, v21;
	v25 =	vmax.f32 v25, $9.999999710e-10  }
0x11f: {  	v52 =	vpop (erf);
	v26 =	vsub.f32 v31, v26;
	(erf) = vrcp.f32 v25;
	v25 =	vmax.f32 v55, $0.0e+00  }
0x120: {  	v46 =	vsub.f32 v43, v42;
	v30 =	vsub.f32 v32, v30;
	v25 =	vmul.f32 v58, v25  }
0x121: {  	v59 =	vmax.f32 v29, $0.0e+00;
	v27 =	vmul.f32 v52, v27;
	v26 =	vmax.f32 v26, $0.0e+00  }
0x122: {  	v57 =	vperm.xlane v24, v13;
	v26 =	vmul.f32 v59, v26;
	v25 =	vadd.f32 v25, v23  }
0x123: {  	v45 =	vperm.xlane v18, v17;
	v31 =	vmin.f32 v63, v19;
	vm0 =	vgt.f32 v27, $5.000000000e-01  }
0x124: {  	v60 =	vsub.f32 $1.000000000e+00, v57;
	v27 =	vmax.f32 v61, v21;
	v25 =	vsub.f32 v25, v26  }
0x125: {  	v30 =	vmax.f32 v30, $0.0e+00;
	vm0 =	vmand vm0, vm10;
	v27 =	vsub.f32 v31, v27  }
0x126: {  	v48 =	vsub.f32 v45, v44;
	v29 =	vnsel vm0, $0x3F800000, v60;
	v25 =	vmax.f32 v25, $9.999999710e-10  }
0x127: {  	v27 =	vmax.f32 v27, $0.0e+00;
	(erf) = vrcp.f32 v25;
	v25 =	vmul.f32 v41, v40  }
0x128: {  	v31 =	vmin.f32 v45, v18;
	v24 =	vmul.f32 v29, v24;
	v27 =	vmul.f32 v30, v27;
	v39 =	vpop (erf)  }
0x129: {  	v30 =	vmax.f32 v44, v22;
	v28 =	vmul.f32 v39, v28;
	v25 =	vadd.f32 v25, v23  }
0x12a: {  	v29 =	vmin.f32 v43, v19;
	v47 =	vperm.xlane v24, v14;
	v30 =	vsub.f32 v31, v30  }
0x12b: {  	vm0 =	vgt.f32 v28, $5.000000000e-01;
	v28 =	vmax.f32 v42, v21;
	v25 =	vsub.f32 v25, v27  }
0x12c: {  	v32 =	vmax.f32 v46, $0.0e+00;
	v49 =	vsub.f32 $1.000000000e+00, v47;
	v28 =	vsub.f32 v29, v28  }
0x12d: {  	vm0 =	vmand vm0, vm11;
	v29 =	vmax.f32 v48, $0.0e+00;
	v25 =	vmax.f32 v25, $9.999999710e-10  }
0x12e: {  	v50 =	vnsel vm0, $0x3F800000, v49;
	v29 =	vmul.f32 v29, v32;
	(erf) = vrcp.f32 v25  }
0x12f: {  	v52 =	vmax.f32 v30, $0.0e+00;
	v24 =	vmul.f32 v50, v24;
	v51 =	vmax.f32 v28, $0.0e+00  }
0x130: {  	v25 =	vmul.f32 v52, v51;
	v54 =	vadd.f32 v29, v23;
	v53 =	vpop (erf)  }
0x131: {  	v55 =	vperm.xlane v24, v15;
	v26 =	vmul.f32 v53, v26  }
0x132: {  	v28 =	vsub.f32 v54, v25  }
0x133: {  	v56 =	vsub.f32 $1.000000000e+00, v55;
	vm0 =	vgt.f32 v26, $5.000000000e-01  }
0x134: {  	v28 =	vmax.f32 v28, $9.999999710e-10;
	vm0 =	vmand vm0, vm12  }
0x135: {  	(erf) = vrcp.f32 v28;
	v26 =	vnsel vm0, $0x3F800000, v56  }
0x136: {  	v24 =	vmul.f32 v26, v24  }
0x137: {  	v57 =	vpop (erf)  }
0x138: {  	v58 =	vperm.xlane v24, v16;
	v26 =	vmul.f32 v57, v27;
	_ =	sdelay $0x1  }
0x139: {  	vm0 =	vgt.f32 v26, $5.000000000e-01;
	v59 =	vsub.f32 $1.000000000e+00, v58  }
0x13a: {  	vm0 =	vmand vm0, vm13  }
0x13b: {  	v26 =	vnsel vm0, $0x3F800000, v59  }
0x13c: {  	v24 =	vmul.f32 v26, v24  }
0x13d: {  	v60 =	vpop (erf)  }
0x13e: {  	v25 =	vmul.f32 v60, v25;
	v61 =	vperm.xlane v24, v17;
	_ =	sdelay $0x1  }
0x13f: {  	vm0 =	vgt.f32 v25, $5.000000000e-01;
	v62 =	vsub.f32 $1.000000000e+00, v61  }
0x140: {  	vm0 =	vmand vm0, vm14  }
0x141: {  	v25 =	vnsel vm0, $0x3F800000, v62  }
0x142: {  	v24 =	vmul.f32 v25, v24;
	_ =	sdelay $0x1  }
0x143: {  	(xrf2) =	vadd.scan.msk.f32 $0xffff, v24;
	_ =	sdelay $0x9  }
0x144: {  	v63, _, _ =	vpop (xrf2)  }
0x145: {  	(v2sf) =	vpush v63, $0xF;
	_ =	sdelay $0x6  }
0x146: {  	s0 =	scvt.s32.f32 s26;
	_ =	sdelay $0x1  }
0x147: {  	v25 =	vadd.f32 s0, v63;
	_ =	sdelay $0x1  }
0x148: {  	v25 =	vadd.f32 $-1.000000000e+00, v25  }
0x149: {  	vm0 =	vgt.f32 v24, $0.0e+00  }
0x14a: {  	v25 =	vnsel vm0, $0x0, v25  }
0x14b: {  	v25 =	vtrunc.f32 v25  }
0x14c: {  	v25 =	vcvt.f32.s32 v25;
	s31 =	spop (v2sf)  }
0x14d: {  	s0 =	scvt.f32.s32 s31;
	_ =	sdelay $0x1  }
0x14e: {  	p0 =	sgt.u32 s28, $0x13E;
	s26 =	sadd.s32 s0, s26  }
0x14f: {  	p1 =	slt.s32 @!p0 s26, $0x64  }
0x150: {  	[tilespmem:v20+s23+$0x0] =	vst.idx.msk $0xffff, v24;
	p0 =	por p0, !p1  }
.Ltmp2:
0x151: {  	[tilespmem:v25+s18+$0x0] =	vst.idx.msk vm0, v21;
	(pc) =	sbr.rel @p0 .LBB2_11-.Ltmp2, $4  }
0x152: {  	[tilespmem:v25+s19+$0x0] =	vst.idx.msk vm0, v22  }
0x153: {  	[tilespmem:v25+s20+$0x0] =	vst.idx.msk vm0, v19  }
0x154: {  	[tilespmem:v25+s21+$0x0] =	vst.idx.msk vm0, v18  }
0x155: {  	s28 =	sadd.s32 $0x1, s28;
	s30 =	sadd.s32 $0x1, s29;
	[tilespmem:v25+s22+$0x0] =	vst.idx.msk vm0, v23  }
.LBB2_3:
0x156: {  	s1 =	sshll.u32 s28, $0x4  }
0x157: {  	v20 =	vor.u32 s1, v1;
	_ =	sdelay $0x4  }
0x158: {  	v23 =	vld.idx.msk [tilespmem:v20+s15+$0x0], $0xffff;
	_ =	sdelay $0x7  }
0x159: {  	s0 =	sadd.s32 $0x3, s26;
	v21 =	vld.idx.msk [tilespmem:v23+s16+$0x0], $0xffff  }
0x15a: {  	s29 =	sand.u32 $0x3, s0;
	v22 =	vld.idx.msk [tilespmem:v23+s11+$0x0], $0xffff  }
0x15b: {  	p1 =	slt.s32 s26, $0xFFFFFFFE;
	p0 =	sne.s32 s29, $0x0;
	s29 =	sshra.s32 s0, $0x1F;
	v19 =	vld.idx.msk [tilespmem:v23+s12+$0x0], $0xffff  }
0x15c: {  	s29 =	sshrl.u32 s29, $0x1E;
	p0 =	por !p1, !p0;
	v18 =	vld.idx.msk [tilespmem:v23+s13+$0x0], $0xffff  }
0x15d: {  	s1 =	sadd.s32 s29, s0;
	p0 =	por !p0, !p0;
	s29 =	simm.s32 $0x1  }
0x15e: {  	s1 =	sshra.s32 s1, $0x2;
	s29 =	simm.s32 @!p0 $0x0;
	v23 =	vld.idx.msk [tilespmem:v23+s14+$0x0], $0xffff  }
0x15f: {  	s1 =	ssub.s32 s1, s29  }
0x160: {  	p0 =	slt.s32 s1, $0x1  }
.Ltmp3:
0x161: {  	v24 =	vsub.f32 v19, v21;
	v25 =	vsub.f32 v18, v22;
	(pc) =	sbr.rel @p0 .LBB2_10-.Ltmp3, $4  }
0x162: {  	vm15 =	vlt.u32 v20, $0x1388  }
0x163: {  	vm0 =	vgt.f32 v23, $5.000000070e-02;
	v23 =	vmax.f32 v24, $0.0e+00;
	v24 =	vmax.f32 v25, $0.0e+00  }
0x164: {  	vm0 =	vmand vm15, vm0;
	v23 =	vmul.f32 v24, v23  }
0x165: {  	s31 =	simm.s32 $0x3;
	s29 =	smov.u32 s30;
	v24 =	vsel vm0, $0x3F800000, v0  }
0x166: {  	s30 =	sadd.s32 $0xFFFFFFFD, s31  }
0x167: {  	s0 =	sadd.s32 $0xFFFFFFFE, s31;
	v25 =	vmov s30  }
0x168: {  	v26 =	vmov s0;
	v25 =	vand.u32 $0xFFFFFFFC, v25  }
0x169: {  	v27 =	vand.u32 $0xFFFFFFFD, v26;
	v26 =	vbroadcast v25, $0x0  }
0x16a: {  	v27 =	vbroadcast v27, $0x0  }
0x16b: {  	s0 =	sadd.s32 $0xFFFFFFFF, s31  }
0x16c: {  	v25 =	vmov s0  }
0x16d: {  	v25 =	vand.u32 $0xFFFFFFFE, v25  }
0x16e: {  	v25 =	vbroadcast v25, $0x0  }
0x16f: {  	v29 =	vld.idx.msk [tilespmem:v26+s22+$0x0], $0xffff  }
0x170: {  	v28 =	vld.idx.msk [tilespmem:v27+s22+$0x0], $0xffff  }
0x171: {  	v31 =	vld.idx.msk [tilespmem:v27+s19+$0x0], $0xffff  }
0x172: {  	v41 =	vld.idx.msk [tilespmem:v27+s18+$0x0], $0xffff  }
0x173: {  	v45 =	vld.idx.msk [tilespmem:v27+s20+$0x0], $0xffff  }
0x174: {  	v33 =	vld.idx.msk [tilespmem:v25+s22+$0x0], $0xffff  }
0x175: {  	v34 =	vld.idx.msk [tilespmem:v25+s21+$0x0], $0xffff  }
0x176: {  	v35 =	vld.idx.msk [tilespmem:v25+s18+$0x0], $0xffff  }
0x177: {  	v37 =	vld.idx.msk [tilespmem:v25+s19+$0x0], $0xffff  }
0x178: {  	v32 =	vmov s31;
	p1 =	sne.s32 s1, $0x1;
	v25 =	vld.idx.msk [tilespmem:v25+s20+$0x0], $0xffff  }
.Ltmp4:
0x179: {  	v30 =	vld.idx.msk [tilespmem:v26+s20+$0x0], $0xffff;
	(pc) =	sbr.rel @!p1 .LBB2_5-.Ltmp4, $4  }
0x17a: {  	v40 =	vld.idx.msk [tilespmem:v26+s19+$0x0], $0xffff;
	v28 =	vadd.f32 v28, v23  }
0x17b: {  	v38 =	vld.idx.msk [tilespmem:v26+s21+$0x0], $0xffff;
	v36 =	vmax.f32 v31, v22;
	v43 =	vmax.f32 v41, v21;
	v46 =	vmin.f32 v45, v19  }
0x17c: {  	v42 =	vld.idx.msk [tilespmem:v27+s21+$0x0], $0xffff;
	v31 =	vmin.f32 v34, v18;
	v63 =	vmax.f32 v37, v22;
	v39 =	vmax.f32 v35, v21  }
0x17d: {  	p0 =	por $0x0, $0x0;
	s30 =	sadd.s32 $0xFFFFFFFF, s1;
	s31 =	sadd.s32 $0x4, s31;
	v34 =	vadd.f32 v33, v23;
	v45 =	vmin.f32 v25, v19;
	v25 =	vld.idx.msk [tilespmem:v32+s22+$0x0], $0xffff;
	v44 =	vsub.f32 v31, v63  }
0x17e: {  	_ =	sdelay $0x1  }
0x17f: {  	s0 =	sadd.s32 $0xFFFFFFFD, s31;
	v35 =	vadd.f32 v29, v23  }
0x180: {  	s1 =	sadd.s32 $0xFFFFFFFE, s31;
	v39 =	vsub.f32 v45, v39;
	v30 =	vmin.f32 v30, v19;
	v27 =	vmov s0  }
0x181: {  	v33 =	vld.idx.msk [tilespmem:v26+s18+$0x0], $0xffff;
	v31 =	vmov s1;
	s1 =	sadd.s32 $0xFFFFFFFF, s31;
	v59 =	vmax.f32 v44, $0.0e+00;
	v26 =	vand.u32 $0xFFFFFFFC, v27  }
0x182: {  	v27 =	vand.u32 $0xFFFFFFFD, v31;
	v29 =	vmov s1;
	v26 =	vbroadcast v26, $0x0  }
0x183: {  	v31 =	vsub.f32 v46, v43;
	v37 =	vbroadcast v27, $0x0;
	v27 =	vmin.f32 v42, v18  }
0x184: {  	v41 =	vld.idx.msk [tilespmem:v32+s20+$0x0], $0xffff;
	v38 =	vmin.f32 v38, v18;
	v29 =	vand.u32 $0xFFFFFFFE, v29;
	v27 =	vsub.f32 v27, v36  }
0x185: {  	v60 =	vld.idx.msk [tilespmem:v32+s19+$0x0], $0xffff;
	v39 =	vmax.f32 v39, $0.0e+00;
	v61 =	vbroadcast v29, $0x0;
	v29 =	vmax.f32 v40, v22  }
0x186: {  	v62 =	vld.idx.msk [tilespmem:v32+s21+$0x0], $0xffff;
	v31 =	vmax.f32 v31, $0.0e+00;
	v33 =	vmax.f32 v33, v21;
	v27 =	vmax.f32 v27, $0.0e+00  }
0x187: {  	v63 =	vld.idx.msk [tilespmem:v32+s18+$0x0], $0xffff;
	v30 =	vsub.f32 v30, v33;
	v48 =	vmul.f32 v27, v31;
	v31 =	vsub.f32 v38, v29  }
0x188: {  	v27 =	vmul.f32 v59, v39;
	v29 =	vld.idx.msk [tilespmem:v26+s22+$0x0], $0xffff  }
0x189: {  	v30 =	vmax.f32 v30, $0.0e+00;
	v52 =	vld.idx.msk [tilespmem:v37+s22+$0x0], $0xffff;
	v28 =	vsub.f32 v28, v48;
	v31 =	vmax.f32 v31, $0.0e+00  }
0x18a: {  	v53 =	vld.idx.msk [tilespmem:v37+s19+$0x0], $0xffff;
	v34 =	vsub.f32 v34, v27;
	v31 =	vmul.f32 v31, v30  }
0x18b: {  	v58 =	vld.idx.msk [tilespmem:v37+s18+$0x0], $0xffff;
	v28 =	vmax.f32 v28, $9.999999710e-10  }
0x18c: {  	v54 =	vld.idx.msk [tilespmem:v61+s22+$0x0], $0xffff;
	v34 =	vmax.f32 v34, $9.999999710e-10;
	(erf) = vrcp.f32 v28;
	v35 =	vsub.f32 v35, v31  }
0x18d: {  	v55 =	vld.idx.msk [tilespmem:v61+s21+$0x0], $0xffff;
	(erf) = vrcp.f32 v34  }
0x18e: {  	v56 =	vld.idx.msk [tilespmem:v61+s18+$0x0], $0xffff;
	v35 =	vmax.f32 v35, $9.999999710e-10  }
0x18f: {  	v32 =	vmax.f32 v63, v21;
	v30 =	vmin.f32 v41, v19;
	v57 =	vld.idx.msk [tilespmem:v61+s19+$0x0], $0xffff;
	(erf) = vrcp.f32 v35  }
0x190: {  	v40 =	vmin.f32 v62, v18;
	v49 =	vld.idx.msk [tilespmem:v61+s20+$0x0], $0xffff;
	v59 =	vsub.f32 v30, v32;
	v30 =	vmax.f32 v60, v22  }
0x191: {  	p1 =	sne.s32 s30, $0x1;
	v47 =	vadd.f32 v25, v23;
	v60 =	vld.idx.msk [tilespmem:v37+s20+$0x0], $0xffff;
	v32 =	vmov s31;
	v42 =	vsub.f32 v40, v30  }
.Ltmp5:
0x192: {  	v38 =	vld.idx.msk [tilespmem:v26+s21+$0x0], $0xffff;
	v61 =	vmax.f32 v59, $0.0e+00;
	v28 =	vadd.f32 v52, v23;
	v36 =	vmax.f32 v53, v22;
	(pc) =	sbr.rel @!p1 .LBB2_7-.Ltmp5, $4  }
0x193: {  	v40 =	vld.idx.msk [tilespmem:v26+s19+$0x0], $0xffff;
	v42 =	vmax.f32 v42, $0.0e+00;
	v43 =	vmax.f32 v58, v21;
	v62 =	vmin.f32 v55, v18  }
0x194: {  	v30 =	vld.idx.msk [tilespmem:v26+s20+$0x0], $0xffff;
	v34 =	vmax.f32 v57, v22;
	v39 =	vmax.f32 v56, v21;
	v33 =	vmul.f32 v42, v61  }
0x195: {  	v42 =	vld.idx.msk [tilespmem:v37+s21+$0x0], $0xffff;
	v45 =	vmin.f32 v49, v19;
	v44 =	vsub.f32 v62, v34;
	v34 =	vadd.f32 v54, v23;
	v63 =	vpop (erf)  }
0x196: {  	s30 =	sadd.s32 $0xFFFFFFFF, s30;
	p0 =	por $0x1, $0x1;
	s31 =	sadd.s32 $0x4, s31;
	v46 =	vmin.f32 v60, v19;
	v25 =	vld.idx.msk [tilespmem:v32+s22+$0x0], $0xffff;
	v35 =	vmov v24;
	v37 =	vpop (erf);
	v41 =	vmul.f32 v63, v48  }
.LBB2_8:
0x197: {  	s0 =	sadd.s32 $0xFFFFFFFD, s31;
	s1 =	sadd.s32 $0xFFFFFFFE, s31;
	p1 =	sne.s32 s30, $0x1;
	v48 =	vadd.f32 v29, v23;
	v44 =	vmax.f32 v44, $0.0e+00;
	v29 =	vld.idx.msk [tilespmem:v32+s20+$0x0], $0xffff;
	v47 =	vsub.f32 v47, v33  }
0x198: {  	s30 =	sadd.s32 $0xFFFFFFFF, s30;
	v40 =	vmax.f32 v40, v22;
	v49 =	vmov s0;
	v50 =	vmov s1;
	v51 =	vld.idx.msk [tilespmem:v26+s18+$0x0], $0xffff;
	v52 =	vpop (erf)  }
0x199: {  	s0 =	sadd.s32 $0xFFFFFFFF, s31;
	v26 =	vand.u32 $0xFFFFFFFC, v49;
	v49 =	vand.u32 $0xFFFFFFFD, v50;
	v47 =	vmax.f32 v47, $9.999999710e-10  }
0x19a: {  	v50 =	vmov s0;
	v26 =	vbroadcast v26, $0x0;
	(erf) = vrcp.f32 v47  }
0x19b: {  	v38 =	vmin.f32 v38, v18;
	v43 =	vsub.f32 v46, v43;
	v49 =	vbroadcast v49, $0x0  }
0x19c: {  	v42 =	vmin.f32 v42, v18;
	v39 =	vsub.f32 v45, v39;
	v46 =	vand.u32 $0xFFFFFFFE, v50;
	v45 =	vld.idx.msk [tilespmem:v32+s19+$0x0], $0xffff  }
0x19d: {  	v38 =	vsub.f32 v38, v40;
	v36 =	vsub.f32 v42, v36;
	v46 =	vbroadcast v46, $0x0  }
0x19e: {  	v39 =	vmax.f32 v39, $0.0e+00;
	v47 =	vmin.f32 v29, v19;
	v40 =	vmax.f32 v51, v21;
	v42 =	vld.idx.msk [tilespmem:v32+s21+$0x0], $0xffff  }
0x19f: {  	vm0 =	vgt.f32 v41, $5.000000000e-01;
	v43 =	vmax.f32 v43, $0.0e+00;
	v36 =	vmax.f32 v36, $0.0e+00;
	v32 =	vld.idx.msk [tilespmem:v32+s18+$0x0], $0xffff  }
0x1a0: {  	v30 =	vmin.f32 v30, v19;
	v31 =	vmul.f32 v52, v31;
	v41 =	vmul.f32 v36, v43;
	v29 =	vld.idx.msk [tilespmem:v26+s22+$0x0], $0xffff  }
0x1a1: {  	v37 =	vmul.f32 v37, v27;
	v27 =	vmul.f32 v44, v39;
	v30 =	vsub.f32 v30, v40;
	v36 =	vld.idx.msk [tilespmem:v49+s22+$0x0], $0xffff  }
0x1a2: {  	v38 =	vmax.f32 v38, $0.0e+00;
	v43 =	vsel vm0, $0x0, v2;
	v28 =	vsub.f32 v28, v41;
	v39 =	vld.idx.msk [tilespmem:v49+s19+$0x0], $0xffff  }
0x1a3: {  	vm0 =	vgt.f32 v31, $5.000000000e-01;
	v34 =	vsub.f32 v34, v27;
	v30 =	vmax.f32 v30, $0.0e+00;
	v50 =	vld.idx.msk [tilespmem:v46+s22+$0x0], $0xffff;
	v40 =	vpop (erf)  }
0x1a4: {  	v28 =	vmax.f32 v28, $9.999999710e-10;
	v31 =	vmul.f32 v38, v30;
	v44 =	vld.idx.msk [tilespmem:v46+s21+$0x0], $0xffff;
	v33 =	vmul.f32 v40, v33  }
0x1a5: {  	vm15 =	vgt.f32 v37, $5.000000000e-01;
	v34 =	vmax.f32 v34, $9.999999710e-10;
	v30 =	vld.idx.msk [tilespmem:v26+s20+$0x0], $0xffff;
	(erf) = vrcp.f32 v28  }
0x1a6: {  	v38 =	vsub.f32 v48, v31;
	v40 =	vmin.f32 v42, v18;
	v37 =	vld.idx.msk [tilespmem:v46+s18+$0x0], $0xffff;
	(erf) = vrcp.f32 v34  }
0x1a7: {  	v32 =	vmax.f32 v32, v21;
	v42 =	vsel vm0, $0x0, v2;
	v28 =	vadd.f32 v36, v23;
	v34 =	vld.idx.msk [tilespmem:v46+s19+$0x0], $0xffff  }
0x1a8: {  	v45 =	vmax.f32 v45, v22;
	v38 =	vmax.f32 v38, $9.999999710e-10;
	v32 =	vsub.f32 v47, v32;
	v48 =	vld.idx.msk [tilespmem:v49+s18+$0x0], $0xffff  }
0x1a9: {  	v35 =	vmul.f32 v42, v35;
	v36 =	vmax.f32 v39, v22;
	v51 =	vld.idx.msk [tilespmem:v46+s20+$0x0], $0xffff;
	(erf) = vrcp.f32 v38  }
0x1aa: {  	v45 =	vsub.f32 v40, v45;
	vm0 =	vgt.f32 v33, $5.000000000e-01;
	v42 =	vmax.f32 v32, $0.0e+00;
	v46 =	vld.idx.msk [tilespmem:v49+s20+$0x0], $0xffff  }
0x1ab: {  	v32 =	vmov s31;
	v35 =	vmul.f32 v43, v35;
	v43 =	vsel vm15, $0x0, v2;
	v40 =	vld.idx.msk [tilespmem:v26+s19+$0x0], $0xffff  }
.Ltmp6:
0x1ac: {  	v33 =	vmax.f32 v45, $0.0e+00;
	v39 =	vmax.f32 v37, v21;
	v37 =	vmin.f32 v44, v18;
	v38 =	vld.idx.msk [tilespmem:v26+s21+$0x0], $0xffff;
	(pc) =	sbr.rel @p1 .LBB2_8-.Ltmp6, $4  }
0x1ad: {  	v33 =	vmul.f32 v33, v42;
	v35 =	vmul.f32 v43, v35;
	v34 =	vmax.f32 v34, v22  }
0x1ae: {  	v47 =	vadd.f32 v25, v23;
	v25 =	vsel vm0, $0x0, v2;
	v44 =	vsub.f32 v37, v34;
	v52 =	vpop (erf)  }
0x1af: {  	v35 =	vmul.f32 v25, v35;
	v43 =	vmax.f32 v48, v21;
	v34 =	vadd.f32 v50, v23;
	v42 =	vld.idx.msk [tilespmem:v49+s21+$0x0], $0xffff;
	v37 =	vpop (erf)  }
0x1b0: {  	s31 =	sadd.s32 $0x4, s31;
	v45 =	vmin.f32 v51, v19;
	v46 =	vmin.f32 v46, v19;
	v41 =	vmul.f32 v52, v41;
	v25 =	vld.idx.msk [tilespmem:v32+s22+$0x0], $0xffff  }
.Ltmp7:
0x1b1: {  	_ = 	snop;
	(pc) =	sbr.rel .LBB2_9-.Ltmp7, $1  }
0x1b2: {  	_ =	sdelay $0x3  }
.LBB2_7:
.Ltmp8:
0x1b3: {  	(pc) =	sbr.rel .LBB2_9-.Ltmp8, $2  }
0x1b4: {  	_ =	sdelay $0x2  }
0x1b5: {  	v35 =	vmov v24  }
.LBB2_11:
0x1b6: {  	p1 =	sne.s32 s29, $0x1  }
.Ltmp9:
0x1b7: {  	_ = 	snop;
	(pc) =	sbr.rel @!p1 .LBB2_12-.Ltmp9, $3  }
0x1b8: {  	_ =	sdelay $0x1  }
0x1b9: {  	s26 =	scvt.s32.f32 s26;
	s0 =	simm.s32 $0x0  }
0x1ba: {  	s1 =	simm.f32 $0.0e+00;
	s28 =	sadd.s32 $0xFFFFFFFF, s29;
	p0 =	por $0x0, $0x0;
	v18 =	vor.u32 s0, v1  }
0x1bb: {  	_ =	sdelay $0x3  }
0x1bc: {  	v19 =	vld.idx.msk [tilespmem:v18+s23+$0x0], $0xffff;
	_ =	sdelay $0x4  }
0x1bd: {  	vm0 =	vgt.f32 v19, $0.0e+00  }
0x1be: {  	v19 =	vsel vm0, $0x3F800000, v0  }
0x1bf: {  	(xrf2) =	vadd.scan.msk.f32 $0xffff, v19;
	_ =	sdelay $0x1  }
0x1c0: {  	vm1 =	vlt.s32 v18, $0x1388;
	vm15 =	vmneg vm0  }
0x1c1: {  	vm1 =	vmand vm1, vm15  }
0x1c2: {  	v19 =	vsel vm1, $0x3F800000, v0  }
0x1c3: {  	(xrf2) =	vadd.scan.msk.f32 $0xffff, v19;
	_ =	sdelay $0x4  }
0x1c4: {  	v19, _, _ =	vpop (xrf2)  }
0x1c5: {  	v20 =	vadd.f32 s1, v19  }
0x1c6: {  	v18 =	vld.idx.msk [tilespmem:v18+s15+$0x0], $0xffff  }
0x1c7: {  	v20 =	vadd.f32 $-1.000000000e+00, v20  }
0x1c8: {  	s0 =	sadd.f32 s26, s1  }
0x1c9: {  	(v2sf) =	vpush v19, $0xF;
	v19, _, _ =	vpop (xrf2);
	v21 =	vtrunc.f32 v20  }
0x1ca: {  	v22 =	vadd.f32 s0, v19;
	(v2sf) =	vpush v19, $0xF;
	v19 =	vcvt.f32.s32 v21;
	_ =	sdelay $0x1  }
0x1cb: {  	vm15 =	vlt.f32 v20, $1.000000000e+02;
	v20 =	vadd.f32 $-1.000000000e+00, v22;
	v19 =	vmul.u32 $0x5, v19  }
0x1cc: {  	vm0 =	vmand vm0, vm15  }
0x1cd: {  	v22 =	vld.idx.msk [tilespmem:v18+s16+$0x0], $0xffff;
	v21 =	vtrunc.f32 v20;
	v23 =	vnsel vm0, $0x0, v19  }
0x1ce: {  	v19 =	vcvt.f32.s32 v21;
	v21 =	vld.idx.msk [tilespmem:v18+s11+$0x0], $0xffff;
	v24 =	vadd.s32 $0x1, v23  }
0x1cf: {  	v25 =	vld.idx.msk [tilespmem:v18+s12+$0x0], $0xffff;
	v26 =	vadd.s32 $0x2, v23  }
0x1d0: {  	vm15 =	vlt.f32 v20, $1.000000000e+02;
	v27 =	vadd.s32 $0x3, v23;
	v20 =	vmul.u32 $0x5, v19;
	v19 =	vld.idx.msk [tilespmem:v18+s13+$0x0], $0xffff  }
0x1d1: {  	vm15 =	vmand vm1, vm15;
	v28 =	vadd.s32 $0x4, v23;
	v18 =	vld.idx.msk [tilespmem:v18+s14+$0x0], $0xffff  }
0x1d2: {  	v20 =	vnsel vm15, $0x0, v20;
	[tilespmem:v23+s24+$0x0] =	vst.idx.msk vm0, v22  }
0x1d3: {  	[tilespmem:v24+s24+$0x0] =	vst.idx.msk vm0, v21  }
0x1d4: {  	[tilespmem:v26+s24+$0x0] =	vst.idx.msk vm0, v25  }
0x1d5: {  	v23 =	vadd.s32 $0x1, v20;
	[tilespmem:v27+s24+$0x0] =	vst.idx.msk vm0, v19  }
0x1d6: {  	p1 =	sne.s32 s28, $0x1;
	v63 =	vadd.s32 $0x2, v20;
	[tilespmem:v28+s24+$0x0] =	vst.idx.msk vm0, v18  }
.Ltmp10:
0x1d7: {  	s30 =	simm.s32 $0x10;
	[tilespmem:v20+s24+$0x0] =	vst.idx.msk vm15, v22;
	v20 =	vadd.s32 $0x3, v20;
	(pc) =	sbr.rel @!p1 .LBB2_14-.Ltmp10, $4  }
0x1d8: {  	v18 =	vor.u32 s30, v1  }
0x1d9: {  	s0 =	spop (v2sf)  }
0x1da: {  	s29 =	sadd.f32 s0, s1;
	s0 =	spop (v2sf);
	[tilespmem:v23+s24+$0x0] =	vst.idx.msk vm15, v21  }
0x1db: {  	s31 =	sadd.s32 $0xFFFFFFFF, s28;
	p0 =	por $0x1, $0x1;
	s28 =	sadd.f32 s0, s1;
	[tilespmem:v63+s24+$0x0] =	vst.idx.msk vm15, v25  }
.LBB2_15:
0x1dc: {  	p1 =	sne.s32 s31, $0x1;
	s31 =	sadd.s32 $0xFFFFFFFF, s31;
	[tilespmem:v20+s24+$0x0] =	vst.idx.msk vm15, v19  }
0x1dd: {  	v19 =	vld.idx.msk [tilespmem:v18+s23+$0x0], $0xffff;
	_ =	sdelay $0x5  }
0x1de: {  	vm0 =	vgt.f32 v19, $0.0e+00  }
0x1df: {  	vm15 =	vlt.s32 v18, $0x1388;
	vm1 =	vmneg vm0;
	v19 =	vsel vm0, $0x3F800000, v0  }
0x1e0: {  	vm15 =	vmand vm15, vm1;
	(xrf2) =	vadd.scan.msk.f32 $0xffff, v19  }
0x1e1: {  	v19 =	vsel vm15, $0x3F800000, v0;
	_ =	sdelay $0x1  }
0x1e2: {  	(xrf2) =	vadd.scan.msk.f32 $0xffff, v19;
	_ =	sdelay $0x6  }
0x1e3: {  	v19, _, _ =	vpop (xrf2)  }
0x1e4: {  	v18 =	vld.idx.msk [tilespmem:v18+s15+$0x0], $0xffff;
	v21 =	vadd.f32 s29, v19;
	(v2sf) =	vpush v19, $0xF  }
0x1e5: {  	s0 =	sadd.f32 s26, s28  }
0x1e6: {  	v19 =	vadd.f32 $-1.000000000e+00, v21;
	v20, _, _ =	vpop (xrf2)  }
0x1e7: {  	v21 =	vadd.f32 s0, v20;
	(v2sf) =	vpush v20, $0xF  }
0x1e8: {  	vm1 =	vlt.f32 v19, $1.000000000e+02;
	v19 =	vtrunc.f32 v19  }
0x1e9: {  	v19 =	vcvt.f32.s32 v19;
	v20 =	vadd.f32 $-1.000000000e+00, v21;
	_ =	sdelay $0x1  }
0x1ea: {  	v19 =	vmul.u32 $0x5, v19;
	vm2 =	vlt.f32 v20, $1.000000000e+02;
	v20 =	vtrunc.f32 v20  }
0x1eb: {  	vm0 =	vmand vm0, vm1;
	v21 =	vld.idx.msk [tilespmem:v18+s16+$0x0], $0xffff;
	v20 =	vcvt.f32.s32 v20  }
0x1ec: {  	v22 =	vld.idx.msk [tilespmem:v18+s11+$0x0], $0xffff;
	v23 =	vnsel vm0, $0x0, v19  }
0x1ed: {  	v24 =	vld.idx.msk [tilespmem:v18+s12+$0x0], $0xffff;
	v25 =	vadd.s32 $0x1, v23;
	v20 =	vmul.u32 $0x5, v20  }
0x1ee: {  	v26 =	vadd.s32 $0x2, v23;
	v19 =	vld.idx.msk [tilespmem:v18+s13+$0x0], $0xffff  }
0x1ef: {  	v27 =	vld.idx.msk [tilespmem:v18+s14+$0x0], $0xffff;
	v18 =	vadd.s32 $0x3, v23  }
0x1f0: {  	vm15 =	vmand vm15, vm2;
	v28 =	vadd.s32 $0x4, v23  }
0x1f1: {  	[tilespmem:v23+s24+$0x0] =	vst.idx.msk vm0, v21;
	v23 =	vnsel vm15, $0x0, v20  }
0x1f2: {  	[tilespmem:v25+s24+$0x0] =	vst.idx.msk vm0, v22;
	v25 =	vadd.s32 $0x1, v23;
	s0 =	spop (v2sf)  }
0x1f3: {  	[tilespmem:v26+s24+$0x0] =	vst.idx.msk vm0, v24;
	v26 =	vadd.s32 $0x2, v23;
	s29 =	sadd.f32 s0, s29  }
.Ltmp11:
0x1f4: {  	s30 =	sadd.s32 $0x10, s30;
	v20 =	vadd.s32 $0x3, v23;
	[tilespmem:v18+s24+$0x0] =	vst.idx.msk vm0, v19;
	(pc) =	sbr.rel @p1 .LBB2_15-.Ltmp11, $4  }
0x1f5: {  	v18 =	vor.u32 s30, v1;
	[tilespmem:v28+s24+$0x0] =	vst.idx.msk vm0, v27;
	s0 =	spop (v2sf)  }
0x1f6: {  	[tilespmem:v23+s24+$0x0] =	vst.idx.msk vm15, v21;
	s28 =	sadd.f32 s0, s28  }
0x1f7: {  	[tilespmem:v25+s24+$0x0] =	vst.idx.msk vm15, v22  }
0x1f8: {  	[tilespmem:v26+s24+$0x0] =	vst.idx.msk vm15, v24  }
0x1f9: {  	s1 =	smov.u32 s29  }
.LBB2_17:
0x1fa: {  	_ =	sdelay $0x4  }
0x1fb: {  	[tilespmem:v20+s24+$0x0] =	vst.idx.msk @p0 vm15, v19  }
0x1fc: {  	v19 =	vld.idx.msk [tilespmem:v18+s23+$0x0], $0xffff;
	_ =	sdelay $0x4  }
0x1fd: {  	vm0 =	vgt.f32 v19, $0.0e+00  }
0x1fe: {  	v19 =	vsel vm0, $0x3F800000, v0  }
0x1ff: {  	(xrf2) =	vadd.scan.msk.f32 $0xffff, v19;
	_ =	sdelay $0x1  }
0x200: {  	vm2 =	vlt.s32 v18, $0x1388;
	vm1 =	vmneg vm0  }
0x201: {  	vm1 =	vmand vm2, vm1  }
0x202: {  	v19 =	vsel vm1, $0x3F800000, v0  }
0x203: {  	(xrf2) =	vadd.scan.msk.f32 $0xffff, v19;
	_ =	sdelay $0x4  }
0x204: {  	v19, _, _ =	vpop (xrf2)  }
0x205: {  	v56 =	vadd.f32 s1, v19  }
0x206: {  	v18 =	vld.idx.msk [tilespmem:v18+s15+$0x0], $0xffff  }
0x207: {  	v20 =	vadd.f32 $-1.000000000e+00, v56  }
0x208: {  	s0 =	sadd.f32 s26, s28  }
0x209: {  	v21, _, _ =	vpop (xrf2);
	v22 =	vtrunc.f32 v20  }
0x20a: {  	(v2sf) =	vpush v19, $0xF;
	v19 =	vadd.f32 s0, v21;
	v22 =	vcvt.f32.s32 v22;
	_ =	sdelay $0x1  }
0x20b: {  	vm2 =	vlt.f32 v20, $1.000000000e+02;
	v19 =	vadd.f32 $-1.000000000e+00, v19;
	v57 =	vmul.u32 $0x5, v22  }
0x20c: {  	vm0 =	vmand vm0, vm2  }
0x20d: {  	v59 =	vld.idx.msk [tilespmem:v18+s16+$0x0], $0xffff;
	v58 =	vtrunc.f32 v19;
	v20 =	vnsel vm0, $0x0, v57  }
0x20e: {  	v23 =	vld.idx.msk [tilespmem:v18+s11+$0x0], $0xffff;
	(v2sf) =	vpush v21, $0xF;
	v21 =	vcvt.f32.s32 v58;
	v24 =	vadd.s32 $0x1, v20  }
0x20f: {  	v25 =	vld.idx.msk [tilespmem:v18+s12+$0x0], $0xffff;
	v26 =	vadd.s32 $0x2, v20  }
0x210: {  	v60 =	vld.idx.msk [tilespmem:v18+s13+$0x0], $0xffff;
	vm2 =	vlt.f32 v19, $1.000000000e+02;
	v19 =	vmul.u32 $0x5, v21;
	v27 =	vadd.s32 $0x3, v20  }
0x211: {  	v18 =	vld.idx.msk [tilespmem:v18+s14+$0x0], $0xffff;
	vm1 =	vmand vm1, vm2;
	v28 =	vadd.s32 $0x4, v20  }
0x212: {  	v19 =	vnsel vm1, $0x0, v19;
	[tilespmem:v20+s24+$0x0] =	vst.idx.msk vm0, v59  }
0x213: {  	v61 =	vadd.s32 $0x1, v19;
	[tilespmem:v24+s24+$0x0] =	vst.idx.msk vm0, v23  }
0x214: {  	v62 =	vadd.s32 $0x2, v19;
	[tilespmem:v26+s24+$0x0] =	vst.idx.msk vm0, v25  }
0x215: {  	v63 =	vadd.s32 $0x3, v19;
	[tilespmem:v27+s24+$0x0] =	vst.idx.msk vm0, v60  }
0x216: {  	[tilespmem:v28+s24+$0x0] =	vst.idx.msk vm0, v18  }
0x217: {  	[tilespmem:v19+s24+$0x0] =	vst.idx.msk vm1, v59  }
0x218: {  	[tilespmem:v61+s24+$0x0] =	vst.idx.msk vm1, v23  }
0x219: {  	s10 =	sadd.s32 $0x1, s10;
	[tilespmem:v62+s24+$0x0] =	vst.idx.msk vm1, v25  }
0x21a: {  	p0 =	sne.s32 s10, s9;
	[tilespmem:v63+s24+$0x0] =	vst.idx.msk vm1, v60  }
0x21b: {  	[hbm4b:s3+s16] =	stream.linear.scatter [tilespmem:s24], [sflag:$0x2], $0x200, $0x38;
	[tilespmem:$0x9080] =	vst v63  }
.Ltmp12:
0x21c: {  	s30 =	spop (v2sf);
	(pc) =	sbr.rel @p0 .LBB2_2-.Ltmp12, $4  }
.Ltmp13:
0x21d: {  	s31 =	spop (v2sf);
	(pc) =	sbr.rel @!p0 .LBB2_18-.Ltmp13, $4  }
0x21e: {  	_ =	swait.ge [sflag:s25], $0x200  }
0x21f: {  	[sflag:s25] =	ssyncset.done $0x0  }
0x220: {  	vm2 =	vcmask $0x3F08;
	vm1 =	vcmask $0x3F04;
	[sflag:s25] =	ssyncadd.s32 $0xFFFFFE00  }
0x221: {  	_ = 	snop  }
.LBB2_12:
.Ltmp14:
0x222: {  	(pc) =	sbr.rel .LBB2_17-.Ltmp14, $2  }
0x223: {  	_ =	sdelay $0x2  }
0x224: {  	s28 =	simm.f32 $0.0e+00  }
.LBB2_14:
.Ltmp15:
0x225: {  	(pc) =	sbr.rel .LBB2_17-.Ltmp15, $2  }
0x226: {  	_ =	sdelay $0x2  }
0x227: {  	s1 =	smov.u32 s29  }
.Lfunc_end2:
_tile_overlayer_lowered:
.L_overlay_start_2:
0x228: {  	(tag) =	ssettag $0x2  }
0x229: {  	s0 =	rddreg [dreg:$0x0];
	s2 =	stileid.u32  }
0x22a: {  	s1 =	rddreg [dreg:$0x1];
	p0 =	sne.s32 s2, $0x0  }
0x22b: {  	s3 =	rddreg [dreg:$0x2];
	[bflag:$0x3] =	sbarrier.arrive $0xFFFF;
	s2 =	simm.s32 @!p0 $0x1C02  }
0x22c: {  	[timem:s3], [sflag:s2] =	dma.local @!p0 [hbm:s0], s1  }
0x22d: {  	s0 =	simm.s32 @!p0 $0x2  }
0x22e: {  	_ =	swait.ge @!p0 [sflag:s0], s1  }
0x22f: {  	s1 =	ssub.s32 @!p0 $0x0, s1;
	[sflag:s0] =	ssyncset.done @!p0 $0x0  }
0x230: {  	[sflag:s0] =	ssyncadd.s32 @!p0 s1  }
0x231: {  	[bflag:$0x3] =	sbarrier.arrive $0xFFFF  }
0x232: {  	_ =	shalt  }

</sc_bundles>
